<compile_context>
chip_gen: v7x
topology: tpu7x:2x2x1
jax: 0.10.2.dev20260603
libtpu: 0.0.44.dev20260713+nightly
codegen_flags: <defaults>
</compile_context>

<pallas_src>
import functools

import jax
import jax.numpy as jnp
from jax import lax
from jax.experimental import pallas as pl
from jax.experimental.pallas import tpu as pltpu
from jax.experimental.pallas import tpu_sc as plsc

N_FIELDS = 26
VOCAB = 100000
DIM = 16
BATCH = 16384

NC = 2
NS = 16
NW = NC * NS
B_PER_W = BATCH // NW
CHUNK = 128
NCH = B_PER_W // CHUNK
FC = N_FIELDS * CHUNK
L = 16


@functools.partial(
    pl.kernel,
    mesh=plsc.VectorSubcoreMesh(core_axis_name="c", subcore_axis_name="s"),
    compiler_params=pltpu.CompilerParams(
        needs_layout_passes=False, use_tc_tiling_on_sc=False),
    out_type=jax.ShapeDtypeStruct((BATCH,), jnp.float32),
    scratch_types=[
        pltpu.VMEM((FC // 128, 128), jnp.int32),
        pltpu.VMEM((FC, DIM), jnp.float32),
        pltpu.VMEM((FC,), jnp.float32),
        pltpu.VMEM((CHUNK,), jnp.float32),
        pltpu.SemaphoreType.DMA,
        pltpu.SemaphoreType.DMA,
    ],
)
def _fm_sc(x_hbm, emb_hbm, lin_hbm, out_hbm,
           idx_v, emb_v, lin_v, outb_v, sem_e, sem_l):
    wid = lax.axis_index("s") * NC + lax.axis_index("c")
    lane = lax.iota(jnp.int32, L)
    lane_f = lane * N_FIELDS

    NR = FC // 128

    for c in range(NCH):
        base = wid * B_PER_W + c * CHUNK
        pltpu.sync_copy(x_hbm.at[pl.ds(wid * (NCH * NR) + c * NR, NR)], idx_v)

        def fire(r, _):
            pltpu.async_copy(emb_hbm.at[idx_v.at[r]],
                             emb_v.at[pl.ds(r * 128, 128)], sem_e)
            pltpu.async_copy(lin_hbm.at[idx_v.at[r]],
                             lin_v.at[pl.ds(r * 128, 128)], sem_l)
            return 0

        lax.fori_loop(0, NR, fire, 0)

        def drain(r, _):
            pltpu.make_async_copy(emb_hbm.at[idx_v.at[r]],
                                  emb_v.at[pl.ds(r * 128, 128)], sem_e).wait()
            pltpu.make_async_copy(lin_hbm.at[idx_v.at[r]],
                                  lin_v.at[pl.ds(r * 128, 128)], sem_l).wait()
            return 0

        lax.fori_loop(0, NR, drain, 0)

        def group_body(g, _):
            s0f = g * (L * N_FIELDS)
            zero = jnp.zeros((L,), jnp.float32)

            def dim_body(d, carry):
                cross, ssq = carry
                dcol = jnp.full((L,), d, jnp.int32)
                sd = zero
                for f in range(N_FIELDS):
                    rows = lane_f + (s0f + f)
                    v = plsc.load_gather(emb_v, [rows, dcol])
                    sd = sd + v
                    ssq = ssq + v * v
                return cross + sd * sd, ssq

            cross, ssq = lax.fori_loop(0, DIM, dim_body, (zero, zero))
            res = (cross - ssq) * 0.5
            for f in range(N_FIELDS):
                rows = lane_f + (s0f + f)
                res = res + plsc.load_gather(lin_v, [rows])
            outb_v[pl.ds(g * L, L)] = 1.0 / (1.0 + jnp.exp(-res))
            return 0

        lax.fori_loop(0, CHUNK // L, group_body, 0)
        plsc.subcore_barrier()
        pltpu.sync_copy(outb_v, out_hbm.at[pl.ds(base, CHUNK)])


def kernel(x, emb_table, lin_table):
    offsets = (jnp.arange(N_FIELDS) * VOCAB).astype(x.dtype)
    flat = (x + offsets[None, :]).astype(jnp.int32).reshape(-1, 128)
    scale = emb_table[0, 0] * 0.0 + 1.0
    lin_flat = lin_table.reshape(-1) * scale
    out = _fm_sc(flat, emb_table, lin_flat)
    return out.reshape(BATCH, 1)

# --- scband reference (transcript-rebuilt; emitter-appended) ---
"""Pipeline reference for scband-fm-53996328845329 (READ-ONLY COPY).

The authoritative reference and input builder live on the scoring server;
editing this copy changes nothing except your own understanding.
"""

import jax, jax.numpy as jnp
import numpy as np

N_FIELDS = 26
VOCAB = 100000
DIM = 16
BATCH = 16384


def setup_inputs(seed: int = 0) -> dict:
    key = jax.random.key(seed)
    k1, k2, k3 = jax.random.split(key, 3)
    x = jax.random.randint(k1, (BATCH, N_FIELDS), 0, VOCAB)
    emb_table = jax.random.normal(k2, (N_FIELDS * VOCAB, DIM), dtype=jnp.float32) * 0.01
    lin_table = jax.random.normal(k3, (N_FIELDS * VOCAB, 1), dtype=jnp.float32) * 0.01
    return {"x": x, "emb_table": emb_table, "lin_table": lin_table}


def reference(x, emb_table, lin_table):
    # GroupEmbedding: one embedding table per field, fused into a single flat table
    # with per-field row offsets.
    offsets = (jnp.arange(N_FIELDS) * VOCAB).astype(x.dtype)
    flat_idx = x + offsets[None, :]  # [B, F]

    # LinearModel: per-field scalar weights (dim-1 embedding lookup), no bias.
    lin = jnp.take(lin_table, flat_idx, axis=0)  # [B, F, 1]
    logits = jnp.sum(lin, axis=1)  # [B, 1]

    # GroupEmbedding lookup: [B, F, D]
    embed = jnp.take(emb_table, flat_idx, axis=0)

    # FM second-order cross term
    square_of_sum = jnp.sum(embed, axis=1, keepdims=True) ** 2  # [B, 1, D]
    sum_of_square = jnp.sum(embed * embed, axis=1, keepdims=True)  # [B, 1, D]
    cross_term = square_of_sum - sum_of_square
    cross_term = 0.5 * jnp.sum(cross_term, axis=2)  # [B, 1]

    logits = logits + cross_term
    # Prediction: sigmoid for binary CTR output
    return jax.nn.sigmoid(logits)

if __name__ == "__main__":
    import jax
    _d = setup_inputs()
    print(jax.jit(kernel)(*tuple(_d.values())))

</pallas_src>

<mosaic_0001>
#map = affine_map<(d0, d1) -> (0, 0)>
#map1 = affine_map<(d0, d1) -> (0)>
module attributes {stable_mosaic.version = 14 : i64} {
  func.func @_fm_sc(%arg0: i32, %arg1: i32, %arg2: memref<3328x128xi32, #tpu.memory_space<hbm>>, %arg3: memref<2600000x16xf32, #tpu.memory_space<hbm>>, %arg4: memref<2600000xf32, #tpu.memory_space<hbm>>, %arg5: memref<16384xf32, #tpu.memory_space<hbm>>, %arg6: memref<26x128xi32, #tpu.memory_space<vmem>>, %arg7: memref<3328x16xf32, #tpu.memory_space<vmem>>, %arg8: memref<3328xf32, #tpu.memory_space<vmem>>, %arg9: memref<128xf32, #tpu.memory_space<vmem>>, %arg10: memref<!tpu.dma_semaphore, #tpu.memory_space<semaphore_mem>>, %arg11: memref<!tpu.dma_semaphore, #tpu.memory_space<semaphore_mem>>) attributes {dimension_semantics = [#tpu.dimension_semantics<core_parallel>, #tpu.dimension_semantics<subcore_parallel>], iteration_bounds = array<i64: 2, 16>, scalar_prefetch = 0 : i64, scratch_operands = 6 : i64, tpu.core_type = #tpu.core_type<sc_vector_subcore>, window_params = [{transform_indices = #map}, {transform_indices = #map}, {transform_indices = #map1}, {transform_indices = #map1}]} {
    %mul3A = arith.constant 2 : i32
    %mul3A_0 = arith.muli %arg1, %mul3A : i32
    %add3A = arith.addi %mul3A_0, %arg0 : i32
    %iota3A = tpu.iota {dimensions = array<i32: 0>} : vector<16xi32>
    %mul3A_1 = arith.constant 26 : i32
    %mul3A_2 = vector.broadcast %mul3A_1 : i32 to vector<16xi32>
    %mul3A_3 = arith.muli %iota3A, %mul3A_2 : vector<16xi32>
    %mul3A_4 = arith.constant 512 : i32
    %mul3A_5 = arith.muli %add3A, %mul3A_4 : i32
    %add3A_6 = arith.constant 0 : i32
    %add3A_7 = arith.addi %mul3A_5, %add3A_6 : i32
    %mul3A_8 = arith.constant 104 : i32
    %mul3A_9 = arith.muli %add3A, %mul3A_8 : i32
    %add3A_10 = arith.constant 0 : i32
    %add3A_11 = arith.addi %mul3A_9, %add3A_10 : i32
    "tpu.region"() ({
      %run_scoped3A = tpu.sem_alloc : memref<!tpu.dma_semaphore, #tpu.memory_space<semaphore_mem>>
      %dma_start3A = arith.constant 0 : i32
      %dma_start3A_122 = tpu.memref_slice %arg2[%add3A_11, %dma_start3A] : memref<3328x128xi32, #tpu.memory_space<hbm>> -> memref<26x128xi32, #tpu.memory_space<hbm>>
      %dma_start3A_123 = arith.constant 0 : i32
      %dma_start3A_124 = tpu.memref_slice %arg2[%add3A_11, %dma_start3A_123] : memref<3328x128xi32, #tpu.memory_space<hbm>> -> memref<26x128xi32, #tpu.memory_space<hbm>>
      tpu.enqueue_dma source(%dma_start3A_124 : memref<26x128xi32, #tpu.memory_space<hbm>>) target(%arg6 : memref<26x128xi32, #tpu.memory_space<vmem>>) target_semaphore(%run_scoped3A : memref<!tpu.dma_semaphore, #tpu.memory_space<semaphore_mem>>)
      %dma_wait3A = arith.constant 0 : i32
      %dma_wait3A_125 = tpu.memref_slice %arg2[%add3A_11, %dma_wait3A] : memref<3328x128xi32, #tpu.memory_space<hbm>> -> memref<26x128xi32, #tpu.memory_space<hbm>>
      %dma_wait3A_126 = arith.constant 0 : i32
      %dma_wait3A_127 = tpu.memref_slice %arg2[%add3A_11, %dma_wait3A_126] : memref<3328x128xi32, #tpu.memory_space<hbm>> -> memref<26x128xi32, #tpu.memory_space<hbm>>
      tpu.wait_dma2 semaphore(%run_scoped3A : memref<!tpu.dma_semaphore, #tpu.memory_space<semaphore_mem>>) src(%dma_wait3A_127 : memref<26x128xi32, #tpu.memory_space<hbm>>) dst(%arg6 : memref<26x128xi32, #tpu.memory_space<vmem>>)
      tpu.yield
    }) : () -> ()
    %scan3A = arith.constant 0 : i32
    %scan3A_12 = arith.constant 0 : i32
    %scan3A_13 = arith.constant 26 : i32
    %scan3A_14 = arith.addi %scan3A_12, %scan3A_13 : i32
    %scan3A_15 = arith.constant 1 : i32
    %scan3A_16 = scf.for %scan3A_122 = %scan3A_12 to %scan3A_14 step %scan3A_15 iter_args(%scan3A_123 = %scan3A) -> (i32)  : i32 {
      %mul3A_124 = arith.constant 128 : i32
      %mul3A_125 = arith.muli %scan3A_122, %mul3A_124 : i32
      %dma_start3A = arith.constant 0 : i32
      %dma_start3A_126 = tpu.memref_slice %arg7[%mul3A_125, %dma_start3A] : memref<3328x16xf32, #tpu.memory_space<vmem>> -> memref<128x16xf32, #tpu.memory_space<vmem>>
      %dma_start3A_127 = arith.constant 0 : i32
      %dma_start3A_128 = tpu.memref_slice %arg6[%scan3A_122, %dma_start3A_127] : memref<26x128xi32, #tpu.memory_space<vmem>> -> memref<1x128xi32, #tpu.memory_space<vmem>>
      %dma_start3A_129 = tpu.memref_squeeze %dma_start3A_128 : memref<1x128xi32, #tpu.memory_space<vmem>> -> memref<128xi32, #tpu.memory_space<vmem>>
      %dma_start3A_130 = arith.constant 0 : i32
      %dma_start3A_131 = arith.constant 0 : i32
      %dma_start3A_132 = tpu.memref_slice %arg3[%dma_start3A_130, %dma_start3A_131] : memref<2600000x16xf32, #tpu.memory_space<hbm>> -> memref<2600000x16xf32, #tpu.memory_space<hbm>>
      tpu.enqueue_indirect_dma source(%dma_start3A_132 : memref<2600000x16xf32, #tpu.memory_space<hbm>>) target(%dma_start3A_126 : memref<128x16xf32, #tpu.memory_space<vmem>>) offsets(%dma_start3A_129 : memref<128xi32, #tpu.memory_space<vmem>>) semaphore(%arg10 : memref<!tpu.dma_semaphore, #tpu.memory_space<semaphore_mem>>)
      %mul3A_133 = arith.constant 128 : i32
      %mul3A_134 = arith.muli %scan3A_122, %mul3A_133 : i32
      %dma_start3A_135 = tpu.memref_slice %arg8[%mul3A_134] : memref<3328xf32, #tpu.memory_space<vmem>> -> memref<128xf32, #tpu.memory_space<vmem>>
      %dma_start3A_136 = arith.constant 0 : i32
      %dma_start3A_137 = tpu.memref_slice %arg6[%scan3A_122, %dma_start3A_136] : memref<26x128xi32, #tpu.memory_space<vmem>> -> memref<1x128xi32, #tpu.memory_space<vmem>>
      %dma_start3A_138 = tpu.memref_squeeze %dma_start3A_137 : memref<1x128xi32, #tpu.memory_space<vmem>> -> memref<128xi32, #tpu.memory_space<vmem>>
      %dma_start3A_139 = arith.constant 0 : i32
      %dma_start3A_140 = tpu.memref_slice %arg4[%dma_start3A_139] : memref<2600000xf32, #tpu.memory_space<hbm>> -> memref<2600000xf32, #tpu.memory_space<hbm>>
      tpu.enqueue_indirect_dma source(%dma_start3A_140 : memref<2600000xf32, #tpu.memory_space<hbm>>) target(%dma_start3A_135 : memref<128xf32, #tpu.memory_space<vmem>>) offsets(%dma_start3A_138 : memref<128xi32, #tpu.memory_space<vmem>>) semaphore(%arg11 : memref<!tpu.dma_semaphore, #tpu.memory_space<semaphore_mem>>)
      %scan3A_141 = arith.constant 0 : i32
      scf.yield %scan3A_141 : i32
    }
    %scan3A_17 = arith.constant 26 : i32
    %scan3A_18 = arith.constant 0 : i32
    %scan3A_19 = arith.constant 0 : i32
    %scan3A_20 = arith.constant 26 : i32
    %scan3A_21 = arith.addi %scan3A_19, %scan3A_20 : i32
    %scan3A_22 = arith.constant 1 : i32
    %scan3A_23 = scf.for %scan3A_122 = %scan3A_19 to %scan3A_21 step %scan3A_22 iter_args(%scan3A_123 = %scan3A_18) -> (i32)  : i32 {
      %mul3A_124 = arith.constant 128 : i32
      %mul3A_125 = arith.muli %scan3A_122, %mul3A_124 : i32
      %dma_wait3A = arith.constant 0 : i32
      %dma_wait3A_126 = tpu.memref_slice %arg7[%mul3A_125, %dma_wait3A] : memref<3328x16xf32, #tpu.memory_space<vmem>> -> memref<128x16xf32, #tpu.memory_space<vmem>>
      %dma_wait3A_127 = arith.constant 0 : i32
      %dma_wait3A_128 = tpu.memref_slice %arg6[%scan3A_122, %dma_wait3A_127] : memref<26x128xi32, #tpu.memory_space<vmem>> -> memref<1x128xi32, #tpu.memory_space<vmem>>
      %dma_wait3A_129 = tpu.memref_squeeze %dma_wait3A_128 : memref<1x128xi32, #tpu.memory_space<vmem>> -> memref<128xi32, #tpu.memory_space<vmem>>
      %dma_wait3A_130 = arith.constant 0 : i32
      %dma_wait3A_131 = arith.constant 0 : i32
      %dma_wait3A_132 = tpu.memref_slice %arg3[%dma_wait3A_130, %dma_wait3A_131] : memref<2600000x16xf32, #tpu.memory_space<hbm>> -> memref<2600000x16xf32, #tpu.memory_space<hbm>>
      tpu.wait_indirect_dma semaphore(%arg10 : memref<!tpu.dma_semaphore, #tpu.memory_space<semaphore_mem>>) src(%dma_wait3A_132 : memref<2600000x16xf32, #tpu.memory_space<hbm>>) dst(%dma_wait3A_126 : memref<128x16xf32, #tpu.memory_space<vmem>>)
      %mul3A_133 = arith.constant 128 : i32
      %mul3A_134 = arith.muli %scan3A_122, %mul3A_133 : i32
      %dma_wait3A_135 = tpu.memref_slice %arg8[%mul3A_134] : memref<3328xf32, #tpu.memory_space<vmem>> -> memref<128xf32, #tpu.memory_space<vmem>>
      %dma_wait3A_136 = arith.constant 0 : i32
      %dma_wait3A_137 = tpu.memref_slice %arg6[%scan3A_122, %dma_wait3A_136] : memref<26x128xi32, #tpu.memory_space<vmem>> -> memref<1x128xi32, #tpu.memory_space<vmem>>
      %dma_wait3A_138 = tpu.memref_squeeze %dma_wait3A_137 : memref<1x128xi32, #tpu.memory_space<vmem>> -> memref<128xi32, #tpu.memory_space<vmem>>
      %dma_wait3A_139 = arith.constant 0 : i32
      %dma_wait3A_140 = tpu.memref_slice %arg4[%dma_wait3A_139] : memref<2600000xf32, #tpu.memory_space<hbm>> -> memref<2600000xf32, #tpu.memory_space<hbm>>
      tpu.wait_indirect_dma semaphore(%arg11 : memref<!tpu.dma_semaphore, #tpu.memory_space<semaphore_mem>>) src(%dma_wait3A_140 : memref<2600000xf32, #tpu.memory_space<hbm>>) dst(%dma_wait3A_135 : memref<128xf32, #tpu.memory_space<vmem>>)
      %scan3A_141 = arith.constant 0 : i32
      scf.yield %scan3A_141 : i32
    }
    %scan3A_24 = arith.constant 26 : i32
    %scan3A_25 = arith.constant 0 : i32
    %scan3A_26 = arith.constant 0 : i32
    %scan3A_27 = arith.constant 8 : i32
    %scan3A_28 = arith.addi %scan3A_26, %scan3A_27 : i32
    %scan3A_29 = arith.constant 1 : i32
    %scan3A_30 = scf.for %scan3A_122 = %scan3A_26 to %scan3A_28 step %scan3A_29 iter_args(%scan3A_123 = %scan3A_25) -> (i32)  : i32 {
      %mul3A_124 = arith.constant 416 : i32
      %mul3A_125 = arith.muli %scan3A_122, %mul3A_124 : i32
      %broadcast_in_dim3A = arith.constant 0.000000e+00 : f32
      %broadcast_in_dim3A_126 = vector.broadcast %broadcast_in_dim3A : f32 to vector<16xf32>
      %scan3A_127 = arith.constant 0 : i32
      %scan3A_128 = arith.constant 16 : i32
      %scan3A_129 = arith.addi %scan3A_127, %scan3A_128 : i32
      %scan3A_130 = arith.constant 1 : i32
      %scan3A_131:2 = scf.for %scan3A_302 = %scan3A_127 to %scan3A_129 step %scan3A_130 iter_args(%scan3A_303 = %broadcast_in_dim3A_126, %scan3A_304 = %broadcast_in_dim3A_126) -> (vector<16xf32>, vector<16xf32>)  : i32 {
        %broadcast_in_dim3A_305 = vector.broadcast %scan3A_302 : i32 to vector<16xi32>
        %add3A_306 = arith.constant 0 : i32
        %add3A_307 = arith.addi %mul3A_125, %add3A_306 : i32
        %add3A_308 = vector.broadcast %add3A_307 : i32 to vector<16xi32>
        %add3A_309 = arith.addi %mul3A_3, %add3A_308 : vector<16xi32>
        %gather3A_310 = tpu.vector_load_idx %arg7[%add3A_309, %broadcast_in_dim3A_305] : memref<3328x16xf32, #tpu.memory_space<vmem>>[vector<16xi32>, vector<16xi32>], vector<16xf32>,
        %add3A_311 = arith.addf %broadcast_in_dim3A_126, %gather3A_310 : vector<16xf32>
        %mul3A_312 = arith.mulf %gather3A_310, %gather3A_310 : vector<16xf32>
        %add3A_313 = arith.addf %scan3A_304, %mul3A_312 : vector<16xf32>
        %add3A_314 = arith.constant 1 : i32
        %add3A_315 = arith.addi %mul3A_125, %add3A_314 : i32
        %add3A_316 = vector.broadcast %add3A_315 : i32 to vector<16xi32>
        %add3A_317 = arith.addi %mul3A_3, %add3A_316 : vector<16xi32>
        %gather3A_318 = tpu.vector_load_idx %arg7[%add3A_317, %broadcast_in_dim3A_305] : memref<3328x16xf32, #tpu.memory_space<vmem>>[vector<16xi32>, vector<16xi32>], vector<16xf32>,
        %add3A_319 = arith.addf %add3A_311, %gather3A_318 : vector<16xf32>
        %mul3A_320 = arith.mulf %gather3A_318, %gather3A_318 : vector<16xf32>
        %add3A_321 = arith.addf %add3A_313, %mul3A_320 : vector<16xf32>
        %add3A_322 = arith.constant 2 : i32
        %add3A_323 = arith.addi %mul3A_125, %add3A_322 : i32
        %add3A_324 = vector.broadcast %add3A_323 : i32 to vector<16xi32>
        %add3A_325 = arith.addi %mul3A_3, %add3A_324 : vector<16xi32>
        %gather3A_326 = tpu.vector_load_idx %arg7[%add3A_325, %broadcast_in_dim3A_305] : memref<3328x16xf32, #tpu.memory_space<vmem>>[vector<16xi32>, vector<16xi32>], vector<16xf32>,
        %add3A_327 = arith.addf %add3A_319, %gather3A_326 : vector<16xf32>
        %mul3A_328 = arith.mulf %gather3A_326, %gather3A_326 : vector<16xf32>
        %add3A_329 = arith.addf %add3A_321, %mul3A_328 : vector<16xf32>
        %add3A_330 = arith.constant 3 : i32
        %add3A_331 = arith.addi %mul3A_125, %add3A_330 : i32
        %add3A_332 = vector.broadcast %add3A_331 : i32 to vector<16xi32>
        %add3A_333 = arith.addi %mul3A_3, %add3A_332 : vector<16xi32>
        %gather3A_334 = tpu.vector_load_idx %arg7[%add3A_333, %broadcast_in_dim3A_305] : memref<3328x16xf32, #tpu.memory_space<vmem>>[vector<16xi32>, vector<16xi32>], vector<16xf32>,
        %add3A_335 = arith.addf %add3A_327, %gather3A_334 : vector<16xf32>
        %mul3A_336 = arith.mulf %gather3A_334, %gather3A_334 : vector<16xf32>
        %add3A_337 = arith.addf %add3A_329, %mul3A_336 : vector<16xf32>
        %add3A_338 = arith.constant 4 : i32
        %add3A_339 = arith.addi %mul3A_125, %add3A_338 : i32
        %add3A_340 = vector.broadcast %add3A_339 : i32 to vector<16xi32>
        %add3A_341 = arith.addi %mul3A_3, %add3A_340 : vector<16xi32>
        %gather3A_342 = tpu.vector_load_idx %arg7[%add3A_341, %broadcast_in_dim3A_305] : memref<3328x16xf32, #tpu.memory_space<vmem>>[vector<16xi32>, vector<16xi32>], vector<16xf32>,
        %add3A_343 = arith.addf %add3A_335, %gather3A_342 : vector<16xf32>
        %mul3A_344 = arith.mulf %gather3A_342, %gather3A_342 : vector<16xf32>
        %add3A_345 = arith.addf %add3A_337, %mul3A_344 : vector<16xf32>
        %add3A_346 = arith.constant 5 : i32
        %add3A_347 = arith.addi %mul3A_125, %add3A_346 : i32
        %add3A_348 = vector.broadcast %add3A_347 : i32 to vector<16xi32>
        %add3A_349 = arith.addi %mul3A_3, %add3A_348 : vector<16xi32>
        %gather3A_350 = tpu.vector_load_idx %arg7[%add3A_349, %broadcast_in_dim3A_305] : memref<3328x16xf32, #tpu.memory_space<vmem>>[vector<16xi32>, vector<16xi32>], vector<16xf32>,
        %add3A_351 = arith.addf %add3A_343, %gather3A_350 : vector<16xf32>
        %mul3A_352 = arith.mulf %gather3A_350, %gather3A_350 : vector<16xf32>
        %add3A_353 = arith.addf %add3A_345, %mul3A_352 : vector<16xf32>
        %add3A_354 = arith.constant 6 : i32
        %add3A_355 = arith.addi %mul3A_125, %add3A_354 : i32
        %add3A_356 = vector.broadcast %add3A_355 : i32 to vector<16xi32>
        %add3A_357 = arith.addi %mul3A_3, %add3A_356 : vector<16xi32>
        %gather3A_358 = tpu.vector_load_idx %arg7[%add3A_357, %broadcast_in_dim3A_305] : memref<3328x16xf32, #tpu.memory_space<vmem>>[vector<16xi32>, vector<16xi32>], vector<16xf32>,
        %add3A_359 = arith.addf %add3A_351, %gather3A_358 : vector<16xf32>
        %mul3A_360 = arith.mulf %gather3A_358, %gather3A_358 : vector<16xf32>
        %add3A_361 = arith.addf %add3A_353, %mul3A_360 : vector<16xf32>
        %add3A_362 = arith.constant 7 : i32
        %add3A_363 = arith.addi %mul3A_125, %add3A_362 : i32
        %add3A_364 = vector.broadcast %add3A_363 : i32 to vector<16xi32>
        %add3A_365 = arith.addi %mul3A_3, %add3A_364 : vector<16xi32>
        %gather3A_366 = tpu.vector_load_idx %arg7[%add3A_365, %broadcast_in_dim3A_305] : memref<3328x16xf32, #tpu.memory_space<vmem>>[vector<16xi32>, vector<16xi32>], vector<16xf32>,
        %add3A_367 = arith.addf %add3A_359, %gather3A_366 : vector<16xf32>
        %mul3A_368 = arith.mulf %gather3A_366, %gather3A_366 : vector<16xf32>
        %add3A_369 = arith.addf %add3A_361, %mul3A_368 : vector<16xf32>
        %add3A_370 = arith.constant 8 : i32
        %add3A_371 = arith.addi %mul3A_125, %add3A_370 : i32
        %add3A_372 = vector.broadcast %add3A_371 : i32 to vector<16xi32>
        %add3A_373 = arith.addi %mul3A_3, %add3A_372 : vector<16xi32>
        %gather3A_374 = tpu.vector_load_idx %arg7[%add3A_373, %broadcast_in_dim3A_305] : memref<3328x16xf32, #tpu.memory_space<vmem>>[vector<16xi32>, vector<16xi32>], vector<16xf32>,
        %add3A_375 = arith.addf %add3A_367, %gather3A_374 : vector<16xf32>
        %mul3A_376 = arith.mulf %gather3A_374, %gather3A_374 : vector<16xf32>
        %add3A_377 = arith.addf %add3A_369, %mul3A_376 : vector<16xf32>
        %add3A_378 = arith.constant 9 : i32
        %add3A_379 = arith.addi %mul3A_125, %add3A_378 : i32
        %add3A_380 = vector.broadcast %add3A_379 : i32 to vector<16xi32>
        %add3A_381 = arith.addi %mul3A_3, %add3A_380 : vector<16xi32>
        %gather3A_382 = tpu.vector_load_idx %arg7[%add3A_381, %broadcast_in_dim3A_305] : memref<3328x16xf32, #tpu.memory_space<vmem>>[vector<16xi32>, vector<16xi32>], vector<16xf32>,
        %add3A_383 = arith.addf %add3A_375, %gather3A_382 : vector<16xf32>
        %mul3A_384 = arith.mulf %gather3A_382, %gather3A_382 : vector<16xf32>
        %add3A_385 = arith.addf %add3A_377, %mul3A_384 : vector<16xf32>
        %add3A_386 = arith.constant 10 : i32
        %add3A_387 = arith.addi %mul3A_125, %add3A_386 : i32
        %add3A_388 = vector.broadcast %add3A_387 : i32 to vector<16xi32>
        %add3A_389 = arith.addi %mul3A_3, %add3A_388 : vector<16xi32>
        %gather3A_390 = tpu.vector_load_idx %arg7[%add3A_389, %broadcast_in_dim3A_305] : memref<3328x16xf32, #tpu.memory_space<vmem>>[vector<16xi32>, vector<16xi32>], vector<16xf32>,
        %add3A_391 = arith.addf %add3A_383, %gather3A_390 : vector<16xf32>
        %mul3A_392 = arith.mulf %gather3A_390, %gather3A_390 : vector<16xf32>
        %add3A_393 = arith.addf %add3A_385, %mul3A_392 : vector<16xf32>
        %add3A_394 = arith.constant 11 : i32
        %add3A_395 = arith.addi %mul3A_125, %add3A_394 : i32
        %add3A_396 = vector.broadcast %add3A_395 : i32 to vector<16xi32>
        %add3A_397 = arith.addi %mul3A_3, %add3A_396 : vector<16xi32>
        %gather3A_398 = tpu.vector_load_idx %arg7[%add3A_397, %broadcast_in_dim3A_305] : memref<3328x16xf32, #tpu.memory_space<vmem>>[vector<16xi32>, vector<16xi32>], vector<16xf32>,
        %add3A_399 = arith.addf %add3A_391, %gather3A_398 : vector<16xf32>
        %mul3A_400 = arith.mulf %gather3A_398, %gather3A_398 : vector<16xf32>
        %add3A_401 = arith.addf %add3A_393, %mul3A_400 : vector<16xf32>
        %add3A_402 = arith.constant 12 : i32
        %add3A_403 = arith.addi %mul3A_125, %add3A_402 : i32
        %add3A_404 = vector.broadcast %add3A_403 : i32 to vector<16xi32>
        %add3A_405 = arith.addi %mul3A_3, %add3A_404 : vector<16xi32>
        %gather3A_406 = tpu.vector_load_idx %arg7[%add3A_405, %broadcast_in_dim3A_305] : memref<3328x16xf32, #tpu.memory_space<vmem>>[vector<16xi32>, vector<16xi32>], vector<16xf32>,
        %add3A_407 = arith.addf %add3A_399, %gather3A_406 : vector<16xf32>
        %mul3A_408 = arith.mulf %gather3A_406, %gather3A_406 : vector<16xf32>
        %add3A_409 = arith.addf %add3A_401, %mul3A_408 : vector<16xf32>
        %add3A_410 = arith.constant 13 : i32
        %add3A_411 = arith.addi %mul3A_125, %add3A_410 : i32
        %add3A_412 = vector.broadcast %add3A_411 : i32 to vector<16xi32>
        %add3A_413 = arith.addi %mul3A_3, %add3A_412 : vector<16xi32>
        %gather3A_414 = tpu.vector_load_idx %arg7[%add3A_413, %broadcast_in_dim3A_305] : memref<3328x16xf32, #tpu.memory_space<vmem>>[vector<16xi32>, vector<16xi32>], vector<16xf32>,
        %add3A_415 = arith.addf %add3A_407, %gather3A_414 : vector<16xf32>
        %mul3A_416 = arith.mulf %gather3A_414, %gather3A_414 : vector<16xf32>
        %add3A_417 = arith.addf %add3A_409, %mul3A_416 : vector<16xf32>
        %add3A_418 = arith.constant 14 : i32
        %add3A_419 = arith.addi %mul3A_125, %add3A_418 : i32
        %add3A_420 = vector.broadcast %add3A_419 : i32 to vector<16xi32>
        %add3A_421 = arith.addi %mul3A_3, %add3A_420 : vector<16xi32>
        %gather3A_422 = tpu.vector_load_idx %arg7[%add3A_421, %broadcast_in_dim3A_305] : memref<3328x16xf32, #tpu.memory_space<vmem>>[vector<16xi32>, vector<16xi32>], vector<16xf32>,
        %add3A_423 = arith.addf %add3A_415, %gather3A_422 : vector<16xf32>
        %mul3A_424 = arith.mulf %gather3A_422, %gather3A_422 : vector<16xf32>
        %add3A_425 = arith.addf %add3A_417, %mul3A_424 : vector<16xf32>
        %add3A_426 = arith.constant 15 : i32
        %add3A_427 = arith.addi %mul3A_125, %add3A_426 : i32
        %add3A_428 = vector.broadcast %add3A_427 : i32 to vector<16xi32>
        %add3A_429 = arith.addi %mul3A_3, %add3A_428 : vector<16xi32>
        %gather3A_430 = tpu.vector_load_idx %arg7[%add3A_429, %broadcast_in_dim3A_305] : memref<3328x16xf32, #tpu.memory_space<vmem>>[vector<16xi32>, vector<16xi32>], vector<16xf32>,
        %add3A_431 = arith.addf %add3A_423, %gather3A_430 : vector<16xf32>
        %mul3A_432 = arith.mulf %gather3A_430, %gather3A_430 : vector<16xf32>
        %add3A_433 = arith.addf %add3A_425, %mul3A_432 : vector<16xf32>
        %add3A_434 = arith.constant 16 : i32
        %add3A_435 = arith.addi %mul3A_125, %add3A_434 : i32
        %add3A_436 = vector.broadcast %add3A_435 : i32 to vector<16xi32>
        %add3A_437 = arith.addi %mul3A_3, %add3A_436 : vector<16xi32>
        %gather3A_438 = tpu.vector_load_idx %arg7[%add3A_437, %broadcast_in_dim3A_305] : memref<3328x16xf32, #tpu.memory_space<vmem>>[vector<16xi32>, vector<16xi32>], vector<16xf32>,
        %add3A_439 = arith.addf %add3A_431, %gather3A_438 : vector<16xf32>
        %mul3A_440 = arith.mulf %gather3A_438, %gather3A_438 : vector<16xf32>
        %add3A_441 = arith.addf %add3A_433, %mul3A_440 : vector<16xf32>
        %add3A_442 = arith.constant 17 : i32
        %add3A_443 = arith.addi %mul3A_125, %add3A_442 : i32
        %add3A_444 = vector.broadcast %add3A_443 : i32 to vector<16xi32>
        %add3A_445 = arith.addi %mul3A_3, %add3A_444 : vector<16xi32>
        %gather3A_446 = tpu.vector_load_idx %arg7[%add3A_445, %broadcast_in_dim3A_305] : memref<3328x16xf32, #tpu.memory_space<vmem>>[vector<16xi32>, vector<16xi32>], vector<16xf32>,
        %add3A_447 = arith.addf %add3A_439, %gather3A_446 : vector<16xf32>
        %mul3A_448 = arith.mulf %gather3A_446, %gather3A_446 : vector<16xf32>
        %add3A_449 = arith.addf %add3A_441, %mul3A_448 : vector<16xf32>
        %add3A_450 = arith.constant 18 : i32
        %add3A_451 = arith.addi %mul3A_125, %add3A_450 : i32
        %add3A_452 = vector.broadcast %add3A_451 : i32 to vector<16xi32>
        %add3A_453 = arith.addi %mul3A_3, %add3A_452 : vector<16xi32>
        %gather3A_454 = tpu.vector_load_idx %arg7[%add3A_453, %broadcast_in_dim3A_305] : memref<3328x16xf32, #tpu.memory_space<vmem>>[vector<16xi32>, vector<16xi32>], vector<16xf32>,
        %add3A_455 = arith.addf %add3A_447, %gather3A_454 : vector<16xf32>
        %mul3A_456 = arith.mulf %gather3A_454, %gather3A_454 : vector<16xf32>
        %add3A_457 = arith.addf %add3A_449, %mul3A_456 : vector<16xf32>
        %add3A_458 = arith.constant 19 : i32
        %add3A_459 = arith.addi %mul3A_125, %add3A_458 : i32
        %add3A_460 = vector.broadcast %add3A_459 : i32 to vector<16xi32>
        %add3A_461 = arith.addi %mul3A_3, %add3A_460 : vector<16xi32>
        %gather3A_462 = tpu.vector_load_idx %arg7[%add3A_461, %broadcast_in_dim3A_305] : memref<3328x16xf32, #tpu.memory_space<vmem>>[vector<16xi32>, vector<16xi32>], vector<16xf32>,
        %add3A_463 = arith.addf %add3A_455, %gather3A_462 : vector<16xf32>
        %mul3A_464 = arith.mulf %gather3A_462, %gather3A_462 : vector<16xf32>
        %add3A_465 = arith.addf %add3A_457, %mul3A_464 : vector<16xf32>
        %add3A_466 = arith.constant 20 : i32
        %add3A_467 = arith.addi %mul3A_125, %add3A_466 : i32
        %add3A_468 = vector.broadcast %add3A_467 : i32 to vector<16xi32>
        %add3A_469 = arith.addi %mul3A_3, %add3A_468 : vector<16xi32>
        %gather3A_470 = tpu.vector_load_idx %arg7[%add3A_469, %broadcast_in_dim3A_305] : memref<3328x16xf32, #tpu.memory_space<vmem>>[vector<16xi32>, vector<16xi32>], vector<16xf32>,
        %add3A_471 = arith.addf %add3A_463, %gather3A_470 : vector<16xf32>
        %mul3A_472 = arith.mulf %gather3A_470, %gather3A_470 : vector<16xf32>
        %add3A_473 = arith.addf %add3A_465, %mul3A_472 : vector<16xf32>
        %add3A_474 = arith.constant 21 : i32
        %add3A_475 = arith.addi %mul3A_125, %add3A_474 : i32
        %add3A_476 = vector.broadcast %add3A_475 : i32 to vector<16xi32>
        %add3A_477 = arith.addi %mul3A_3, %add3A_476 : vector<16xi32>
        %gather3A_478 = tpu.vector_load_idx %arg7[%add3A_477, %broadcast_in_dim3A_305] : memref<3328x16xf32, #tpu.memory_space<vmem>>[vector<16xi32>, vector<16xi32>], vector<16xf32>,
        %add3A_479 = arith.addf %add3A_471, %gather3A_478 : vector<16xf32>
        %mul3A_480 = arith.mulf %gather3A_478, %gather3A_478 : vector<16xf32>
        %add3A_481 = arith.addf %add3A_473, %mul3A_480 : vector<16xf32>
        %add3A_482 = arith.constant 22 : i32
        %add3A_483 = arith.addi %mul3A_125, %add3A_482 : i32
        %add3A_484 = vector.broadcast %add3A_483 : i32 to vector<16xi32>
        %add3A_485 = arith.addi %mul3A_3, %add3A_484 : vector<16xi32>
        %gather3A_486 = tpu.vector_load_idx %arg7[%add3A_485, %broadcast_in_dim3A_305] : memref<3328x16xf32, #tpu.memory_space<vmem>>[vector<16xi32>, vector<16xi32>], vector<16xf32>,
        %add3A_487 = arith.addf %add3A_479, %gather3A_486 : vector<16xf32>
        %mul3A_488 = arith.mulf %gather3A_486, %gather3A_486 : vector<16xf32>
        %add3A_489 = arith.addf %add3A_481, %mul3A_488 : vector<16xf32>
        %add3A_490 = arith.constant 23 : i32
        %add3A_491 = arith.addi %mul3A_125, %add3A_490 : i32
        %add3A_492 = vector.broadcast %add3A_491 : i32 to vector<16xi32>
        %add3A_493 = arith.addi %mul3A_3, %add3A_492 : vector<16xi32>
        %gather3A_494 = tpu.vector_load_idx %arg7[%add3A_493, %broadcast_in_dim3A_305] : memref<3328x16xf32, #tpu.memory_space<vmem>>[vector<16xi32>, vector<16xi32>], vector<16xf32>,
        %add3A_495 = arith.addf %add3A_487, %gather3A_494 : vector<16xf32>
        %mul3A_496 = arith.mulf %gather3A_494, %gather3A_494 : vector<16xf32>
        %add3A_497 = arith.addf %add3A_489, %mul3A_496 : vector<16xf32>
        %add3A_498 = arith.constant 24 : i32
        %add3A_499 = arith.addi %mul3A_125, %add3A_498 : i32
        %add3A_500 = vector.broadcast %add3A_499 : i32 to vector<16xi32>
        %add3A_501 = arith.addi %mul3A_3, %add3A_500 : vector<16xi32>
        %gather3A_502 = tpu.vector_load_idx %arg7[%add3A_501, %broadcast_in_dim3A_305] : memref<3328x16xf32, #tpu.memory_space<vmem>>[vector<16xi32>, vector<16xi32>], vector<16xf32>,
        %add3A_503 = arith.addf %add3A_495, %gather3A_502 : vector<16xf32>
        %mul3A_504 = arith.mulf %gather3A_502, %gather3A_502 : vector<16xf32>
        %add3A_505 = arith.addf %add3A_497, %mul3A_504 : vector<16xf32>
        %add3A_506 = arith.constant 25 : i32
        %add3A_507 = arith.addi %mul3A_125, %add3A_506 : i32
        %add3A_508 = vector.broadcast %add3A_507 : i32 to vector<16xi32>
        %add3A_509 = arith.addi %mul3A_3, %add3A_508 : vector<16xi32>
        %gather3A_510 = tpu.vector_load_idx %arg7[%add3A_509, %broadcast_in_dim3A_305] : memref<3328x16xf32, #tpu.memory_space<vmem>>[vector<16xi32>, vector<16xi32>], vector<16xf32>,
        %add3A_511 = arith.addf %add3A_503, %gather3A_510 : vector<16xf32>
        %mul3A_512 = arith.mulf %gather3A_510, %gather3A_510 : vector<16xf32>
        %add3A_513 = arith.addf %add3A_505, %mul3A_512 : vector<16xf32>
        %mul3A_514 = arith.mulf %add3A_511, %add3A_511 : vector<16xf32>
        %add3A_515 = arith.addf %scan3A_303, %mul3A_514 : vector<16xf32>
        scf.yield %add3A_515, %add3A_513 : vector<16xf32>, vector<16xf32>
      }
      %scan3A_132 = arith.constant 16 : i32
      %sub3A = arith.subf %scan3A_131#0, %scan3A_131#1 : vector<16xf32>
      %mul3A_133 = arith.constant 5.000000e-01 : f32
      %mul3A_134 = vector.broadcast %mul3A_133 : f32 to vector<16xf32>
      %mul3A_135 = arith.mulf %sub3A, %mul3A_134 : vector<16xf32>
      %add3A_136 = arith.constant 0 : i32
      %add3A_137 = arith.addi %mul3A_125, %add3A_136 : i32
      %add3A_138 = vector.broadcast %add3A_137 : i32 to vector<16xi32>
      %add3A_139 = arith.addi %mul3A_3, %add3A_138 : vector<16xi32>
      %gather3A = tpu.vector_load_idx %arg8[%add3A_139] : memref<3328xf32, #tpu.memory_space<vmem>>[vector<16xi32>], vector<16xf32>,
      %add3A_140 = arith.addf %mul3A_135, %gather3A : vector<16xf32>
      %add3A_141 = arith.constant 1 : i32
      %add3A_142 = arith.addi %mul3A_125, %add3A_141 : i32
      %add3A_143 = vector.broadcast %add3A_142 : i32 to vector<16xi32>
      %add3A_144 = arith.addi %mul3A_3, %add3A_143 : vector<16xi32>
      %gather3A_145 = tpu.vector_load_idx %arg8[%add3A_144] : memref<3328xf32, #tpu.memory_space<vmem>>[vector<16xi32>], vector<16xf32>,
      %add3A_146 = arith.addf %add3A_140, %gather3A_145 : vector<16xf32>
      %add3A_147 = arith.constant 2 : i32
      %add3A_148 = arith.addi %mul3A_125, %add3A_147 : i32
      %add3A_149 = vector.broadcast %add3A_148 : i32 to vector<16xi32>
      %add3A_150 = arith.addi %mul3A_3, %add3A_149 : vector<16xi32>
      %gather3A_151 = tpu.vector_load_idx %arg8[%add3A_150] : memref<3328xf32, #tpu.memory_space<vmem>>[vector<16xi32>], vector<16xf32>,
      %add3A_152 = arith.addf %add3A_146, %gather3A_151 : vector<16xf32>
      %add3A_153 = arith.constant 3 : i32
      %add3A_154 = arith.addi %mul3A_125, %add3A_153 : i32
      %add3A_155 = vector.broadcast %add3A_154 : i32 to vector<16xi32>
      %add3A_156 = arith.addi %mul3A_3, %add3A_155 : vector<16xi32>
      %gather3A_157 = tpu.vector_load_idx %arg8[%add3A_156] : memref<3328xf32, #tpu.memory_space<vmem>>[vector<16xi32>], vector<16xf32>,
      %add3A_158 = arith.addf %add3A_152, %gather3A_157 : vector<16xf32>
      %add3A_159 = arith.constant 4 : i32
      %add3A_160 = arith.addi %mul3A_125, %add3A_159 : i32
      %add3A_161 = vector.broadcast %add3A_160 : i32 to vector<16xi32>
      %add3A_162 = arith.addi %mul3A_3, %add3A_161 : vector<16xi32>
      %gather3A_163 = tpu.vector_load_idx %arg8[%add3A_162] : memref<3328xf32, #tpu.memory_space<vmem>>[vector<16xi32>], vector<16xf32>,
      %add3A_164 = arith.addf %add3A_158, %gather3A_163 : vector<16xf32>
      %add3A_165 = arith.constant 5 : i32
      %add3A_166 = arith.addi %mul3A_125, %add3A_165 : i32
      %add3A_167 = vector.broadcast %add3A_166 : i32 to vector<16xi32>
      %add3A_168 = arith.addi %mul3A_3, %add3A_167 : vector<16xi32>
      %gather3A_169 = tpu.vector_load_idx %arg8[%add3A_168] : memref<3328xf32, #tpu.memory_space<vmem>>[vector<16xi32>], vector<16xf32>,
      %add3A_170 = arith.addf %add3A_164, %gather3A_169 : vector<16xf32>
      %add3A_171 = arith.constant 6 : i32
      %add3A_172 = arith.addi %mul3A_125, %add3A_171 : i32
      %add3A_173 = vector.broadcast %add3A_172 : i32 to vector<16xi32>
      %add3A_174 = arith.addi %mul3A_3, %add3A_173 : vector<16xi32>
      %gather3A_175 = tpu.vector_load_idx %arg8[%add3A_174] : memref<3328xf32, #tpu.memory_space<vmem>>[vector<16xi32>], vector<16xf32>,
      %add3A_176 = arith.addf %add3A_170, %gather3A_175 : vector<16xf32>
      %add3A_177 = arith.constant 7 : i32
      %add3A_178 = arith.addi %mul3A_125, %add3A_177 : i32
      %add3A_179 = vector.broadcast %add3A_178 : i32 to vector<16xi32>
      %add3A_180 = arith.addi %mul3A_3, %add3A_179 : vector<16xi32>
      %gather3A_181 = tpu.vector_load_idx %arg8[%add3A_180] : memref<3328xf32, #tpu.memory_space<vmem>>[vector<16xi32>], vector<16xf32>,
      %add3A_182 = arith.addf %add3A_176, %gather3A_181 : vector<16xf32>
      %add3A_183 = arith.constant 8 : i32
      %add3A_184 = arith.addi %mul3A_125, %add3A_183 : i32
      %add3A_185 = vector.broadcast %add3A_184 : i32 to vector<16xi32>
      %add3A_186 = arith.addi %mul3A_3, %add3A_185 : vector<16xi32>
      %gather3A_187 = tpu.vector_load_idx %arg8[%add3A_186] : memref<3328xf32, #tpu.memory_space<vmem>>[vector<16xi32>], vector<16xf32>,
      %add3A_188 = arith.addf %add3A_182, %gather3A_187 : vector<16xf32>
      %add3A_189 = arith.constant 9 : i32
      %add3A_190 = arith.addi %mul3A_125, %add3A_189 : i32
      %add3A_191 = vector.broadcast %add3A_190 : i32 to vector<16xi32>
      %add3A_192 = arith.addi %mul3A_3, %add3A_191 : vector<16xi32>
      %gather3A_193 = tpu.vector_load_idx %arg8[%add3A_192] : memref<3328xf32, #tpu.memory_space<vmem>>[vector<16xi32>], vector<16xf32>,
      %add3A_194 = arith.addf %add3A_188, %gather3A_193 : vector<16xf32>
      %add3A_195 = arith.constant 10 : i32
      %add3A_196 = arith.addi %mul3A_125, %add3A_195 : i32
      %add3A_197 = vector.broadcast %add3A_196 : i32 to vector<16xi32>
      %add3A_198 = arith.addi %mul3A_3, %add3A_197 : vector<16xi32>
      %gather3A_199 = tpu.vector_load_idx %arg8[%add3A_198] : memref<3328xf32, #tpu.memory_space<vmem>>[vector<16xi32>], vector<16xf32>,
      %add3A_200 = arith.addf %add3A_194, %gather3A_199 : vector<16xf32>
      %add3A_201 = arith.constant 11 : i32
      %add3A_202 = arith.addi %mul3A_125, %add3A_201 : i32
      %add3A_203 = vector.broadcast %add3A_202 : i32 to vector<16xi32>
      %add3A_204 = arith.addi %mul3A_3, %add3A_203 : vector<16xi32>
      %gather3A_205 = tpu.vector_load_idx %arg8[%add3A_204] : memref<3328xf32, #tpu.memory_space<vmem>>[vector<16xi32>], vector<16xf32>,
      %add3A_206 = arith.addf %add3A_200, %gather3A_205 : vector<16xf32>
      %add3A_207 = arith.constant 12 : i32
      %add3A_208 = arith.addi %mul3A_125, %add3A_207 : i32
      %add3A_209 = vector.broadcast %add3A_208 : i32 to vector<16xi32>
      %add3A_210 = arith.addi %mul3A_3, %add3A_209 : vector<16xi32>
      %gather3A_211 = tpu.vector_load_idx %arg8[%add3A_210] : memref<3328xf32, #tpu.memory_space<vmem>>[vector<16xi32>], vector<16xf32>,
      %add3A_212 = arith.addf %add3A_206, %gather3A_211 : vector<16xf32>
      %add3A_213 = arith.constant 13 : i32
      %add3A_214 = arith.addi %mul3A_125, %add3A_213 : i32
      %add3A_215 = vector.broadcast %add3A_214 : i32 to vector<16xi32>
      %add3A_216 = arith.addi %mul3A_3, %add3A_215 : vector<16xi32>
      %gather3A_217 = tpu.vector_load_idx %arg8[%add3A_216] : memref<3328xf32, #tpu.memory_space<vmem>>[vector<16xi32>], vector<16xf32>,
      %add3A_218 = arith.addf %add3A_212, %gather3A_217 : vector<16xf32>
      %add3A_219 = arith.constant 14 : i32
      %add3A_220 = arith.addi %mul3A_125, %add3A_219 : i32
      %add3A_221 = vector.broadcast %add3A_220 : i32 to vector<16xi32>
      %add3A_222 = arith.addi %mul3A_3, %add3A_221 : vector<16xi32>
      %gather3A_223 = tpu.vector_load_idx %arg8[%add3A_222] : memref<3328xf32, #tpu.memory_space<vmem>>[vector<16xi32>], vector<16xf32>,
      %add3A_224 = arith.addf %add3A_218, %gather3A_223 : vector<16xf32>
      %add3A_225 = arith.constant 15 : i32
      %add3A_226 = arith.addi %mul3A_125, %add3A_225 : i32
      %add3A_227 = vector.broadcast %add3A_226 : i32 to vector<16xi32>
      %add3A_228 = arith.addi %mul3A_3, %add3A_227 : vector<16xi32>
      %gather3A_229 = tpu.vector_load_idx %arg8[%add3A_228] : memref<3328xf32, #tpu.memory_space<vmem>>[vector<16xi32>], vector<16xf32>,
      %add3A_230 = arith.addf %add3A_224, %gather3A_229 : vector<16xf32>
      %add3A_231 = arith.constant 16 : i32
      %add3A_232 = arith.addi %mul3A_125, %add3A_231 : i32
      %add3A_233 = vector.broadcast %add3A_232 : i32 to vector<16xi32>
      %add3A_234 = arith.addi %mul3A_3, %add3A_233 : vector<16xi32>
      %gather3A_235 = tpu.vector_load_idx %arg8[%add3A_234] : memref<3328xf32, #tpu.memory_space<vmem>>[vector<16xi32>], vector<16xf32>,
      %add3A_236 = arith.addf %add3A_230, %gather3A_235 : vector<16xf32>
      %add3A_237 = arith.constant 17 : i32
      %add3A_238 = arith.addi %mul3A_125, %add3A_237 : i32
      %add3A_239 = vector.broadcast %add3A_238 : i32 to vector<16xi32>
      %add3A_240 = arith.addi %mul3A_3, %add3A_239 : vector<16xi32>
      %gather3A_241 = tpu.vector_load_idx %arg8[%add3A_240] : memref<3328xf32, #tpu.memory_space<vmem>>[vector<16xi32>], vector<16xf32>,
      %add3A_242 = arith.addf %add3A_236, %gather3A_241 : vector<16xf32>
      %add3A_243 = arith.constant 18 : i32
      %add3A_244 = arith.addi %mul3A_125, %add3A_243 : i32
      %add3A_245 = vector.broadcast %add3A_244 : i32 to vector<16xi32>
      %add3A_246 = arith.addi %mul3A_3, %add3A_245 : vector<16xi32>
      %gather3A_247 = tpu.vector_load_idx %arg8[%add3A_246] : memref<3328xf32, #tpu.memory_space<vmem>>[vector<16xi32>], vector<16xf32>,
      %add3A_248 = arith.addf %add3A_242, %gather3A_247 : vector<16xf32>
      %add3A_249 = arith.constant 19 : i32
      %add3A_250 = arith.addi %mul3A_125, %add3A_249 : i32
      %add3A_251 = vector.broadcast %add3A_250 : i32 to vector<16xi32>
      %add3A_252 = arith.addi %mul3A_3, %add3A_251 : vector<16xi32>
      %gather3A_253 = tpu.vector_load_idx %arg8[%add3A_252] : memref<3328xf32, #tpu.memory_space<vmem>>[vector<16xi32>], vector<16xf32>,
      %add3A_254 = arith.addf %add3A_248, %gather3A_253 : vector<16xf32>
      %add3A_255 = arith.constant 20 : i32
      %add3A_256 = arith.addi %mul3A_125, %add3A_255 : i32
      %add3A_257 = vector.broadcast %add3A_256 : i32 to vector<16xi32>
      %add3A_258 = arith.addi %mul3A_3, %add3A_257 : vector<16xi32>
      %gather3A_259 = tpu.vector_load_idx %arg8[%add3A_258] : memref<3328xf32, #tpu.memory_space<vmem>>[vector<16xi32>], vector<16xf32>,
      %add3A_260 = arith.addf %add3A_254, %gather3A_259 : vector<16xf32>
      %add3A_261 = arith.constant 21 : i32
      %add3A_262 = arith.addi %mul3A_125, %add3A_261 : i32
      %add3A_263 = vector.broadcast %add3A_262 : i32 to vector<16xi32>
      %add3A_264 = arith.addi %mul3A_3, %add3A_263 : vector<16xi32>
      %gather3A_265 = tpu.vector_load_idx %arg8[%add3A_264] : memref<3328xf32, #tpu.memory_space<vmem>>[vector<16xi32>], vector<16xf32>,
      %add3A_266 = arith.addf %add3A_260, %gather3A_265 : vector<16xf32>
      %add3A_267 = arith.constant 22 : i32
      %add3A_268 = arith.addi %mul3A_125, %add3A_267 : i32
      %add3A_269 = vector.broadcast %add3A_268 : i32 to vector<16xi32>
      %add3A_270 = arith.addi %mul3A_3, %add3A_269 : vector<16xi32>
      %gather3A_271 = tpu.vector_load_idx %arg8[%add3A_270] : memref<3328xf32, #tpu.memory_space<vmem>>[vector<16xi32>], vector<16xf32>,
      %add3A_272 = arith.addf %add3A_266, %gather3A_271 : vector<16xf32>
      %add3A_273 = arith.constant 23 : i32
      %add3A_274 = arith.addi %mul3A_125, %add3A_273 : i32
      %add3A_275 = vector.broadcast %add3A_274 : i32 to vector<16xi32>
      %add3A_276 = arith.addi %mul3A_3, %add3A_275 : vector<16xi32>
      %gather3A_277 = tpu.vector_load_idx %arg8[%add3A_276] : memref<3328xf32, #tpu.memory_space<vmem>>[vector<16xi32>], vector<16xf32>,
      %add3A_278 = arith.addf %add3A_272, %gather3A_277 : vector<16xf32>
      %add3A_279 = arith.constant 24 : i32
      %add3A_280 = arith.addi %mul3A_125, %add3A_279 : i32
      %add3A_281 = vector.broadcast %add3A_280 : i32 to vector<16xi32>
      %add3A_282 = arith.addi %mul3A_3, %add3A_281 : vector<16xi32>
      %gather3A_283 = tpu.vector_load_idx %arg8[%add3A_282] : memref<3328xf32, #tpu.memory_space<vmem>>[vector<16xi32>], vector<16xf32>,
      %add3A_284 = arith.addf %add3A_278, %gather3A_283 : vector<16xf32>
      %add3A_285 = arith.constant 25 : i32
      %add3A_286 = arith.addi %mul3A_125, %add3A_285 : i32
      %add3A_287 = vector.broadcast %add3A_286 : i32 to vector<16xi32>
      %add3A_288 = arith.addi %mul3A_3, %add3A_287 : vector<16xi32>
      %gather3A_289 = tpu.vector_load_idx %arg8[%add3A_288] : memref<3328xf32, #tpu.memory_space<vmem>>[vector<16xi32>], vector<16xf32>,
      %add3A_290 = arith.addf %add3A_284, %gather3A_289 : vector<16xf32>
      %neg3A = arith.constant 0.000000e+00 : f32
      %neg3A_291 = vector.broadcast %neg3A : f32 to vector<16xf32>
      %neg3A_292 = arith.subf %neg3A_291, %add3A_290 : vector<16xf32>
      %exp3A = math.exp %neg3A_292 : vector<16xf32>
      %add3A_293 = arith.constant 1.000000e+00 : f32
      %add3A_294 = vector.broadcast %add3A_293 : f32 to vector<16xf32>
      %add3A_295 = arith.addf %add3A_294, %exp3A : vector<16xf32>
      %div3A = arith.constant 1.000000e+00 : f32
      %div3A_296 = vector.broadcast %div3A : f32 to vector<16xf32>
      %div3A_297 = arith.divf %div3A_296, %add3A_295 : vector<16xf32>
      %mul3A_298 = arith.constant 16 : i32
      %mul3A_299 = arith.muli %scan3A_122, %mul3A_298 : i32
      %swap3A = arith.index_cast %mul3A_299 : i32 to index
      %swap3A_300 = tpu.vector_load %arg9[%swap3A] {strides = array<i32>} : memref<128xf32, #tpu.memory_space<vmem>>, vector<16xf32>,
      tpu.vector_store %arg9[%swap3A], %div3A_297 {strides = array<i32>} : memref<128xf32, #tpu.memory_space<vmem>>, vector<16xf32>,
      %scan3A_301 = arith.constant 0 : i32
      scf.yield %scan3A_301 : i32
    }
    %scan3A_31 = arith.constant 8 : i32
    %barrier3A = arith.constant 0 : index
    tpu.barrier barrier_id(%barrier3A)
    "tpu.region"() ({
      %run_scoped3A = tpu.sem_alloc : memref<!tpu.dma_semaphore, #tpu.memory_space<semaphore_mem>>
      %dma_start3A = tpu.memref_slice %arg5[%add3A_7] : memref<16384xf32, #tpu.memory_space<hbm>> -> memref<128xf32, #tpu.memory_space<hbm>>
      %dma_start3A_122 = tpu.memref_slice %arg5[%add3A_7] : memref<16384xf32, #tpu.memory_space<hbm>> -> memref<128xf32, #tpu.memory_space<hbm>>
      tpu.enqueue_dma source(%arg9 : memref<128xf32, #tpu.memory_space<vmem>>) target(%dma_start3A_122 : memref<128xf32, #tpu.memory_space<hbm>>) target_semaphore(%run_scoped3A : memref<!tpu.dma_semaphore, #tpu.memory_space<semaphore_mem>>)
      %dma_wait3A = tpu.memref_slice %arg5[%add3A_7] : memref<16384xf32, #tpu.memory_space<hbm>> -> memref<128xf32, #tpu.memory_space<hbm>>
      %dma_wait3A_123 = tpu.memref_slice %arg5[%add3A_7] : memref<16384xf32, #tpu.memory_space<hbm>> -> memref<128xf32, #tpu.memory_space<hbm>>
      tpu.wait_dma2 semaphore(%run_scoped3A : memref<!tpu.dma_semaphore, #tpu.memory_space<semaphore_mem>>) src(%arg9 : memref<128xf32, #tpu.memory_space<vmem>>) dst(%dma_wait3A_123 : memref<128xf32, #tpu.memory_space<hbm>>)
      tpu.yield
    }) : () -> ()
    %mul3A_32 = arith.constant 512 : i32
    %mul3A_33 = arith.muli %add3A, %mul3A_32 : i32
    %add3A_34 = arith.constant 128 : i32
    %add3A_35 = arith.addi %mul3A_33, %add3A_34 : i32
    %mul3A_36 = arith.constant 104 : i32
    %mul3A_37 = arith.muli %add3A, %mul3A_36 : i32
    %add3A_38 = arith.constant 26 : i32
    %add3A_39 = arith.addi %mul3A_37, %add3A_38 : i32
    "tpu.region"() ({
      %run_scoped3A = tpu.sem_alloc : memref<!tpu.dma_semaphore, #tpu.memory_space<semaphore_mem>>
      %dma_start3A = arith.constant 0 : i32
      %dma_start3A_122 = tpu.memref_slice %arg2[%add3A_39, %dma_start3A] : memref<3328x128xi32, #tpu.memory_space<hbm>> -> memref<26x128xi32, #tpu.memory_space<hbm>>
      %dma_start3A_123 = arith.constant 0 : i32
      %dma_start3A_124 = tpu.memref_slice %arg2[%add3A_39, %dma_start3A_123] : memref<3328x128xi32, #tpu.memory_space<hbm>> -> memref<26x128xi32, #tpu.memory_space<hbm>>
      tpu.enqueue_dma source(%dma_start3A_124 : memref<26x128xi32, #tpu.memory_space<hbm>>) target(%arg6 : memref<26x128xi32, #tpu.memory_space<vmem>>) target_semaphore(%run_scoped3A : memref<!tpu.dma_semaphore, #tpu.memory_space<semaphore_mem>>)
      %dma_wait3A = arith.constant 0 : i32
      %dma_wait3A_125 = tpu.memref_slice %arg2[%add3A_39, %dma_wait3A] : memref<3328x128xi32, #tpu.memory_space<hbm>> -> memref<26x128xi32, #tpu.memory_space<hbm>>
      %dma_wait3A_126 = arith.constant 0 : i32
      %dma_wait3A_127 = tpu.memref_slice %arg2[%add3A_39, %dma_wait3A_126] : memref<3328x128xi32, #tpu.memory_space<hbm>> -> memref<26x128xi32, #tpu.memory_space<hbm>>
      tpu.wait_dma2 semaphore(%run_scoped3A : memref<!tpu.dma_semaphore, #tpu.memory_space<semaphore_mem>>) src(%dma_wait3A_127 : memref<26x128xi32, #tpu.memory_space<hbm>>) dst(%arg6 : memref<26x128xi32, #tpu.memory_space<vmem>>)
      tpu.yield
    }) : () -> ()
    %scan3A_40 = arith.constant 0 : i32
    %scan3A_41 = arith.constant 0 : i32
    %scan3A_42 = arith.constant 26 : i32
    %scan3A_43 = arith.addi %scan3A_41, %scan3A_42 : i32
    %scan3A_44 = arith.constant 1 : i32
    %scan3A_45 = scf.for %scan3A_122 = %scan3A_41 to %scan3A_43 step %scan3A_44 iter_args(%scan3A_123 = %scan3A_40) -> (i32)  : i32 {
      %mul3A_124 = arith.constant 128 : i32
      %mul3A_125 = arith.muli %scan3A_122, %mul3A_124 : i32
      %dma_start3A = arith.constant 0 : i32
      %dma_start3A_126 = tpu.memref_slice %arg7[%mul3A_125, %dma_start3A] : memref<3328x16xf32, #tpu.memory_space<vmem>> -> memref<128x16xf32, #tpu.memory_space<vmem>>
      %dma_start3A_127 = arith.constant 0 : i32
      %dma_start3A_128 = tpu.memref_slice %arg6[%scan3A_122, %dma_start3A_127] : memref<26x128xi32, #tpu.memory_space<vmem>> -> memref<1x128xi32, #tpu.memory_space<vmem>>
      %dma_start3A_129 = tpu.memref_squeeze %dma_start3A_128 : memref<1x128xi32, #tpu.memory_space<vmem>> -> memref<128xi32, #tpu.memory_space<vmem>>
      %dma_start3A_130 = arith.constant 0 : i32
      %dma_start3A_131 = arith.constant 0 : i32
      %dma_start3A_132 = tpu.memref_slice %arg3[%dma_start3A_130, %dma_start3A_131] : memref<2600000x16xf32, #tpu.memory_space<hbm>> -> memref<2600000x16xf32, #tpu.memory_space<hbm>>
      tpu.enqueue_indirect_dma source(%dma_start3A_132 : memref<2600000x16xf32, #tpu.memory_space<hbm>>) target(%dma_start3A_126 : memref<128x16xf32, #tpu.memory_space<vmem>>) offsets(%dma_start3A_129 : memref<128xi32, #tpu.memory_space<vmem>>) semaphore(%arg10 : memref<!tpu.dma_semaphore, #tpu.memory_space<semaphore_mem>>)
      %mul3A_133 = arith.constant 128 : i32
      %mul3A_134 = arith.muli %scan3A_122, %mul3A_133 : i32
      %dma_start3A_135 = tpu.memref_slice %arg8[%mul3A_134] : memref<3328xf32, #tpu.memory_space<vmem>> -> memref<128xf32, #tpu.memory_space<vmem>>
      %dma_start3A_136 = arith.constant 0 : i32
      %dma_start3A_137 = tpu.memref_slice %arg6[%scan3A_122, %dma_start3A_136] : memref<26x128xi32, #tpu.memory_space<vmem>> -> memref<1x128xi32, #tpu.memory_space<vmem>>
      %dma_start3A_138 = tpu.memref_squeeze %dma_start3A_137 : memref<1x128xi32, #tpu.memory_space<vmem>> -> memref<128xi32, #tpu.memory_space<vmem>>
      %dma_start3A_139 = arith.constant 0 : i32
      %dma_start3A_140 = tpu.memref_slice %arg4[%dma_start3A_139] : memref<2600000xf32, #tpu.memory_space<hbm>> -> memref<2600000xf32, #tpu.memory_space<hbm>>
      tpu.enqueue_indirect_dma source(%dma_start3A_140 : memref<2600000xf32, #tpu.memory_space<hbm>>) target(%dma_start3A_135 : memref<128xf32, #tpu.memory_space<vmem>>) offsets(%dma_start3A_138 : memref<128xi32, #tpu.memory_space<vmem>>) semaphore(%arg11 : memref<!tpu.dma_semaphore, #tpu.memory_space<semaphore_mem>>)
      %scan3A_141 = arith.constant 0 : i32
      scf.yield %scan3A_141 : i32
    }
    %scan3A_46 = arith.constant 26 : i32
    %scan3A_47 = arith.constant 0 : i32
    %scan3A_48 = arith.constant 0 : i32
    %scan3A_49 = arith.constant 26 : i32
    %scan3A_50 = arith.addi %scan3A_48, %scan3A_49 : i32
    %scan3A_51 = arith.constant 1 : i32
    %scan3A_52 = scf.for %scan3A_122 = %scan3A_48 to %scan3A_50 step %scan3A_51 iter_args(%scan3A_123 = %scan3A_47) -> (i32)  : i32 {
      %mul3A_124 = arith.constant 128 : i32
      %mul3A_125 = arith.muli %scan3A_122, %mul3A_124 : i32
      %dma_wait3A = arith.constant 0 : i32
      %dma_wait3A_126 = tpu.memref_slice %arg7[%mul3A_125, %dma_wait3A] : memref<3328x16xf32, #tpu.memory_space<vmem>> -> memref<128x16xf32, #tpu.memory_space<vmem>>
      %dma_wait3A_127 = arith.constant 0 : i32
      %dma_wait3A_128 = tpu.memref_slice %arg6[%scan3A_122, %dma_wait3A_127] : memref<26x128xi32, #tpu.memory_space<vmem>> -> memref<1x128xi32, #tpu.memory_space<vmem>>
      %dma_wait3A_129 = tpu.memref_squeeze %dma_wait3A_128 : memref<1x128xi32, #tpu.memory_space<vmem>> -> memref<128xi32, #tpu.memory_space<vmem>>
      %dma_wait3A_130 = arith.constant 0 : i32
      %dma_wait3A_131 = arith.constant 0 : i32
      %dma_wait3A_132 = tpu.memref_slice %arg3[%dma_wait3A_130, %dma_wait3A_131] : memref<2600000x16xf32, #tpu.memory_space<hbm>> -> memref<2600000x16xf32, #tpu.memory_space<hbm>>
      tpu.wait_indirect_dma semaphore(%arg10 : memref<!tpu.dma_semaphore, #tpu.memory_space<semaphore_mem>>) src(%dma_wait3A_132 : memref<2600000x16xf32, #tpu.memory_space<hbm>>) dst(%dma_wait3A_126 : memref<128x16xf32, #tpu.memory_space<vmem>>)
      %mul3A_133 = arith.constant 128 : i32
      %mul3A_134 = arith.muli %scan3A_122, %mul3A_133 : i32
      %dma_wait3A_135 = tpu.memref_slice %arg8[%mul3A_134] : memref<3328xf32, #tpu.memory_space<vmem>> -> memref<128xf32, #tpu.memory_space<vmem>>
      %dma_wait3A_136 = arith.constant 0 : i32
      %dma_wait3A_137 = tpu.memref_slice %arg6[%scan3A_122, %dma_wait3A_136] : memref<26x128xi32, #tpu.memory_space<vmem>> -> memref<1x128xi32, #tpu.memory_space<vmem>>
      %dma_wait3A_138 = tpu.memref_squeeze %dma_wait3A_137 : memref<1x128xi32, #tpu.memory_space<vmem>> -> memref<128xi32, #tpu.memory_space<vmem>>
      %dma_wait3A_139 = arith.constant 0 : i32
      %dma_wait3A_140 = tpu.memref_slice %arg4[%dma_wait3A_139] : memref<2600000xf32, #tpu.memory_space<hbm>> -> memref<2600000xf32, #tpu.memory_space<hbm>>
      tpu.wait_indirect_dma semaphore(%arg11 : memref<!tpu.dma_semaphore, #tpu.memory_space<semaphore_mem>>) src(%dma_wait3A_140 : memref<2600000xf32, #tpu.memory_space<hbm>>) dst(%dma_wait3A_135 : memref<128xf32, #tpu.memory_space<vmem>>)
      %scan3A_141 = arith.constant 0 : i32
      scf.yield %scan3A_141 : i32
    }
    %scan3A_53 = arith.constant 26 : i32
    %scan3A_54 = arith.constant 0 : i32
    %scan3A_55 = arith.constant 0 : i32
    %scan3A_56 = arith.constant 8 : i32
    %scan3A_57 = arith.addi %scan3A_55, %scan3A_56 : i32
    %scan3A_58 = arith.constant 1 : i32
    %scan3A_59 = scf.for %scan3A_122 = %scan3A_55 to %scan3A_57 step %scan3A_58 iter_args(%scan3A_123 = %scan3A_54) -> (i32)  : i32 {
      %mul3A_124 = arith.constant 416 : i32
      %mul3A_125 = arith.muli %scan3A_122, %mul3A_124 : i32
      %broadcast_in_dim3A = arith.constant 0.000000e+00 : f32
      %broadcast_in_dim3A_126 = vector.broadcast %broadcast_in_dim3A : f32 to vector<16xf32>
      %scan3A_127 = arith.constant 0 : i32
      %scan3A_128 = arith.constant 16 : i32
      %scan3A_129 = arith.addi %scan3A_127, %scan3A_128 : i32
      %scan3A_130 = arith.constant 1 : i32
      %scan3A_131:2 = scf.for %scan3A_302 = %scan3A_127 to %scan3A_129 step %scan3A_130 iter_args(%scan3A_303 = %broadcast_in_dim3A_126, %scan3A_304 = %broadcast_in_dim3A_126) -> (vector<16xf32>, vector<16xf32>)  : i32 {
        %broadcast_in_dim3A_305 = vector.broadcast %scan3A_302 : i32 to vector<16xi32>
        %add3A_306 = arith.constant 0 : i32
        %add3A_307 = arith.addi %mul3A_125, %add3A_306 : i32
        %add3A_308 = vector.broadcast %add3A_307 : i32 to vector<16xi32>
        %add3A_309 = arith.addi %mul3A_3, %add3A_308 : vector<16xi32>
        %gather3A_310 = tpu.vector_load_idx %arg7[%add3A_309, %broadcast_in_dim3A_305] : memref<3328x16xf32, #tpu.memory_space<vmem>>[vector<16xi32>, vector<16xi32>], vector<16xf32>,
        %add3A_311 = arith.addf %broadcast_in_dim3A_126, %gather3A_310 : vector<16xf32>
        %mul3A_312 = arith.mulf %gather3A_310, %gather3A_310 : vector<16xf32>
        %add3A_313 = arith.addf %scan3A_304, %mul3A_312 : vector<16xf32>
        %add3A_314 = arith.constant 1 : i32
        %add3A_315 = arith.addi %mul3A_125, %add3A_314 : i32
        %add3A_316 = vector.broadcast %add3A_315 : i32 to vector<16xi32>
        %add3A_317 = arith.addi %mul3A_3, %add3A_316 : vector<16xi32>
        %gather3A_318 = tpu.vector_load_idx %arg7[%add3A_317, %broadcast_in_dim3A_305] : memref<3328x16xf32, #tpu.memory_space<vmem>>[vector<16xi32>, vector<16xi32>], vector<16xf32>,
        %add3A_319 = arith.addf %add3A_311, %gather3A_318 : vector<16xf32>
        %mul3A_320 = arith.mulf %gather3A_318, %gather3A_318 : vector<16xf32>
        %add3A_321 = arith.addf %add3A_313, %mul3A_320 : vector<16xf32>
        %add3A_322 = arith.constant 2 : i32
        %add3A_323 = arith.addi %mul3A_125, %add3A_322 : i32
        %add3A_324 = vector.broadcast %add3A_323 : i32 to vector<16xi32>
        %add3A_325 = arith.addi %mul3A_3, %add3A_324 : vector<16xi32>
        %gather3A_326 = tpu.vector_load_idx %arg7[%add3A_325, %broadcast_in_dim3A_305] : memref<3328x16xf32, #tpu.memory_space<vmem>>[vector<16xi32>, vector<16xi32>], vector<16xf32>,
        %add3A_327 = arith.addf %add3A_319, %gather3A_326 : vector<16xf32>
        %mul3A_328 = arith.mulf %gather3A_326, %gather3A_326 : vector<16xf32>
        %add3A_329 = arith.addf %add3A_321, %mul3A_328 : vector<16xf32>
        %add3A_330 = arith.constant 3 : i32
        %add3A_331 = arith.addi %mul3A_125, %add3A_330 : i32
        %add3A_332 = vector.broadcast %add3A_331 : i32 to vector<16xi32>
        %add3A_333 = arith.addi %mul3A_3, %add3A_332 : vector<16xi32>
        %gather3A_334 = tpu.vector_load_idx %arg7[%add3A_333, %broadcast_in_dim3A_305] : memref<3328x16xf32, #tpu.memory_space<vmem>>[vector<16xi32>, vector<16xi32>], vector<16xf32>,
        %add3A_335 = arith.addf %add3A_327, %gather3A_334 : vector<16xf32>
        %mul3A_336 = arith.mulf %gather3A_334, %gather3A_334 : vector<16xf32>
        %add3A_337 = arith.addf %add3A_329, %mul3A_336 : vector<16xf32>
        %add3A_338 = arith.constant 4 : i32
        %add3A_339 = arith.addi %mul3A_125, %add3A_338 : i32
        %add3A_340 = vector.broadcast %add3A_339 : i32 to vector<16xi32>
        %add3A_341 = arith.addi %mul3A_3, %add3A_340 : vector<16xi32>
        %gather3A_342 = tpu.vector_load_idx %arg7[%add3A_341, %broadcast_in_dim3A_305] : memref<3328x16xf32, #tpu.memory_space<vmem>>[vector<16xi32>, vector<16xi32>], vector<16xf32>,
        %add3A_343 = arith.addf %add3A_335, %gather3A_342 : vector<16xf32>
        %mul3A_344 = arith.mulf %gather3A_342, %gather3A_342 : vector<16xf32>
        %add3A_345 = arith.addf %add3A_337, %mul3A_344 : vector<16xf32>
        %add3A_346 = arith.constant 5 : i32
        %add3A_347 = arith.addi %mul3A_125, %add3A_346 : i32
        %add3A_348 = vector.broadcast %add3A_347 : i32 to vector<16xi32>
        %add3A_349 = arith.addi %mul3A_3, %add3A_348 : vector<16xi32>
        %gather3A_350 = tpu.vector_load_idx %arg7[%add3A_349, %broadcast_in_dim3A_305] : memref<3328x16xf32, #tpu.memory_space<vmem>>[vector<16xi32>, vector<16xi32>], vector<16xf32>,
        %add3A_351 = arith.addf %add3A_343, %gather3A_350 : vector<16xf32>
        %mul3A_352 = arith.mulf %gather3A_350, %gather3A_350 : vector<16xf32>
        %add3A_353 = arith.addf %add3A_345, %mul3A_352 : vector<16xf32>
        %add3A_354 = arith.constant 6 : i32
        %add3A_355 = arith.addi %mul3A_125, %add3A_354 : i32
        %add3A_356 = vector.broadcast %add3A_355 : i32 to vector<16xi32>
        %add3A_357 = arith.addi %mul3A_3, %add3A_356 : vector<16xi32>
        %gather3A_358 = tpu.vector_load_idx %arg7[%add3A_357, %broadcast_in_dim3A_305] : memref<3328x16xf32, #tpu.memory_space<vmem>>[vector<16xi32>, vector<16xi32>], vector<16xf32>,
        %add3A_359 = arith.addf %add3A_351, %gather3A_358 : vector<16xf32>
        %mul3A_360 = arith.mulf %gather3A_358, %gather3A_358 : vector<16xf32>
        %add3A_361 = arith.addf %add3A_353, %mul3A_360 : vector<16xf32>
        %add3A_362 = arith.constant 7 : i32
        %add3A_363 = arith.addi %mul3A_125, %add3A_362 : i32
        %add3A_364 = vector.broadcast %add3A_363 : i32 to vector<16xi32>
        %add3A_365 = arith.addi %mul3A_3, %add3A_364 : vector<16xi32>
        %gather3A_366 = tpu.vector_load_idx %arg7[%add3A_365, %broadcast_in_dim3A_305] : memref<3328x16xf32, #tpu.memory_space<vmem>>[vector<16xi32>, vector<16xi32>], vector<16xf32>,
        %add3A_367 = arith.addf %add3A_359, %gather3A_366 : vector<16xf32>
        %mul3A_368 = arith.mulf %gather3A_366, %gather3A_366 : vector<16xf32>
        %add3A_369 = arith.addf %add3A_361, %mul3A_368 : vector<16xf32>
        %add3A_370 = arith.constant 8 : i32
        %add3A_371 = arith.addi %mul3A_125, %add3A_370 : i32
        %add3A_372 = vector.broadcast %add3A_371 : i32 to vector<16xi32>
        %add3A_373 = arith.addi %mul3A_3, %add3A_372 : vector<16xi32>
        %gather3A_374 = tpu.vector_load_idx %arg7[%add3A_373, %broadcast_in_dim3A_305] : memref<3328x16xf32, #tpu.memory_space<vmem>>[vector<16xi32>, vector<16xi32>], vector<16xf32>,
        %add3A_375 = arith.addf %add3A_367, %gather3A_374 : vector<16xf32>
        %mul3A_376 = arith.mulf %gather3A_374, %gather3A_374 : vector<16xf32>
        %add3A_377 = arith.addf %add3A_369, %mul3A_376 : vector<16xf32>
        %add3A_378 = arith.constant 9 : i32
        %add3A_379 = arith.addi %mul3A_125, %add3A_378 : i32
        %add3A_380 = vector.broadcast %add3A_379 : i32 to vector<16xi32>
        %add3A_381 = arith.addi %mul3A_3, %add3A_380 : vector<16xi32>
        %gather3A_382 = tpu.vector_load_idx %arg7[%add3A_381, %broadcast_in_dim3A_305] : memref<3328x16xf32, #tpu.memory_space<vmem>>[vector<16xi32>, vector<16xi32>], vector<16xf32>,
        %add3A_383 = arith.addf %add3A_375, %gather3A_382 : vector<16xf32>
        %mul3A_384 = arith.mulf %gather3A_382, %gather3A_382 : vector<16xf32>
        %add3A_385 = arith.addf %add3A_377, %mul3A_384 : vector<16xf32>
        %add3A_386 = arith.constant 10 : i32
        %add3A_387 = arith.addi %mul3A_125, %add3A_386 : i32
        %add3A_388 = vector.broadcast %add3A_387 : i32 to vector<16xi32>
        %add3A_389 = arith.addi %mul3A_3, %add3A_388 : vector<16xi32>
        %gather3A_390 = tpu.vector_load_idx %arg7[%add3A_389, %broadcast_in_dim3A_305] : memref<3328x16xf32, #tpu.memory_space<vmem>>[vector<16xi32>, vector<16xi32>], vector<16xf32>,
        %add3A_391 = arith.addf %add3A_383, %gather3A_390 : vector<16xf32>
        %mul3A_392 = arith.mulf %gather3A_390, %gather3A_390 : vector<16xf32>
        %add3A_393 = arith.addf %add3A_385, %mul3A_392 : vector<16xf32>
        %add3A_394 = arith.constant 11 : i32
        %add3A_395 = arith.addi %mul3A_125, %add3A_394 : i32
        %add3A_396 = vector.broadcast %add3A_395 : i32 to vector<16xi32>
        %add3A_397 = arith.addi %mul3A_3, %add3A_396 : vector<16xi32>
        %gather3A_398 = tpu.vector_load_idx %arg7[%add3A_397, %broadcast_in_dim3A_305] : memref<3328x16xf32, #tpu.memory_space<vmem>>[vector<16xi32>, vector<16xi32>], vector<16xf32>,
        %add3A_399 = arith.addf %add3A_391, %gather3A_398 : vector<16xf32>
        %mul3A_400 = arith.mulf %gather3A_398, %gather3A_398 : vector<16xf32>
        %add3A_401 = arith.addf %add3A_393, %mul3A_400 : vector<16xf32>
        %add3A_402 = arith.constant 12 : i32
        %add3A_403 = arith.addi %mul3A_125, %add3A_402 : i32
        %add3A_404 = vector.broadcast %add3A_403 : i32 to vector<16xi32>
        %add3A_405 = arith.addi %mul3A_3, %add3A_404 : vector<16xi32>
        %gather3A_406 = tpu.vector_load_idx %arg7[%add3A_405, %broadcast_in_dim3A_305] : memref<3328x16xf32, #tpu.memory_space<vmem>>[vector<16xi32>, vector<16xi32>], vector<16xf32>,
        %add3A_407 = arith.addf %add3A_399, %gather3A_406 : vector<16xf32>
        %mul3A_408 = arith.mulf %gather3A_406, %gather3A_406 : vector<16xf32>
        %add3A_409 = arith.addf %add3A_401, %mul3A_408 : vector<16xf32>
        %add3A_410 = arith.constant 13 : i32
        %add3A_411 = arith.addi %mul3A_125, %add3A_410 : i32
        %add3A_412 = vector.broadcast %add3A_411 : i32 to vector<16xi32>
        %add3A_413 = arith.addi %mul3A_3, %add3A_412 : vector<16xi32>
        %gather3A_414 = tpu.vector_load_idx %arg7[%add3A_413, %broadcast_in_dim3A_305] : memref<3328x16xf32, #tpu.memory_space<vmem>>[vector<16xi32>, vector<16xi32>], vector<16xf32>,
        %add3A_415 = arith.addf %add3A_407, %gather3A_414 : vector<16xf32>
        %mul3A_416 = arith.mulf %gather3A_414, %gather3A_414 : vector<16xf32>
        %add3A_417 = arith.addf %add3A_409, %mul3A_416 : vector<16xf32>
        %add3A_418 = arith.constant 14 : i32
        %add3A_419 = arith.addi %mul3A_125, %add3A_418 : i32
        %add3A_420 = vector.broadcast %add3A_419 : i32 to vector<16xi32>
        %add3A_421 = arith.addi %mul3A_3, %add3A_420 : vector<16xi32>
        %gather3A_422 = tpu.vector_load_idx %arg7[%add3A_421, %broadcast_in_dim3A_305] : memref<3328x16xf32, #tpu.memory_space<vmem>>[vector<16xi32>, vector<16xi32>], vector<16xf32>,
        %add3A_423 = arith.addf %add3A_415, %gather3A_422 : vector<16xf32>
        %mul3A_424 = arith.mulf %gather3A_422, %gather3A_422 : vector<16xf32>
        %add3A_425 = arith.addf %add3A_417, %mul3A_424 : vector<16xf32>
        %add3A_426 = arith.constant 15 : i32
        %add3A_427 = arith.addi %mul3A_125, %add3A_426 : i32
        %add3A_428 = vector.broadcast %add3A_427 : i32 to vector<16xi32>
        %add3A_429 = arith.addi %mul3A_3, %add3A_428 : vector<16xi32>
        %gather3A_430 = tpu.vector_load_idx %arg7[%add3A_429, %broadcast_in_dim3A_305] : memref<3328x16xf32, #tpu.memory_space<vmem>>[vector<16xi32>, vector<16xi32>], vector<16xf32>,
        %add3A_431 = arith.addf %add3A_423, %gather3A_430 : vector<16xf32>
        %mul3A_432 = arith.mulf %gather3A_430, %gather3A_430 : vector<16xf32>
        %add3A_433 = arith.addf %add3A_425, %mul3A_432 : vector<16xf32>
        %add3A_434 = arith.constant 16 : i32
        %add3A_435 = arith.addi %mul3A_125, %add3A_434 : i32
        %add3A_436 = vector.broadcast %add3A_435 : i32 to vector<16xi32>
        %add3A_437 = arith.addi %mul3A_3, %add3A_436 : vector<16xi32>
        %gather3A_438 = tpu.vector_load_idx %arg7[%add3A_437, %broadcast_in_dim3A_305] : memref<3328x16xf32, #tpu.memory_space<vmem>>[vector<16xi32>, vector<16xi32>], vector<16xf32>,
        %add3A_439 = arith.addf %add3A_431, %gather3A_438 : vector<16xf32>
        %mul3A_440 = arith.mulf %gather3A_438, %gather3A_438 : vector<16xf32>
        %add3A_441 = arith.addf %add3A_433, %mul3A_440 : vector<16xf32>
        %add3A_442 = arith.constant 17 : i32
        %add3A_443 = arith.addi %mul3A_125, %add3A_442 : i32
        %add3A_444 = vector.broadcast %add3A_443 : i32 to vector<16xi32>
        %add3A_445 = arith.addi %mul3A_3, %add3A_444 : vector<16xi32>
        %gather3A_446 = tpu.vector_load_idx %arg7[%add3A_445, %broadcast_in_dim3A_305] : memref<3328x16xf32, #tpu.memory_space<vmem>>[vector<16xi32>, vector<16xi32>], vector<16xf32>,
        %add3A_447 = arith.addf %add3A_439, %gather3A_446 : vector<16xf32>
        %mul3A_448 = arith.mulf %gather3A_446, %gather3A_446 : vector<16xf32>
        %add3A_449 = arith.addf %add3A_441, %mul3A_448 : vector<16xf32>
        %add3A_450 = arith.constant 18 : i32
        %add3A_451 = arith.addi %mul3A_125, %add3A_450 : i32
        %add3A_452 = vector.broadcast %add3A_451 : i32 to vector<16xi32>
        %add3A_453 = arith.addi %mul3A_3, %add3A_452 : vector<16xi32>
        %gather3A_454 = tpu.vector_load_idx %arg7[%add3A_453, %broadcast_in_dim3A_305] : memref<3328x16xf32, #tpu.memory_space<vmem>>[vector<16xi32>, vector<16xi32>], vector<16xf32>,
        %add3A_455 = arith.addf %add3A_447, %gather3A_454 : vector<16xf32>
        %mul3A_456 = arith.mulf %gather3A_454, %gather3A_454 : vector<16xf32>
        %add3A_457 = arith.addf %add3A_449, %mul3A_456 : vector<16xf32>
        %add3A_458 = arith.constant 19 : i32
        %add3A_459 = arith.addi %mul3A_125, %add3A_458 : i32
        %add3A_460 = vector.broadcast %add3A_459 : i32 to vector<16xi32>
        %add3A_461 = arith.addi %mul3A_3, %add3A_460 : vector<16xi32>
        %gather3A_462 = tpu.vector_load_idx %arg7[%add3A_461, %broadcast_in_dim3A_305] : memref<3328x16xf32, #tpu.memory_space<vmem>>[vector<16xi32>, vector<16xi32>], vector<16xf32>,
        %add3A_463 = arith.addf %add3A_455, %gather3A_462 : vector<16xf32>
        %mul3A_464 = arith.mulf %gather3A_462, %gather3A_462 : vector<16xf32>
        %add3A_465 = arith.addf %add3A_457, %mul3A_464 : vector<16xf32>
        %add3A_466 = arith.constant 20 : i32
        %add3A_467 = arith.addi %mul3A_125, %add3A_466 : i32
        %add3A_468 = vector.broadcast %add3A_467 : i32 to vector<16xi32>
        %add3A_469 = arith.addi %mul3A_3, %add3A_468 : vector<16xi32>
        %gather3A_470 = tpu.vector_load_idx %arg7[%add3A_469, %broadcast_in_dim3A_305] : memref<3328x16xf32, #tpu.memory_space<vmem>>[vector<16xi32>, vector<16xi32>], vector<16xf32>,
        %add3A_471 = arith.addf %add3A_463, %gather3A_470 : vector<16xf32>
        %mul3A_472 = arith.mulf %gather3A_470, %gather3A_470 : vector<16xf32>
        %add3A_473 = arith.addf %add3A_465, %mul3A_472 : vector<16xf32>
        %add3A_474 = arith.constant 21 : i32
        %add3A_475 = arith.addi %mul3A_125, %add3A_474 : i32
        %add3A_476 = vector.broadcast %add3A_475 : i32 to vector<16xi32>
        %add3A_477 = arith.addi %mul3A_3, %add3A_476 : vector<16xi32>
        %gather3A_478 = tpu.vector_load_idx %arg7[%add3A_477, %broadcast_in_dim3A_305] : memref<3328x16xf32, #tpu.memory_space<vmem>>[vector<16xi32>, vector<16xi32>], vector<16xf32>,
        %add3A_479 = arith.addf %add3A_471, %gather3A_478 : vector<16xf32>
        %mul3A_480 = arith.mulf %gather3A_478, %gather3A_478 : vector<16xf32>
        %add3A_481 = arith.addf %add3A_473, %mul3A_480 : vector<16xf32>
        %add3A_482 = arith.constant 22 : i32
        %add3A_483 = arith.addi %mul3A_125, %add3A_482 : i32
        %add3A_484 = vector.broadcast %add3A_483 : i32 to vector<16xi32>
        %add3A_485 = arith.addi %mul3A_3, %add3A_484 : vector<16xi32>
        %gather3A_486 = tpu.vector_load_idx %arg7[%add3A_485, %broadcast_in_dim3A_305] : memref<3328x16xf32, #tpu.memory_space<vmem>>[vector<16xi32>, vector<16xi32>], vector<16xf32>,
        %add3A_487 = arith.addf %add3A_479, %gather3A_486 : vector<16xf32>
        %mul3A_488 = arith.mulf %gather3A_486, %gather3A_486 : vector<16xf32>
        %add3A_489 = arith.addf %add3A_481, %mul3A_488 : vector<16xf32>
        %add3A_490 = arith.constant 23 : i32
        %add3A_491 = arith.addi %mul3A_125, %add3A_490 : i32
        %add3A_492 = vector.broadcast %add3A_491 : i32 to vector<16xi32>
        %add3A_493 = arith.addi %mul3A_3, %add3A_492 : vector<16xi32>
        %gather3A_494 = tpu.vector_load_idx %arg7[%add3A_493, %broadcast_in_dim3A_305] : memref<3328x16xf32, #tpu.memory_space<vmem>>[vector<16xi32>, vector<16xi32>], vector<16xf32>,
        %add3A_495 = arith.addf %add3A_487, %gather3A_494 : vector<16xf32>
        %mul3A_496 = arith.mulf %gather3A_494, %gather3A_494 : vector<16xf32>
        %add3A_497 = arith.addf %add3A_489, %mul3A_496 : vector<16xf32>
        %add3A_498 = arith.constant 24 : i32
        %add3A_499 = arith.addi %mul3A_125, %add3A_498 : i32
        %add3A_500 = vector.broadcast %add3A_499 : i32 to vector<16xi32>
        %add3A_501 = arith.addi %mul3A_3, %add3A_500 : vector<16xi32>
        %gather3A_502 = tpu.vector_load_idx %arg7[%add3A_501, %broadcast_in_dim3A_305] : memref<3328x16xf32, #tpu.memory_space<vmem>>[vector<16xi32>, vector<16xi32>], vector<16xf32>,
        %add3A_503 = arith.addf %add3A_495, %gather3A_502 : vector<16xf32>
        %mul3A_504 = arith.mulf %gather3A_502, %gather3A_502 : vector<16xf32>
        %add3A_505 = arith.addf %add3A_497, %mul3A_504 : vector<16xf32>
        %add3A_506 = arith.constant 25 : i32
        %add3A_507 = arith.addi %mul3A_125, %add3A_506 : i32
        %add3A_508 = vector.broadcast %add3A_507 : i32 to vector<16xi32>
        %add3A_509 = arith.addi %mul3A_3, %add3A_508 : vector<16xi32>
        %gather3A_510 = tpu.vector_load_idx %arg7[%add3A_509, %broadcast_in_dim3A_305] : memref<3328x16xf32, #tpu.memory_space<vmem>>[vector<16xi32>, vector<16xi32>], vector<16xf32>,
        %add3A_511 = arith.addf %add3A_503, %gather3A_510 : vector<16xf32>
        %mul3A_512 = arith.mulf %gather3A_510, %gather3A_510 : vector<16xf32>
        %add3A_513 = arith.addf %add3A_505, %mul3A_512 : vector<16xf32>
        %mul3A_514 = arith.mulf %add3A_511, %add3A_511 : vector<16xf32>
        %add3A_515 = arith.addf %scan3A_303, %mul3A_514 : vector<16xf32>
        scf.yield %add3A_515, %add3A_513 : vector<16xf32>, vector<16xf32>
      }
      %scan3A_132 = arith.constant 16 : i32
      %sub3A = arith.subf %scan3A_131#0, %scan3A_131#1 : vector<16xf32>
      %mul3A_133 = arith.constant 5.000000e-01 : f32
      %mul3A_134 = vector.broadcast %mul3A_133 : f32 to vector<16xf32>
      %mul3A_135 = arith.mulf %sub3A, %mul3A_134 : vector<16xf32>
      %add3A_136 = arith.constant 0 : i32
      %add3A_137 = arith.addi %mul3A_125, %add3A_136 : i32
      %add3A_138 = vector.broadcast %add3A_137 : i32 to vector<16xi32>
      %add3A_139 = arith.addi %mul3A_3, %add3A_138 : vector<16xi32>
      %gather3A = tpu.vector_load_idx %arg8[%add3A_139] : memref<3328xf32, #tpu.memory_space<vmem>>[vector<16xi32>], vector<16xf32>,
      %add3A_140 = arith.addf %mul3A_135, %gather3A : vector<16xf32>
      %add3A_141 = arith.constant 1 : i32
      %add3A_142 = arith.addi %mul3A_125, %add3A_141 : i32
      %add3A_143 = vector.broadcast %add3A_142 : i32 to vector<16xi32>
      %add3A_144 = arith.addi %mul3A_3, %add3A_143 : vector<16xi32>
      %gather3A_145 = tpu.vector_load_idx %arg8[%add3A_144] : memref<3328xf32, #tpu.memory_space<vmem>>[vector<16xi32>], vector<16xf32>,
      %add3A_146 = arith.addf %add3A_140, %gather3A_145 : vector<16xf32>
      %add3A_147 = arith.constant 2 : i32
      %add3A_148 = arith.addi %mul3A_125, %add3A_147 : i32
      %add3A_149 = vector.broadcast %add3A_148 : i32 to vector<16xi32>
      %add3A_150 = arith.addi %mul3A_3, %add3A_149 : vector<16xi32>
      %gather3A_151 = tpu.vector_load_idx %arg8[%add3A_150] : memref<3328xf32, #tpu.memory_space<vmem>>[vector<16xi32>], vector<16xf32>,
      %add3A_152 = arith.addf %add3A_146, %gather3A_151 : vector<16xf32>
      %add3A_153 = arith.constant 3 : i32
      %add3A_154 = arith.addi %mul3A_125, %add3A_153 : i32
      %add3A_155 = vector.broadcast %add3A_154 : i32 to vector<16xi32>
      %add3A_156 = arith.addi %mul3A_3, %add3A_155 : vector<16xi32>
      %gather3A_157 = tpu.vector_load_idx %arg8[%add3A_156] : memref<3328xf32, #tpu.memory_space<vmem>>[vector<16xi32>], vector<16xf32>,
      %add3A_158 = arith.addf %add3A_152, %gather3A_157 : vector<16xf32>
      %add3A_159 = arith.constant 4 : i32
      %add3A_160 = arith.addi %mul3A_125, %add3A_159 : i32
      %add3A_161 = vector.broadcast %add3A_160 : i32 to vector<16xi32>
      %add3A_162 = arith.addi %mul3A_3, %add3A_161 : vector<16xi32>
      %gather3A_163 = tpu.vector_load_idx %arg8[%add3A_162] : memref<3328xf32, #tpu.memory_space<vmem>>[vector<16xi32>], vector<16xf32>,
      %add3A_164 = arith.addf %add3A_158, %gather3A_163 : vector<16xf32>
      %add3A_165 = arith.constant 5 : i32
      %add3A_166 = arith.addi %mul3A_125, %add3A_165 : i32
      %add3A_167 = vector.broadcast %add3A_166 : i32 to vector<16xi32>
      %add3A_168 = arith.addi %mul3A_3, %add3A_167 : vector<16xi32>
      %gather3A_169 = tpu.vector_load_idx %arg8[%add3A_168] : memref<3328xf32, #tpu.memory_space<vmem>>[vector<16xi32>], vector<16xf32>,
      %add3A_170 = arith.addf %add3A_164, %gather3A_169 : vector<16xf32>
      %add3A_171 = arith.constant 6 : i32
      %add3A_172 = arith.addi %mul3A_125, %add3A_171 : i32
      %add3A_173 = vector.broadcast %add3A_172 : i32 to vector<16xi32>
      %add3A_174 = arith.addi %mul3A_3, %add3A_173 : vector<16xi32>
      %gather3A_175 = tpu.vector_load_idx %arg8[%add3A_174] : memref<3328xf32, #tpu.memory_space<vmem>>[vector<16xi32>], vector<16xf32>,
      %add3A_176 = arith.addf %add3A_170, %gather3A_175 : vector<16xf32>
      %add3A_177 = arith.constant 7 : i32
      %add3A_178 = arith.addi %mul3A_125, %add3A_177 : i32
      %add3A_179 = vector.broadcast %add3A_178 : i32 to vector<16xi32>
      %add3A_180 = arith.addi %mul3A_3, %add3A_179 : vector<16xi32>
      %gather3A_181 = tpu.vector_load_idx %arg8[%add3A_180] : memref<3328xf32, #tpu.memory_space<vmem>>[vector<16xi32>], vector<16xf32>,
      %add3A_182 = arith.addf %add3A_176, %gather3A_181 : vector<16xf32>
      %add3A_183 = arith.constant 8 : i32
      %add3A_184 = arith.addi %mul3A_125, %add3A_183 : i32
      %add3A_185 = vector.broadcast %add3A_184 : i32 to vector<16xi32>
      %add3A_186 = arith.addi %mul3A_3, %add3A_185 : vector<16xi32>
      %gather3A_187 = tpu.vector_load_idx %arg8[%add3A_186] : memref<3328xf32, #tpu.memory_space<vmem>>[vector<16xi32>], vector<16xf32>,
      %add3A_188 = arith.addf %add3A_182, %gather3A_187 : vector<16xf32>
      %add3A_189 = arith.constant 9 : i32
      %add3A_190 = arith.addi %mul3A_125, %add3A_189 : i32
      %add3A_191 = vector.broadcast %add3A_190 : i32 to vector<16xi32>
      %add3A_192 = arith.addi %mul3A_3, %add3A_191 : vector<16xi32>
      %gather3A_193 = tpu.vector_load_idx %arg8[%add3A_192] : memref<3328xf32, #tpu.memory_space<vmem>>[vector<16xi32>], vector<16xf32>,
      %add3A_194 = arith.addf %add3A_188, %gather3A_193 : vector<16xf32>
      %add3A_195 = arith.constant 10 : i32
      %add3A_196 = arith.addi %mul3A_125, %add3A_195 : i32
      %add3A_197 = vector.broadcast %add3A_196 : i32 to vector<16xi32>
      %add3A_198 = arith.addi %mul3A_3, %add3A_197 : vector<16xi32>
      %gather3A_199 = tpu.vector_load_idx %arg8[%add3A_198] : memref<3328xf32, #tpu.memory_space<vmem>>[vector<16xi32>], vector<16xf32>,
      %add3A_200 = arith.addf %add3A_194, %gather3A_199 : vector<16xf32>
      %add3A_201 = arith.constant 11 : i32
      %add3A_202 = arith.addi %mul3A_125, %add3A_201 : i32
      %add3A_203 = vector.broadcast %add3A_202 : i32 to vector<16xi32>
      %add3A_204 = arith.addi %mul3A_3, %add3A_203 : vector<16xi32>
      %gather3A_205 = tpu.vector_load_idx %arg8[%add3A_204] : memref<3328xf32, #tpu.memory_space<vmem>>[vector<16xi32>], vector<16xf32>,
      %add3A_206 = arith.addf %add3A_200, %gather3A_205 : vector<16xf32>
      %add3A_207 = arith.constant 12 : i32
      %add3A_208 = arith.addi %mul3A_125, %add3A_207 : i32
      %add3A_209 = vector.broadcast %add3A_208 : i32 to vector<16xi32>
      %add3A_210 = arith.addi %mul3A_3, %add3A_209 : vector<16xi32>
      %gather3A_211 = tpu.vector_load_idx %arg8[%add3A_210] : memref<3328xf32, #tpu.memory_space<vmem>>[vector<16xi32>], vector<16xf32>,
      %add3A_212 = arith.addf %add3A_206, %gather3A_211 : vector<16xf32>
      %add3A_213 = arith.constant 13 : i32
      %add3A_214 = arith.addi %mul3A_125, %add3A_213 : i32
      %add3A_215 = vector.broadcast %add3A_214 : i32 to vector<16xi32>
      %add3A_216 = arith.addi %mul3A_3, %add3A_215 : vector<16xi32>
      %gather3A_217 = tpu.vector_load_idx %arg8[%add3A_216] : memref<3328xf32, #tpu.memory_space<vmem>>[vector<16xi32>], vector<16xf32>,
      %add3A_218 = arith.addf %add3A_212, %gather3A_217 : vector<16xf32>
      %add3A_219 = arith.constant 14 : i32
      %add3A_220 = arith.addi %mul3A_125, %add3A_219 : i32
      %add3A_221 = vector.broadcast %add3A_220 : i32 to vector<16xi32>
      %add3A_222 = arith.addi %mul3A_3, %add3A_221 : vector<16xi32>
      %gather3A_223 = tpu.vector_load_idx %arg8[%add3A_222] : memref<3328xf32, #tpu.memory_space<vmem>>[vector<16xi32>], vector<16xf32>,
      %add3A_224 = arith.addf %add3A_218, %gather3A_223 : vector<16xf32>
      %add3A_225 = arith.constant 15 : i32
      %add3A_226 = arith.addi %mul3A_125, %add3A_225 : i32
      %add3A_227 = vector.broadcast %add3A_226 : i32 to vector<16xi32>
      %add3A_228 = arith.addi %mul3A_3, %add3A_227 : vector<16xi32>
      %gather3A_229 = tpu.vector_load_idx %arg8[%add3A_228] : memref<3328xf32, #tpu.memory_space<vmem>>[vector<16xi32>], vector<16xf32>,
      %add3A_230 = arith.addf %add3A_224, %gather3A_229 : vector<16xf32>
      %add3A_231 = arith.constant 16 : i32
      %add3A_232 = arith.addi %mul3A_125, %add3A_231 : i32
      %add3A_233 = vector.broadcast %add3A_232 : i32 to vector<16xi32>
      %add3A_234 = arith.addi %mul3A_3, %add3A_233 : vector<16xi32>
      %gather3A_235 = tpu.vector_load_idx %arg8[%add3A_234] : memref<3328xf32, #tpu.memory_space<vmem>>[vector<16xi32>], vector<16xf32>,
      %add3A_236 = arith.addf %add3A_230, %gather3A_235 : vector<16xf32>
      %add3A_237 = arith.constant 17 : i32
      %add3A_238 = arith.addi %mul3A_125, %add3A_237 : i32
      %add3A_239 = vector.broadcast %add3A_238 : i32 to vector<16xi32>
      %add3A_240 = arith.addi %mul3A_3, %add3A_239 : vector<16xi32>
      %gather3A_241 = tpu.vector_load_idx %arg8[%add3A_240] : memref<3328xf32, #tpu.memory_space<vmem>>[vector<16xi32>], vector<16xf32>,
      %add3A_242 = arith.addf %add3A_236, %gather3A_241 : vector<16xf32>
      %add3A_243 = arith.constant 18 : i32
      %add3A_244 = arith.addi %mul3A_125, %add3A_243 : i32
      %add3A_245 = vector.broadcast %add3A_244 : i32 to vector<16xi32>
      %add3A_246 = arith.addi %mul3A_3, %add3A_245 : vector<16xi32>
      %gather3A_247 = tpu.vector_load_idx %arg8[%add3A_246] : memref<3328xf32, #tpu.memory_space<vmem>>[vector<16xi32>], vector<16xf32>,
      %add3A_248 = arith.addf %add3A_242, %gather3A_247 : vector<16xf32>
      %add3A_249 = arith.constant 19 : i32
      %add3A_250 = arith.addi %mul3A_125, %add3A_249 : i32
      %add3A_251 = vector.broadcast %add3A_250 : i32 to vector<16xi32>
      %add3A_252 = arith.addi %mul3A_3, %add3A_251 : vector<16xi32>
      %gather3A_253 = tpu.vector_load_idx %arg8[%add3A_252] : memref<3328xf32, #tpu.memory_space<vmem>>[vector<16xi32>], vector<16xf32>,
      %add3A_254 = arith.addf %add3A_248, %gather3A_253 : vector<16xf32>
      %add3A_255 = arith.constant 20 : i32
      %add3A_256 = arith.addi %mul3A_125, %add3A_255 : i32
      %add3A_257 = vector.broadcast %add3A_256 : i32 to vector<16xi32>
      %add3A_258 = arith.addi %mul3A_3, %add3A_257 : vector<16xi32>
      %gather3A_259 = tpu.vector_load_idx %arg8[%add3A_258] : memref<3328xf32, #tpu.memory_space<vmem>>[vector<16xi32>], vector<16xf32>,
      %add3A_260 = arith.addf %add3A_254, %gather3A_259 : vector<16xf32>
      %add3A_261 = arith.constant 21 : i32
      %add3A_262 = arith.addi %mul3A_125, %add3A_261 : i32
      %add3A_263 = vector.broadcast %add3A_262 : i32 to vector<16xi32>
      %add3A_264 = arith.addi %mul3A_3, %add3A_263 : vector<16xi32>
      %gather3A_265 = tpu.vector_load_idx %arg8[%add3A_264] : memref<3328xf32, #tpu.memory_space<vmem>>[vector<16xi32>], vector<16xf32>,
      %add3A_266 = arith.addf %add3A_260, %gather3A_265 : vector<16xf32>
      %add3A_267 = arith.constant 22 : i32
      %add3A_268 = arith.addi %mul3A_125, %add3A_267 : i32
      %add3A_269 = vector.broadcast %add3A_268 : i32 to vector<16xi32>
      %add3A_270 = arith.addi %mul3A_3, %add3A_269 : vector<16xi32>
      %gather3A_271 = tpu.vector_load_idx %arg8[%add3A_270] : memref<3328xf32, #tpu.memory_space<vmem>>[vector<16xi32>], vector<16xf32>,
      %add3A_272 = arith.addf %add3A_266, %gather3A_271 : vector<16xf32>
      %add3A_273 = arith.constant 23 : i32
      %add3A_274 = arith.addi %mul3A_125, %add3A_273 : i32
      %add3A_275 = vector.broadcast %add3A_274 : i32 to vector<16xi32>
      %add3A_276 = arith.addi %mul3A_3, %add3A_275 : vector<16xi32>
      %gather3A_277 = tpu.vector_load_idx %arg8[%add3A_276] : memref<3328xf32, #tpu.memory_space<vmem>>[vector<16xi32>], vector<16xf32>,
      %add3A_278 = arith.addf %add3A_272, %gather3A_277 : vector<16xf32>
      %add3A_279 = arith.constant 24 : i32
      %add3A_280 = arith.addi %mul3A_125, %add3A_279 : i32
      %add3A_281 = vector.broadcast %add3A_280 : i32 to vector<16xi32>
      %add3A_282 = arith.addi %mul3A_3, %add3A_281 : vector<16xi32>
      %gather3A_283 = tpu.vector_load_idx %arg8[%add3A_282] : memref<3328xf32, #tpu.memory_space<vmem>>[vector<16xi32>], vector<16xf32>,
      %add3A_284 = arith.addf %add3A_278, %gather3A_283 : vector<16xf32>
      %add3A_285 = arith.constant 25 : i32
      %add3A_286 = arith.addi %mul3A_125, %add3A_285 : i32
      %add3A_287 = vector.broadcast %add3A_286 : i32 to vector<16xi32>
      %add3A_288 = arith.addi %mul3A_3, %add3A_287 : vector<16xi32>
      %gather3A_289 = tpu.vector_load_idx %arg8[%add3A_288] : memref<3328xf32, #tpu.memory_space<vmem>>[vector<16xi32>], vector<16xf32>,
      %add3A_290 = arith.addf %add3A_284, %gather3A_289 : vector<16xf32>
      %neg3A = arith.constant 0.000000e+00 : f32
      %neg3A_291 = vector.broadcast %neg3A : f32 to vector<16xf32>
      %neg3A_292 = arith.subf %neg3A_291, %add3A_290 : vector<16xf32>
      %exp3A = math.exp %neg3A_292 : vector<16xf32>
      %add3A_293 = arith.constant 1.000000e+00 : f32
      %add3A_294 = vector.broadcast %add3A_293 : f32 to vector<16xf32>
      %add3A_295 = arith.addf %add3A_294, %exp3A : vector<16xf32>
      %div3A = arith.constant 1.000000e+00 : f32
      %div3A_296 = vector.broadcast %div3A : f32 to vector<16xf32>
      %div3A_297 = arith.divf %div3A_296, %add3A_295 : vector<16xf32>
      %mul3A_298 = arith.constant 16 : i32
      %mul3A_299 = arith.muli %scan3A_122, %mul3A_298 : i32
      %swap3A = arith.index_cast %mul3A_299 : i32 to index
      %swap3A_300 = tpu.vector_load %arg9[%swap3A] {strides = array<i32>} : memref<128xf32, #tpu.memory_space<vmem>>, vector<16xf32>,
      tpu.vector_store %arg9[%swap3A], %div3A_297 {strides = array<i32>} : memref<128xf32, #tpu.memory_space<vmem>>, vector<16xf32>,
      %scan3A_301 = arith.constant 0 : i32
      scf.yield %scan3A_301 : i32
    }
    %scan3A_60 = arith.constant 8 : i32
    %barrier3A_61 = arith.constant 0 : index
    tpu.barrier barrier_id(%barrier3A_61)
    "tpu.region"() ({
      %run_scoped3A = tpu.sem_alloc : memref<!tpu.dma_semaphore, #tpu.memory_space<semaphore_mem>>
      %dma_start3A = tpu.memref_slice %arg5[%add3A_35] : memref<16384xf32, #tpu.memory_space<hbm>> -> memref<128xf32, #tpu.memory_space<hbm>>
      %dma_start3A_122 = tpu.memref_slice %arg5[%add3A_35] : memref<16384xf32, #tpu.memory_space<hbm>> -> memref<128xf32, #tpu.memory_space<hbm>>
      tpu.enqueue_dma source(%arg9 : memref<128xf32, #tpu.memory_space<vmem>>) target(%dma_start3A_122 : memref<128xf32, #tpu.memory_space<hbm>>) target_semaphore(%run_scoped3A : memref<!tpu.dma_semaphore, #tpu.memory_space<semaphore_mem>>)
      %dma_wait3A = tpu.memref_slice %arg5[%add3A_35] : memref<16384xf32, #tpu.memory_space<hbm>> -> memref<128xf32, #tpu.memory_space<hbm>>
      %dma_wait3A_123 = tpu.memref_slice %arg5[%add3A_35] : memref<16384xf32, #tpu.memory_space<hbm>> -> memref<128xf32, #tpu.memory_space<hbm>>
      tpu.wait_dma2 semaphore(%run_scoped3A : memref<!tpu.dma_semaphore, #tpu.memory_space<semaphore_mem>>) src(%arg9 : memref<128xf32, #tpu.memory_space<vmem>>) dst(%dma_wait3A_123 : memref<128xf32, #tpu.memory_space<hbm>>)
      tpu.yield
    }) : () -> ()
    %mul3A_62 = arith.constant 512 : i32
    %mul3A_63 = arith.muli %add3A, %mul3A_62 : i32
    %add3A_64 = arith.constant 256 : i32
    %add3A_65 = arith.addi %mul3A_63, %add3A_64 : i32
    %mul3A_66 = arith.constant 104 : i32
    %mul3A_67 = arith.muli %add3A, %mul3A_66 : i32
    %add3A_68 = arith.constant 52 : i32
    %add3A_69 = arith.addi %mul3A_67, %add3A_68 : i32
    "tpu.region"() ({
      %run_scoped3A = tpu.sem_alloc : memref<!tpu.dma_semaphore, #tpu.memory_space<semaphore_mem>>
      %dma_start3A = arith.constant 0 : i32
      %dma_start3A_122 = tpu.memref_slice %arg2[%add3A_69, %dma_start3A] : memref<3328x128xi32, #tpu.memory_space<hbm>> -> memref<26x128xi32, #tpu.memory_space<hbm>>
      %dma_start3A_123 = arith.constant 0 : i32
      %dma_start3A_124 = tpu.memref_slice %arg2[%add3A_69, %dma_start3A_123] : memref<3328x128xi32, #tpu.memory_space<hbm>> -> memref<26x128xi32, #tpu.memory_space<hbm>>
      tpu.enqueue_dma source(%dma_start3A_124 : memref<26x128xi32, #tpu.memory_space<hbm>>) target(%arg6 : memref<26x128xi32, #tpu.memory_space<vmem>>) target_semaphore(%run_scoped3A : memref<!tpu.dma_semaphore, #tpu.memory_space<semaphore_mem>>)
      %dma_wait3A = arith.constant 0 : i32
      %dma_wait3A_125 = tpu.memref_slice %arg2[%add3A_69, %dma_wait3A] : memref<3328x128xi32, #tpu.memory_space<hbm>> -> memref<26x128xi32, #tpu.memory_space<hbm>>
      %dma_wait3A_126 = arith.constant 0 : i32
      %dma_wait3A_127 = tpu.memref_slice %arg2[%add3A_69, %dma_wait3A_126] : memref<3328x128xi32, #tpu.memory_space<hbm>> -> memref<26x128xi32, #tpu.memory_space<hbm>>
      tpu.wait_dma2 semaphore(%run_scoped3A : memref<!tpu.dma_semaphore, #tpu.memory_space<semaphore_mem>>) src(%dma_wait3A_127 : memref<26x128xi32, #tpu.memory_space<hbm>>) dst(%arg6 : memref<26x128xi32, #tpu.memory_space<vmem>>)
      tpu.yield
    }) : () -> ()
    %scan3A_70 = arith.constant 0 : i32
    %scan3A_71 = arith.constant 0 : i32
    %scan3A_72 = arith.constant 26 : i32
    %scan3A_73 = arith.addi %scan3A_71, %scan3A_72 : i32
    %scan3A_74 = arith.constant 1 : i32
    %scan3A_75 = scf.for %scan3A_122 = %scan3A_71 to %scan3A_73 step %scan3A_74 iter_args(%scan3A_123 = %scan3A_70) -> (i32)  : i32 {
      %mul3A_124 = arith.constant 128 : i32
      %mul3A_125 = arith.muli %scan3A_122, %mul3A_124 : i32
      %dma_start3A = arith.constant 0 : i32
      %dma_start3A_126 = tpu.memref_slice %arg7[%mul3A_125, %dma_start3A] : memref<3328x16xf32, #tpu.memory_space<vmem>> -> memref<128x16xf32, #tpu.memory_space<vmem>>
      %dma_start3A_127 = arith.constant 0 : i32
      %dma_start3A_128 = tpu.memref_slice %arg6[%scan3A_122, %dma_start3A_127] : memref<26x128xi32, #tpu.memory_space<vmem>> -> memref<1x128xi32, #tpu.memory_space<vmem>>
      %dma_start3A_129 = tpu.memref_squeeze %dma_start3A_128 : memref<1x128xi32, #tpu.memory_space<vmem>> -> memref<128xi32, #tpu.memory_space<vmem>>
      %dma_start3A_130 = arith.constant 0 : i32
      %dma_start3A_131 = arith.constant 0 : i32
      %dma_start3A_132 = tpu.memref_slice %arg3[%dma_start3A_130, %dma_start3A_131] : memref<2600000x16xf32, #tpu.memory_space<hbm>> -> memref<2600000x16xf32, #tpu.memory_space<hbm>>
      tpu.enqueue_indirect_dma source(%dma_start3A_132 : memref<2600000x16xf32, #tpu.memory_space<hbm>>) target(%dma_start3A_126 : memref<128x16xf32, #tpu.memory_space<vmem>>) offsets(%dma_start3A_129 : memref<128xi32, #tpu.memory_space<vmem>>) semaphore(%arg10 : memref<!tpu.dma_semaphore, #tpu.memory_space<semaphore_mem>>)
      %mul3A_133 = arith.constant 128 : i32
      %mul3A_134 = arith.muli %scan3A_122, %mul3A_133 : i32
      %dma_start3A_135 = tpu.memref_slice %arg8[%mul3A_134] : memref<3328xf32, #tpu.memory_space<vmem>> -> memref<128xf32, #tpu.memory_space<vmem>>
      %dma_start3A_136 = arith.constant 0 : i32
      %dma_start3A_137 = tpu.memref_slice %arg6[%scan3A_122, %dma_start3A_136] : memref<26x128xi32, #tpu.memory_space<vmem>> -> memref<1x128xi32, #tpu.memory_space<vmem>>
      %dma_start3A_138 = tpu.memref_squeeze %dma_start3A_137 : memref<1x128xi32, #tpu.memory_space<vmem>> -> memref<128xi32, #tpu.memory_space<vmem>>
      %dma_start3A_139 = arith.constant 0 : i32
      %dma_start3A_140 = tpu.memref_slice %arg4[%dma_start3A_139] : memref<2600000xf32, #tpu.memory_space<hbm>> -> memref<2600000xf32, #tpu.memory_space<hbm>>
      tpu.enqueue_indirect_dma source(%dma_start3A_140 : memref<2600000xf32, #tpu.memory_space<hbm>>) target(%dma_start3A_135 : memref<128xf32, #tpu.memory_space<vmem>>) offsets(%dma_start3A_138 : memref<128xi32, #tpu.memory_space<vmem>>) semaphore(%arg11 : memref<!tpu.dma_semaphore, #tpu.memory_space<semaphore_mem>>)
      %scan3A_141 = arith.constant 0 : i32
      scf.yield %scan3A_141 : i32
    }
    %scan3A_76 = arith.constant 26 : i32
    %scan3A_77 = arith.constant 0 : i32
    %scan3A_78 = arith.constant 0 : i32
    %scan3A_79 = arith.constant 26 : i32
    %scan3A_80 = arith.addi %scan3A_78, %scan3A_79 : i32
    %scan3A_81 = arith.constant 1 : i32
    %scan3A_82 = scf.for %scan3A_122 = %scan3A_78 to %scan3A_80 step %scan3A_81 iter_args(%scan3A_123 = %scan3A_77) -> (i32)  : i32 {
      %mul3A_124 = arith.constant 128 : i32
      %mul3A_125 = arith.muli %scan3A_122, %mul3A_124 : i32
      %dma_wait3A = arith.constant 0 : i32
      %dma_wait3A_126 = tpu.memref_slice %arg7[%mul3A_125, %dma_wait3A] : memref<3328x16xf32, #tpu.memory_space<vmem>> -> memref<128x16xf32, #tpu.memory_space<vmem>>
      %dma_wait3A_127 = arith.constant 0 : i32
      %dma_wait3A_128 = tpu.memref_slice %arg6[%scan3A_122, %dma_wait3A_127] : memref<26x128xi32, #tpu.memory_space<vmem>> -> memref<1x128xi32, #tpu.memory_space<vmem>>
      %dma_wait3A_129 = tpu.memref_squeeze %dma_wait3A_128 : memref<1x128xi32, #tpu.memory_space<vmem>> -> memref<128xi32, #tpu.memory_space<vmem>>
      %dma_wait3A_130 = arith.constant 0 : i32
      %dma_wait3A_131 = arith.constant 0 : i32
      %dma_wait3A_132 = tpu.memref_slice %arg3[%dma_wait3A_130, %dma_wait3A_131] : memref<2600000x16xf32, #tpu.memory_space<hbm>> -> memref<2600000x16xf32, #tpu.memory_space<hbm>>
      tpu.wait_indirect_dma semaphore(%arg10 : memref<!tpu.dma_semaphore, #tpu.memory_space<semaphore_mem>>) src(%dma_wait3A_132 : memref<2600000x16xf32, #tpu.memory_space<hbm>>) dst(%dma_wait3A_126 : memref<128x16xf32, #tpu.memory_space<vmem>>)
      %mul3A_133 = arith.constant 128 : i32
      %mul3A_134 = arith.muli %scan3A_122, %mul3A_133 : i32
      %dma_wait3A_135 = tpu.memref_slice %arg8[%mul3A_134] : memref<3328xf32, #tpu.memory_space<vmem>> -> memref<128xf32, #tpu.memory_space<vmem>>
      %dma_wait3A_136 = arith.constant 0 : i32
      %dma_wait3A_137 = tpu.memref_slice %arg6[%scan3A_122, %dma_wait3A_136] : memref<26x128xi32, #tpu.memory_space<vmem>> -> memref<1x128xi32, #tpu.memory_space<vmem>>
      %dma_wait3A_138 = tpu.memref_squeeze %dma_wait3A_137 : memref<1x128xi32, #tpu.memory_space<vmem>> -> memref<128xi32, #tpu.memory_space<vmem>>
      %dma_wait3A_139 = arith.constant 0 : i32
      %dma_wait3A_140 = tpu.memref_slice %arg4[%dma_wait3A_139] : memref<2600000xf32, #tpu.memory_space<hbm>> -> memref<2600000xf32, #tpu.memory_space<hbm>>
      tpu.wait_indirect_dma semaphore(%arg11 : memref<!tpu.dma_semaphore, #tpu.memory_space<semaphore_mem>>) src(%dma_wait3A_140 : memref<2600000xf32, #tpu.memory_space<hbm>>) dst(%dma_wait3A_135 : memref<128xf32, #tpu.memory_space<vmem>>)
      %scan3A_141 = arith.constant 0 : i32
      scf.yield %scan3A_141 : i32
    }
    %scan3A_83 = arith.constant 26 : i32
    %scan3A_84 = arith.constant 0 : i32
    %scan3A_85 = arith.constant 0 : i32
    %scan3A_86 = arith.constant 8 : i32
    %scan3A_87 = arith.addi %scan3A_85, %scan3A_86 : i32
    %scan3A_88 = arith.constant 1 : i32
    %scan3A_89 = scf.for %scan3A_122 = %scan3A_85 to %scan3A_87 step %scan3A_88 iter_args(%scan3A_123 = %scan3A_84) -> (i32)  : i32 {
      %mul3A_124 = arith.constant 416 : i32
      %mul3A_125 = arith.muli %scan3A_122, %mul3A_124 : i32
      %broadcast_in_dim3A = arith.constant 0.000000e+00 : f32
      %broadcast_in_dim3A_126 = vector.broadcast %broadcast_in_dim3A : f32 to vector<16xf32>
      %scan3A_127 = arith.constant 0 : i32
      %scan3A_128 = arith.constant 16 : i32
      %scan3A_129 = arith.addi %scan3A_127, %scan3A_128 : i32
      %scan3A_130 = arith.constant 1 : i32
      %scan3A_131:2 = scf.for %scan3A_302 = %scan3A_127 to %scan3A_129 step %scan3A_130 iter_args(%scan3A_303 = %broadcast_in_dim3A_126, %scan3A_304 = %broadcast_in_dim3A_126) -> (vector<16xf32>, vector<16xf32>)  : i32 {
        %broadcast_in_dim3A_305 = vector.broadcast %scan3A_302 : i32 to vector<16xi32>
        %add3A_306 = arith.constant 0 : i32
        %add3A_307 = arith.addi %mul3A_125, %add3A_306 : i32
        %add3A_308 = vector.broadcast %add3A_307 : i32 to vector<16xi32>
        %add3A_309 = arith.addi %mul3A_3, %add3A_308 : vector<16xi32>
        %gather3A_310 = tpu.vector_load_idx %arg7[%add3A_309, %broadcast_in_dim3A_305] : memref<3328x16xf32, #tpu.memory_space<vmem>>[vector<16xi32>, vector<16xi32>], vector<16xf32>,
        %add3A_311 = arith.addf %broadcast_in_dim3A_126, %gather3A_310 : vector<16xf32>
        %mul3A_312 = arith.mulf %gather3A_310, %gather3A_310 : vector<16xf32>
        %add3A_313 = arith.addf %scan3A_304, %mul3A_312 : vector<16xf32>
        %add3A_314 = arith.constant 1 : i32
        %add3A_315 = arith.addi %mul3A_125, %add3A_314 : i32
        %add3A_316 = vector.broadcast %add3A_315 : i32 to vector<16xi32>
        %add3A_317 = arith.addi %mul3A_3, %add3A_316 : vector<16xi32>
        %gather3A_318 = tpu.vector_load_idx %arg7[%add3A_317, %broadcast_in_dim3A_305] : memref<3328x16xf32, #tpu.memory_space<vmem>>[vector<16xi32>, vector<16xi32>], vector<16xf32>,
        %add3A_319 = arith.addf %add3A_311, %gather3A_318 : vector<16xf32>
        %mul3A_320 = arith.mulf %gather3A_318, %gather3A_318 : vector<16xf32>
        %add3A_321 = arith.addf %add3A_313, %mul3A_320 : vector<16xf32>
        %add3A_322 = arith.constant 2 : i32
        %add3A_323 = arith.addi %mul3A_125, %add3A_322 : i32
        %add3A_324 = vector.broadcast %add3A_323 : i32 to vector<16xi32>
        %add3A_325 = arith.addi %mul3A_3, %add3A_324 : vector<16xi32>
        %gather3A_326 = tpu.vector_load_idx %arg7[%add3A_325, %broadcast_in_dim3A_305] : memref<3328x16xf32, #tpu.memory_space<vmem>>[vector<16xi32>, vector<16xi32>], vector<16xf32>,
        %add3A_327 = arith.addf %add3A_319, %gather3A_326 : vector<16xf32>
        %mul3A_328 = arith.mulf %gather3A_326, %gather3A_326 : vector<16xf32>
        %add3A_329 = arith.addf %add3A_321, %mul3A_328 : vector<16xf32>
        %add3A_330 = arith.constant 3 : i32
        %add3A_331 = arith.addi %mul3A_125, %add3A_330 : i32
        %add3A_332 = vector.broadcast %add3A_331 : i32 to vector<16xi32>
        %add3A_333 = arith.addi %mul3A_3, %add3A_332 : vector<16xi32>
        %gather3A_334 = tpu.vector_load_idx %arg7[%add3A_333, %broadcast_in_dim3A_305] : memref<3328x16xf32, #tpu.memory_space<vmem>>[vector<16xi32>, vector<16xi32>], vector<16xf32>,
        %add3A_335 = arith.addf %add3A_327, %gather3A_334 : vector<16xf32>
        %mul3A_336 = arith.mulf %gather3A_334, %gather3A_334 : vector<16xf32>
        %add3A_337 = arith.addf %add3A_329, %mul3A_336 : vector<16xf32>
        %add3A_338 = arith.constant 4 : i32
        %add3A_339 = arith.addi %mul3A_125, %add3A_338 : i32
        %add3A_340 = vector.broadcast %add3A_339 : i32 to vector<16xi32>
        %add3A_341 = arith.addi %mul3A_3, %add3A_340 : vector<16xi32>
        %gather3A_342 = tpu.vector_load_idx %arg7[%add3A_341, %broadcast_in_dim3A_305] : memref<3328x16xf32, #tpu.memory_space<vmem>>[vector<16xi32>, vector<16xi32>], vector<16xf32>,
        %add3A_343 = arith.addf %add3A_335, %gather3A_342 : vector<16xf32>
        %mul3A_344 = arith.mulf %gather3A_342, %gather3A_342 : vector<16xf32>
        %add3A_345 = arith.addf %add3A_337, %mul3A_344 : vector<16xf32>
        %add3A_346 = arith.constant 5 : i32
        %add3A_347 = arith.addi %mul3A_125, %add3A_346 : i32
        %add3A_348 = vector.broadcast %add3A_347 : i32 to vector<16xi32>
        %add3A_349 = arith.addi %mul3A_3, %add3A_348 : vector<16xi32>
        %gather3A_350 = tpu.vector_load_idx %arg7[%add3A_349, %broadcast_in_dim3A_305] : memref<3328x16xf32, #tpu.memory_space<vmem>>[vector<16xi32>, vector<16xi32>], vector<16xf32>,
        %add3A_351 = arith.addf %add3A_343, %gather3A_350 : vector<16xf32>
        %mul3A_352 = arith.mulf %gather3A_350, %gather3A_350 : vector<16xf32>
        %add3A_353 = arith.addf %add3A_345, %mul3A_352 : vector<16xf32>
        %add3A_354 = arith.constant 6 : i32
        %add3A_355 = arith.addi %mul3A_125, %add3A_354 : i32
        %add3A_356 = vector.broadcast %add3A_355 : i32 to vector<16xi32>
        %add3A_357 = arith.addi %mul3A_3, %add3A_356 : vector<16xi32>
        %gather3A_358 = tpu.vector_load_idx %arg7[%add3A_357, %broadcast_in_dim3A_305] : memref<3328x16xf32, #tpu.memory_space<vmem>>[vector<16xi32>, vector<16xi32>], vector<16xf32>,
        %add3A_359 = arith.addf %add3A_351, %gather3A_358 : vector<16xf32>
        %mul3A_360 = arith.mulf %gather3A_358, %gather3A_358 : vector<16xf32>
        %add3A_361 = arith.addf %add3A_353, %mul3A_360 : vector<16xf32>
        %add3A_362 = arith.constant 7 : i32
        %add3A_363 = arith.addi %mul3A_125, %add3A_362 : i32
        %add3A_364 = vector.broadcast %add3A_363 : i32 to vector<16xi32>
        %add3A_365 = arith.addi %mul3A_3, %add3A_364 : vector<16xi32>
        %gather3A_366 = tpu.vector_load_idx %arg7[%add3A_365, %broadcast_in_dim3A_305] : memref<3328x16xf32, #tpu.memory_space<vmem>>[vector<16xi32>, vector<16xi32>], vector<16xf32>,
        %add3A_367 = arith.addf %add3A_359, %gather3A_366 : vector<16xf32>
        %mul3A_368 = arith.mulf %gather3A_366, %gather3A_366 : vector<16xf32>
        %add3A_369 = arith.addf %add3A_361, %mul3A_368 : vector<16xf32>
        %add3A_370 = arith.constant 8 : i32
        %add3A_371 = arith.addi %mul3A_125, %add3A_370 : i32
        %add3A_372 = vector.broadcast %add3A_371 : i32 to vector<16xi32>
        %add3A_373 = arith.addi %mul3A_3, %add3A_372 : vector<16xi32>
        %gather3A_374 = tpu.vector_load_idx %arg7[%add3A_373, %broadcast_in_dim3A_305] : memref<3328x16xf32, #tpu.memory_space<vmem>>[vector<16xi32>, vector<16xi32>], vector<16xf32>,
        %add3A_375 = arith.addf %add3A_367, %gather3A_374 : vector<16xf32>
        %mul3A_376 = arith.mulf %gather3A_374, %gather3A_374 : vector<16xf32>
        %add3A_377 = arith.addf %add3A_369, %mul3A_376 : vector<16xf32>
        %add3A_378 = arith.constant 9 : i32
        %add3A_379 = arith.addi %mul3A_125, %add3A_378 : i32
        %add3A_380 = vector.broadcast %add3A_379 : i32 to vector<16xi32>
        %add3A_381 = arith.addi %mul3A_3, %add3A_380 : vector<16xi32>
        %gather3A_382 = tpu.vector_load_idx %arg7[%add3A_381, %broadcast_in_dim3A_305] : memref<3328x16xf32, #tpu.memory_space<vmem>>[vector<16xi32>, vector<16xi32>], vector<16xf32>,
        %add3A_383 = arith.addf %add3A_375, %gather3A_382 : vector<16xf32>
        %mul3A_384 = arith.mulf %gather3A_382, %gather3A_382 : vector<16xf32>
        %add3A_385 = arith.addf %add3A_377, %mul3A_384 : vector<16xf32>
        %add3A_386 = arith.constant 10 : i32
        %add3A_387 = arith.addi %mul3A_125, %add3A_386 : i32
        %add3A_388 = vector.broadcast %add3A_387 : i32 to vector<16xi32>
        %add3A_389 = arith.addi %mul3A_3, %add3A_388 : vector<16xi32>
        %gather3A_390 = tpu.vector_load_idx %arg7[%add3A_389, %broadcast_in_dim3A_305] : memref<3328x16xf32, #tpu.memory_space<vmem>>[vector<16xi32>, vector<16xi32>], vector<16xf32>,
        %add3A_391 = arith.addf %add3A_383, %gather3A_390 : vector<16xf32>
        %mul3A_392 = arith.mulf %gather3A_390, %gather3A_390 : vector<16xf32>
        %add3A_393 = arith.addf %add3A_385, %mul3A_392 : vector<16xf32>
        %add3A_394 = arith.constant 11 : i32
        %add3A_395 = arith.addi %mul3A_125, %add3A_394 : i32
        %add3A_396 = vector.broadcast %add3A_395 : i32 to vector<16xi32>
        %add3A_397 = arith.addi %mul3A_3, %add3A_396 : vector<16xi32>
        %gather3A_398 = tpu.vector_load_idx %arg7[%add3A_397, %broadcast_in_dim3A_305] : memref<3328x16xf32, #tpu.memory_space<vmem>>[vector<16xi32>, vector<16xi32>], vector<16xf32>,
        %add3A_399 = arith.addf %add3A_391, %gather3A_398 : vector<16xf32>
        %mul3A_400 = arith.mulf %gather3A_398, %gather3A_398 : vector<16xf32>
        %add3A_401 = arith.addf %add3A_393, %mul3A_400 : vector<16xf32>
        %add3A_402 = arith.constant 12 : i32
        %add3A_403 = arith.addi %mul3A_125, %add3A_402 : i32
        %add3A_404 = vector.broadcast %add3A_403 : i32 to vector<16xi32>
        %add3A_405 = arith.addi %mul3A_3, %add3A_404 : vector<16xi32>
        %gather3A_406 = tpu.vector_load_idx %arg7[%add3A_405, %broadcast_in_dim3A_305] : memref<3328x16xf32, #tpu.memory_space<vmem>>[vector<16xi32>, vector<16xi32>], vector<16xf32>,
        %add3A_407 = arith.addf %add3A_399, %gather3A_406 : vector<16xf32>
        %mul3A_408 = arith.mulf %gather3A_406, %gather3A_406 : vector<16xf32>
        %add3A_409 = arith.addf %add3A_401, %mul3A_408 : vector<16xf32>
        %add3A_410 = arith.constant 13 : i32
        %add3A_411 = arith.addi %mul3A_125, %add3A_410 : i32
        %add3A_412 = vector.broadcast %add3A_411 : i32 to vector<16xi32>
        %add3A_413 = arith.addi %mul3A_3, %add3A_412 : vector<16xi32>
        %gather3A_414 = tpu.vector_load_idx %arg7[%add3A_413, %broadcast_in_dim3A_305] : memref<3328x16xf32, #tpu.memory_space<vmem>>[vector<16xi32>, vector<16xi32>], vector<16xf32>,
        %add3A_415 = arith.addf %add3A_407, %gather3A_414 : vector<16xf32>
        %mul3A_416 = arith.mulf %gather3A_414, %gather3A_414 : vector<16xf32>
        %add3A_417 = arith.addf %add3A_409, %mul3A_416 : vector<16xf32>
        %add3A_418 = arith.constant 14 : i32
        %add3A_419 = arith.addi %mul3A_125, %add3A_418 : i32
        %add3A_420 = vector.broadcast %add3A_419 : i32 to vector<16xi32>
        %add3A_421 = arith.addi %mul3A_3, %add3A_420 : vector<16xi32>
        %gather3A_422 = tpu.vector_load_idx %arg7[%add3A_421, %broadcast_in_dim3A_305] : memref<3328x16xf32, #tpu.memory_space<vmem>>[vector<16xi32>, vector<16xi32>], vector<16xf32>,
        %add3A_423 = arith.addf %add3A_415, %gather3A_422 : vector<16xf32>
        %mul3A_424 = arith.mulf %gather3A_422, %gather3A_422 : vector<16xf32>
        %add3A_425 = arith.addf %add3A_417, %mul3A_424 : vector<16xf32>
        %add3A_426 = arith.constant 15 : i32
        %add3A_427 = arith.addi %mul3A_125, %add3A_426 : i32
        %add3A_428 = vector.broadcast %add3A_427 : i32 to vector<16xi32>
        %add3A_429 = arith.addi %mul3A_3, %add3A_428 : vector<16xi32>
        %gather3A_430 = tpu.vector_load_idx %arg7[%add3A_429, %broadcast_in_dim3A_305] : memref<3328x16xf32, #tpu.memory_space<vmem>>[vector<16xi32>, vector<16xi32>], vector<16xf32>,
        %add3A_431 = arith.addf %add3A_423, %gather3A_430 : vector<16xf32>
        %mul3A_432 = arith.mulf %gather3A_430, %gather3A_430 : vector<16xf32>
        %add3A_433 = arith.addf %add3A_425, %mul3A_432 : vector<16xf32>
        %add3A_434 = arith.constant 16 : i32
        %add3A_435 = arith.addi %mul3A_125, %add3A_434 : i32
        %add3A_436 = vector.broadcast %add3A_435 : i32 to vector<16xi32>
        %add3A_437 = arith.addi %mul3A_3, %add3A_436 : vector<16xi32>
        %gather3A_438 = tpu.vector_load_idx %arg7[%add3A_437, %broadcast_in_dim3A_305] : memref<3328x16xf32, #tpu.memory_space<vmem>>[vector<16xi32>, vector<16xi32>], vector<16xf32>,
        %add3A_439 = arith.addf %add3A_431, %gather3A_438 : vector<16xf32>
        %mul3A_440 = arith.mulf %gather3A_438, %gather3A_438 : vector<16xf32>
        %add3A_441 = arith.addf %add3A_433, %mul3A_440 : vector<16xf32>
        %add3A_442 = arith.constant 17 : i32
        %add3A_443 = arith.addi %mul3A_125, %add3A_442 : i32
        %add3A_444 = vector.broadcast %add3A_443 : i32 to vector<16xi32>
        %add3A_445 = arith.addi %mul3A_3, %add3A_444 : vector<16xi32>
        %gather3A_446 = tpu.vector_load_idx %arg7[%add3A_445, %broadcast_in_dim3A_305] : memref<3328x16xf32, #tpu.memory_space<vmem>>[vector<16xi32>, vector<16xi32>], vector<16xf32>,
        %add3A_447 = arith.addf %add3A_439, %gather3A_446 : vector<16xf32>
        %mul3A_448 = arith.mulf %gather3A_446, %gather3A_446 : vector<16xf32>
        %add3A_449 = arith.addf %add3A_441, %mul3A_448 : vector<16xf32>
        %add3A_450 = arith.constant 18 : i32
        %add3A_451 = arith.addi %mul3A_125, %add3A_450 : i32
        %add3A_452 = vector.broadcast %add3A_451 : i32 to vector<16xi32>
        %add3A_453 = arith.addi %mul3A_3, %add3A_452 : vector<16xi32>
        %gather3A_454 = tpu.vector_load_idx %arg7[%add3A_453, %broadcast_in_dim3A_305] : memref<3328x16xf32, #tpu.memory_space<vmem>>[vector<16xi32>, vector<16xi32>], vector<16xf32>,
        %add3A_455 = arith.addf %add3A_447, %gather3A_454 : vector<16xf32>
        %mul3A_456 = arith.mulf %gather3A_454, %gather3A_454 : vector<16xf32>
        %add3A_457 = arith.addf %add3A_449, %mul3A_456 : vector<16xf32>
        %add3A_458 = arith.constant 19 : i32
        %add3A_459 = arith.addi %mul3A_125, %add3A_458 : i32
        %add3A_460 = vector.broadcast %add3A_459 : i32 to vector<16xi32>
        %add3A_461 = arith.addi %mul3A_3, %add3A_460 : vector<16xi32>
        %gather3A_462 = tpu.vector_load_idx %arg7[%add3A_461, %broadcast_in_dim3A_305] : memref<3328x16xf32, #tpu.memory_space<vmem>>[vector<16xi32>, vector<16xi32>], vector<16xf32>,
        %add3A_463 = arith.addf %add3A_455, %gather3A_462 : vector<16xf32>
        %mul3A_464 = arith.mulf %gather3A_462, %gather3A_462 : vector<16xf32>
        %add3A_465 = arith.addf %add3A_457, %mul3A_464 : vector<16xf32>
        %add3A_466 = arith.constant 20 : i32
        %add3A_467 = arith.addi %mul3A_125, %add3A_466 : i32
        %add3A_468 = vector.broadcast %add3A_467 : i32 to vector<16xi32>
        %add3A_469 = arith.addi %mul3A_3, %add3A_468 : vector<16xi32>
        %gather3A_470 = tpu.vector_load_idx %arg7[%add3A_469, %broadcast_in_dim3A_305] : memref<3328x16xf32, #tpu.memory_space<vmem>>[vector<16xi32>, vector<16xi32>], vector<16xf32>,
        %add3A_471 = arith.addf %add3A_463, %gather3A_470 : vector<16xf32>
        %mul3A_472 = arith.mulf %gather3A_470, %gather3A_470 : vector<16xf32>
        %add3A_473 = arith.addf %add3A_465, %mul3A_472 : vector<16xf32>
        %add3A_474 = arith.constant 21 : i32
        %add3A_475 = arith.addi %mul3A_125, %add3A_474 : i32
        %add3A_476 = vector.broadcast %add3A_475 : i32 to vector<16xi32>
        %add3A_477 = arith.addi %mul3A_3, %add3A_476 : vector<16xi32>
        %gather3A_478 = tpu.vector_load_idx %arg7[%add3A_477, %broadcast_in_dim3A_305] : memref<3328x16xf32, #tpu.memory_space<vmem>>[vector<16xi32>, vector<16xi32>], vector<16xf32>,
        %add3A_479 = arith.addf %add3A_471, %gather3A_478 : vector<16xf32>
        %mul3A_480 = arith.mulf %gather3A_478, %gather3A_478 : vector<16xf32>
        %add3A_481 = arith.addf %add3A_473, %mul3A_480 : vector<16xf32>
        %add3A_482 = arith.constant 22 : i32
        %add3A_483 = arith.addi %mul3A_125, %add3A_482 : i32
        %add3A_484 = vector.broadcast %add3A_483 : i32 to vector<16xi32>
        %add3A_485 = arith.addi %mul3A_3, %add3A_484 : vector<16xi32>
        %gather3A_486 = tpu.vector_load_idx %arg7[%add3A_485, %broadcast_in_dim3A_305] : memref<3328x16xf32, #tpu.memory_space<vmem>>[vector<16xi32>, vector<16xi32>], vector<16xf32>,
        %add3A_487 = arith.addf %add3A_479, %gather3A_486 : vector<16xf32>
        %mul3A_488 = arith.mulf %gather3A_486, %gather3A_486 : vector<16xf32>
        %add3A_489 = arith.addf %add3A_481, %mul3A_488 : vector<16xf32>
        %add3A_490 = arith.constant 23 : i32
        %add3A_491 = arith.addi %mul3A_125, %add3A_490 : i32
        %add3A_492 = vector.broadcast %add3A_491 : i32 to vector<16xi32>
        %add3A_493 = arith.addi %mul3A_3, %add3A_492 : vector<16xi32>
        %gather3A_494 = tpu.vector_load_idx %arg7[%add3A_493, %broadcast_in_dim3A_305] : memref<3328x16xf32, #tpu.memory_space<vmem>>[vector<16xi32>, vector<16xi32>], vector<16xf32>,
        %add3A_495 = arith.addf %add3A_487, %gather3A_494 : vector<16xf32>
        %mul3A_496 = arith.mulf %gather3A_494, %gather3A_494 : vector<16xf32>
        %add3A_497 = arith.addf %add3A_489, %mul3A_496 : vector<16xf32>
        %add3A_498 = arith.constant 24 : i32
        %add3A_499 = arith.addi %mul3A_125, %add3A_498 : i32
        %add3A_500 = vector.broadcast %add3A_499 : i32 to vector<16xi32>
        %add3A_501 = arith.addi %mul3A_3, %add3A_500 : vector<16xi32>
        %gather3A_502 = tpu.vector_load_idx %arg7[%add3A_501, %broadcast_in_dim3A_305] : memref<3328x16xf32, #tpu.memory_space<vmem>>[vector<16xi32>, vector<16xi32>], vector<16xf32>,
        %add3A_503 = arith.addf %add3A_495, %gather3A_502 : vector<16xf32>
        %mul3A_504 = arith.mulf %gather3A_502, %gather3A_502 : vector<16xf32>
        %add3A_505 = arith.addf %add3A_497, %mul3A_504 : vector<16xf32>
        %add3A_506 = arith.constant 25 : i32
        %add3A_507 = arith.addi %mul3A_125, %add3A_506 : i32
        %add3A_508 = vector.broadcast %add3A_507 : i32 to vector<16xi32>
        %add3A_509 = arith.addi %mul3A_3, %add3A_508 : vector<16xi32>
        %gather3A_510 = tpu.vector_load_idx %arg7[%add3A_509, %broadcast_in_dim3A_305] : memref<3328x16xf32, #tpu.memory_space<vmem>>[vector<16xi32>, vector<16xi32>], vector<16xf32>,
        %add3A_511 = arith.addf %add3A_503, %gather3A_510 : vector<16xf32>
        %mul3A_512 = arith.mulf %gather3A_510, %gather3A_510 : vector<16xf32>
        %add3A_513 = arith.addf %add3A_505, %mul3A_512 : vector<16xf32>
        %mul3A_514 = arith.mulf %add3A_511, %add3A_511 : vector<16xf32>
        %add3A_515 = arith.addf %scan3A_303, %mul3A_514 : vector<16xf32>
        scf.yield %add3A_515, %add3A_513 : vector<16xf32>, vector<16xf32>
      }
      %scan3A_132 = arith.constant 16 : i32
      %sub3A = arith.subf %scan3A_131#0, %scan3A_131#1 : vector<16xf32>
      %mul3A_133 = arith.constant 5.000000e-01 : f32
      %mul3A_134 = vector.broadcast %mul3A_133 : f32 to vector<16xf32>
      %mul3A_135 = arith.mulf %sub3A, %mul3A_134 : vector<16xf32>
      %add3A_136 = arith.constant 0 : i32
      %add3A_137 = arith.addi %mul3A_125, %add3A_136 : i32
      %add3A_138 = vector.broadcast %add3A_137 : i32 to vector<16xi32>
      %add3A_139 = arith.addi %mul3A_3, %add3A_138 : vector<16xi32>
      %gather3A = tpu.vector_load_idx %arg8[%add3A_139] : memref<3328xf32, #tpu.memory_space<vmem>>[vector<16xi32>], vector<16xf32>,
      %add3A_140 = arith.addf %mul3A_135, %gather3A : vector<16xf32>
      %add3A_141 = arith.constant 1 : i32
      %add3A_142 = arith.addi %mul3A_125, %add3A_141 : i32
      %add3A_143 = vector.broadcast %add3A_142 : i32 to vector<16xi32>
      %add3A_144 = arith.addi %mul3A_3, %add3A_143 : vector<16xi32>
      %gather3A_145 = tpu.vector_load_idx %arg8[%add3A_144] : memref<3328xf32, #tpu.memory_space<vmem>>[vector<16xi32>], vector<16xf32>,
      %add3A_146 = arith.addf %add3A_140, %gather3A_145 : vector<16xf32>
      %add3A_147 = arith.constant 2 : i32
      %add3A_148 = arith.addi %mul3A_125, %add3A_147 : i32
      %add3A_149 = vector.broadcast %add3A_148 : i32 to vector<16xi32>
      %add3A_150 = arith.addi %mul3A_3, %add3A_149 : vector<16xi32>
      %gather3A_151 = tpu.vector_load_idx %arg8[%add3A_150] : memref<3328xf32, #tpu.memory_space<vmem>>[vector<16xi32>], vector<16xf32>,
      %add3A_152 = arith.addf %add3A_146, %gather3A_151 : vector<16xf32>
      %add3A_153 = arith.constant 3 : i32
      %add3A_154 = arith.addi %mul3A_125, %add3A_153 : i32
      %add3A_155 = vector.broadcast %add3A_154 : i32 to vector<16xi32>
      %add3A_156 = arith.addi %mul3A_3, %add3A_155 : vector<16xi32>
      %gather3A_157 = tpu.vector_load_idx %arg8[%add3A_156] : memref<3328xf32, #tpu.memory_space<vmem>>[vector<16xi32>], vector<16xf32>,
      %add3A_158 = arith.addf %add3A_152, %gather3A_157 : vector<16xf32>
      %add3A_159 = arith.constant 4 : i32
      %add3A_160 = arith.addi %mul3A_125, %add3A_159 : i32
      %add3A_161 = vector.broadcast %add3A_160 : i32 to vector<16xi32>
      %add3A_162 = arith.addi %mul3A_3, %add3A_161 : vector<16xi32>
      %gather3A_163 = tpu.vector_load_idx %arg8[%add3A_162] : memref<3328xf32, #tpu.memory_space<vmem>>[vector<16xi32>], vector<16xf32>,
      %add3A_164 = arith.addf %add3A_158, %gather3A_163 : vector<16xf32>
      %add3A_165 = arith.constant 5 : i32
      %add3A_166 = arith.addi %mul3A_125, %add3A_165 : i32
      %add3A_167 = vector.broadcast %add3A_166 : i32 to vector<16xi32>
      %add3A_168 = arith.addi %mul3A_3, %add3A_167 : vector<16xi32>
      %gather3A_169 = tpu.vector_load_idx %arg8[%add3A_168] : memref<3328xf32, #tpu.memory_space<vmem>>[vector<16xi32>], vector<16xf32>,
      %add3A_170 = arith.addf %add3A_164, %gather3A_169 : vector<16xf32>
      %add3A_171 = arith.constant 6 : i32
      %add3A_172 = arith.addi %mul3A_125, %add3A_171 : i32
      %add3A_173 = vector.broadcast %add3A_172 : i32 to vector<16xi32>
      %add3A_174 = arith.addi %mul3A_3, %add3A_173 : vector<16xi32>
      %gather3A_175 = tpu.vector_load_idx %arg8[%add3A_174] : memref<3328xf32, #tpu.memory_space<vmem>>[vector<16xi32>], vector<16xf32>,
      %add3A_176 = arith.addf %add3A_170, %gather3A_175 : vector<16xf32>
      %add3A_177 = arith.constant 7 : i32
      %add3A_178 = arith.addi %mul3A_125, %add3A_177 : i32
      %add3A_179 = vector.broadcast %add3A_178 : i32 to vector<16xi32>
      %add3A_180 = arith.addi %mul3A_3, %add3A_179 : vector<16xi32>
      %gather3A_181 = tpu.vector_load_idx %arg8[%add3A_180] : memref<3328xf32, #tpu.memory_space<vmem>>[vector<16xi32>], vector<16xf32>,
      %add3A_182 = arith.addf %add3A_176, %gather3A_181 : vector<16xf32>
      %add3A_183 = arith.constant 8 : i32
      %add3A_184 = arith.addi %mul3A_125, %add3A_183 : i32
      %add3A_185 = vector.broadcast %add3A_184 : i32 to vector<16xi32>
      %add3A_186 = arith.addi %mul3A_3, %add3A_185 : vector<16xi32>
      %gather3A_187 = tpu.vector_load_idx %arg8[%add3A_186] : memref<3328xf32, #tpu.memory_space<vmem>>[vector<16xi32>], vector<16xf32>,
      %add3A_188 = arith.addf %add3A_182, %gather3A_187 : vector<16xf32>
      %add3A_189 = arith.constant 9 : i32
      %add3A_190 = arith.addi %mul3A_125, %add3A_189 : i32
      %add3A_191 = vector.broadcast %add3A_190 : i32 to vector<16xi32>
      %add3A_192 = arith.addi %mul3A_3, %add3A_191 : vector<16xi32>
      %gather3A_193 = tpu.vector_load_idx %arg8[%add3A_192] : memref<3328xf32, #tpu.memory_space<vmem>>[vector<16xi32>], vector<16xf32>,
      %add3A_194 = arith.addf %add3A_188, %gather3A_193 : vector<16xf32>
      %add3A_195 = arith.constant 10 : i32
      %add3A_196 = arith.addi %mul3A_125, %add3A_195 : i32
      %add3A_197 = vector.broadcast %add3A_196 : i32 to vector<16xi32>
      %add3A_198 = arith.addi %mul3A_3, %add3A_197 : vector<16xi32>
      %gather3A_199 = tpu.vector_load_idx %arg8[%add3A_198] : memref<3328xf32, #tpu.memory_space<vmem>>[vector<16xi32>], vector<16xf32>,
      %add3A_200 = arith.addf %add3A_194, %gather3A_199 : vector<16xf32>
      %add3A_201 = arith.constant 11 : i32
      %add3A_202 = arith.addi %mul3A_125, %add3A_201 : i32
      %add3A_203 = vector.broadcast %add3A_202 : i32 to vector<16xi32>
      %add3A_204 = arith.addi %mul3A_3, %add3A_203 : vector<16xi32>
      %gather3A_205 = tpu.vector_load_idx %arg8[%add3A_204] : memref<3328xf32, #tpu.memory_space<vmem>>[vector<16xi32>], vector<16xf32>,
      %add3A_206 = arith.addf %add3A_200, %gather3A_205 : vector<16xf32>
      %add3A_207 = arith.constant 12 : i32
      %add3A_208 = arith.addi %mul3A_125, %add3A_207 : i32
      %add3A_209 = vector.broadcast %add3A_208 : i32 to vector<16xi32>
      %add3A_210 = arith.addi %mul3A_3, %add3A_209 : vector<16xi32>
      %gather3A_211 = tpu.vector_load_idx %arg8[%add3A_210] : memref<3328xf32, #tpu.memory_space<vmem>>[vector<16xi32>], vector<16xf32>,
      %add3A_212 = arith.addf %add3A_206, %gather3A_211 : vector<16xf32>
      %add3A_213 = arith.constant 13 : i32
      %add3A_214 = arith.addi %mul3A_125, %add3A_213 : i32
      %add3A_215 = vector.broadcast %add3A_214 : i32 to vector<16xi32>
      %add3A_216 = arith.addi %mul3A_3, %add3A_215 : vector<16xi32>
      %gather3A_217 = tpu.vector_load_idx %arg8[%add3A_216] : memref<3328xf32, #tpu.memory_space<vmem>>[vector<16xi32>], vector<16xf32>,
      %add3A_218 = arith.addf %add3A_212, %gather3A_217 : vector<16xf32>
      %add3A_219 = arith.constant 14 : i32
      %add3A_220 = arith.addi %mul3A_125, %add3A_219 : i32
      %add3A_221 = vector.broadcast %add3A_220 : i32 to vector<16xi32>
      %add3A_222 = arith.addi %mul3A_3, %add3A_221 : vector<16xi32>
      %gather3A_223 = tpu.vector_load_idx %arg8[%add3A_222] : memref<3328xf32, #tpu.memory_space<vmem>>[vector<16xi32>], vector<16xf32>,
      %add3A_224 = arith.addf %add3A_218, %gather3A_223 : vector<16xf32>
      %add3A_225 = arith.constant 15 : i32
      %add3A_226 = arith.addi %mul3A_125, %add3A_225 : i32
      %add3A_227 = vector.broadcast %add3A_226 : i32 to vector<16xi32>
      %add3A_228 = arith.addi %mul3A_3, %add3A_227 : vector<16xi32>
      %gather3A_229 = tpu.vector_load_idx %arg8[%add3A_228] : memref<3328xf32, #tpu.memory_space<vmem>>[vector<16xi32>], vector<16xf32>,
      %add3A_230 = arith.addf %add3A_224, %gather3A_229 : vector<16xf32>
      %add3A_231 = arith.constant 16 : i32
      %add3A_232 = arith.addi %mul3A_125, %add3A_231 : i32
      %add3A_233 = vector.broadcast %add3A_232 : i32 to vector<16xi32>
      %add3A_234 = arith.addi %mul3A_3, %add3A_233 : vector<16xi32>
      %gather3A_235 = tpu.vector_load_idx %arg8[%add3A_234] : memref<3328xf32, #tpu.memory_space<vmem>>[vector<16xi32>], vector<16xf32>,
      %add3A_236 = arith.addf %add3A_230, %gather3A_235 : vector<16xf32>
      %add3A_237 = arith.constant 17 : i32
      %add3A_238 = arith.addi %mul3A_125, %add3A_237 : i32
      %add3A_239 = vector.broadcast %add3A_238 : i32 to vector<16xi32>
      %add3A_240 = arith.addi %mul3A_3, %add3A_239 : vector<16xi32>
      %gather3A_241 = tpu.vector_load_idx %arg8[%add3A_240] : memref<3328xf32, #tpu.memory_space<vmem>>[vector<16xi32>], vector<16xf32>,
      %add3A_242 = arith.addf %add3A_236, %gather3A_241 : vector<16xf32>
      %add3A_243 = arith.constant 18 : i32
      %add3A_244 = arith.addi %mul3A_125, %add3A_243 : i32
      %add3A_245 = vector.broadcast %add3A_244 : i32 to vector<16xi32>
      %add3A_246 = arith.addi %mul3A_3, %add3A_245 : vector<16xi32>
      %gather3A_247 = tpu.vector_load_idx %arg8[%add3A_246] : memref<3328xf32, #tpu.memory_space<vmem>>[vector<16xi32>], vector<16xf32>,
      %add3A_248 = arith.addf %add3A_242, %gather3A_247 : vector<16xf32>
      %add3A_249 = arith.constant 19 : i32
      %add3A_250 = arith.addi %mul3A_125, %add3A_249 : i32
      %add3A_251 = vector.broadcast %add3A_250 : i32 to vector<16xi32>
      %add3A_252 = arith.addi %mul3A_3, %add3A_251 : vector<16xi32>
      %gather3A_253 = tpu.vector_load_idx %arg8[%add3A_252] : memref<3328xf32, #tpu.memory_space<vmem>>[vector<16xi32>], vector<16xf32>,
      %add3A_254 = arith.addf %add3A_248, %gather3A_253 : vector<16xf32>
      %add3A_255 = arith.constant 20 : i32
      %add3A_256 = arith.addi %mul3A_125, %add3A_255 : i32
      %add3A_257 = vector.broadcast %add3A_256 : i32 to vector<16xi32>
      %add3A_258 = arith.addi %mul3A_3, %add3A_257 : vector<16xi32>
      %gather3A_259 = tpu.vector_load_idx %arg8[%add3A_258] : memref<3328xf32, #tpu.memory_space<vmem>>[vector<16xi32>], vector<16xf32>,
      %add3A_260 = arith.addf %add3A_254, %gather3A_259 : vector<16xf32>
      %add3A_261 = arith.constant 21 : i32
      %add3A_262 = arith.addi %mul3A_125, %add3A_261 : i32
      %add3A_263 = vector.broadcast %add3A_262 : i32 to vector<16xi32>
      %add3A_264 = arith.addi %mul3A_3, %add3A_263 : vector<16xi32>
      %gather3A_265 = tpu.vector_load_idx %arg8[%add3A_264] : memref<3328xf32, #tpu.memory_space<vmem>>[vector<16xi32>], vector<16xf32>,
      %add3A_266 = arith.addf %add3A_260, %gather3A_265 : vector<16xf32>
      %add3A_267 = arith.constant 22 : i32
      %add3A_268 = arith.addi %mul3A_125, %add3A_267 : i32
      %add3A_269 = vector.broadcast %add3A_268 : i32 to vector<16xi32>
      %add3A_270 = arith.addi %mul3A_3, %add3A_269 : vector<16xi32>
      %gather3A_271 = tpu.vector_load_idx %arg8[%add3A_270] : memref<3328xf32, #tpu.memory_space<vmem>>[vector<16xi32>], vector<16xf32>,
      %add3A_272 = arith.addf %add3A_266, %gather3A_271 : vector<16xf32>
      %add3A_273 = arith.constant 23 : i32
      %add3A_274 = arith.addi %mul3A_125, %add3A_273 : i32
      %add3A_275 = vector.broadcast %add3A_274 : i32 to vector<16xi32>
      %add3A_276 = arith.addi %mul3A_3, %add3A_275 : vector<16xi32>
      %gather3A_277 = tpu.vector_load_idx %arg8[%add3A_276] : memref<3328xf32, #tpu.memory_space<vmem>>[vector<16xi32>], vector<16xf32>,
      %add3A_278 = arith.addf %add3A_272, %gather3A_277 : vector<16xf32>
      %add3A_279 = arith.constant 24 : i32
      %add3A_280 = arith.addi %mul3A_125, %add3A_279 : i32
      %add3A_281 = vector.broadcast %add3A_280 : i32 to vector<16xi32>
      %add3A_282 = arith.addi %mul3A_3, %add3A_281 : vector<16xi32>
      %gather3A_283 = tpu.vector_load_idx %arg8[%add3A_282] : memref<3328xf32, #tpu.memory_space<vmem>>[vector<16xi32>], vector<16xf32>,
      %add3A_284 = arith.addf %add3A_278, %gather3A_283 : vector<16xf32>
      %add3A_285 = arith.constant 25 : i32
      %add3A_286 = arith.addi %mul3A_125, %add3A_285 : i32
      %add3A_287 = vector.broadcast %add3A_286 : i32 to vector<16xi32>
      %add3A_288 = arith.addi %mul3A_3, %add3A_287 : vector<16xi32>
      %gather3A_289 = tpu.vector_load_idx %arg8[%add3A_288] : memref<3328xf32, #tpu.memory_space<vmem>>[vector<16xi32>], vector<16xf32>,
      %add3A_290 = arith.addf %add3A_284, %gather3A_289 : vector<16xf32>
      %neg3A = arith.constant 0.000000e+00 : f32
      %neg3A_291 = vector.broadcast %neg3A : f32 to vector<16xf32>
      %neg3A_292 = arith.subf %neg3A_291, %add3A_290 : vector<16xf32>
      %exp3A = math.exp %neg3A_292 : vector<16xf32>
      %add3A_293 = arith.constant 1.000000e+00 : f32
      %add3A_294 = vector.broadcast %add3A_293 : f32 to vector<16xf32>
      %add3A_295 = arith.addf %add3A_294, %exp3A : vector<16xf32>
      %div3A = arith.constant 1.000000e+00 : f32
      %div3A_296 = vector.broadcast %div3A : f32 to vector<16xf32>
      %div3A_297 = arith.divf %div3A_296, %add3A_295 : vector<16xf32>
      %mul3A_298 = arith.constant 16 : i32
      %mul3A_299 = arith.muli %scan3A_122, %mul3A_298 : i32
      %swap3A = arith.index_cast %mul3A_299 : i32 to index
      %swap3A_300 = tpu.vector_load %arg9[%swap3A] {strides = array<i32>} : memref<128xf32, #tpu.memory_space<vmem>>, vector<16xf32>,
      tpu.vector_store %arg9[%swap3A], %div3A_297 {strides = array<i32>} : memref<128xf32, #tpu.memory_space<vmem>>, vector<16xf32>,
      %scan3A_301 = arith.constant 0 : i32
      scf.yield %scan3A_301 : i32
    }
    %scan3A_90 = arith.constant 8 : i32
    %barrier3A_91 = arith.constant 0 : index
    tpu.barrier barrier_id(%barrier3A_91)
    "tpu.region"() ({
      %run_scoped3A = tpu.sem_alloc : memref<!tpu.dma_semaphore, #tpu.memory_space<semaphore_mem>>
      %dma_start3A = tpu.memref_slice %arg5[%add3A_65] : memref<16384xf32, #tpu.memory_space<hbm>> -> memref<128xf32, #tpu.memory_space<hbm>>
      %dma_start3A_122 = tpu.memref_slice %arg5[%add3A_65] : memref<16384xf32, #tpu.memory_space<hbm>> -> memref<128xf32, #tpu.memory_space<hbm>>
      tpu.enqueue_dma source(%arg9 : memref<128xf32, #tpu.memory_space<vmem>>) target(%dma_start3A_122 : memref<128xf32, #tpu.memory_space<hbm>>) target_semaphore(%run_scoped3A : memref<!tpu.dma_semaphore, #tpu.memory_space<semaphore_mem>>)
      %dma_wait3A = tpu.memref_slice %arg5[%add3A_65] : memref<16384xf32, #tpu.memory_space<hbm>> -> memref<128xf32, #tpu.memory_space<hbm>>
      %dma_wait3A_123 = tpu.memref_slice %arg5[%add3A_65] : memref<16384xf32, #tpu.memory_space<hbm>> -> memref<128xf32, #tpu.memory_space<hbm>>
      tpu.wait_dma2 semaphore(%run_scoped3A : memref<!tpu.dma_semaphore, #tpu.memory_space<semaphore_mem>>) src(%arg9 : memref<128xf32, #tpu.memory_space<vmem>>) dst(%dma_wait3A_123 : memref<128xf32, #tpu.memory_space<hbm>>)
      tpu.yield
    }) : () -> ()
    %mul3A_92 = arith.constant 512 : i32
    %mul3A_93 = arith.muli %add3A, %mul3A_92 : i32
    %add3A_94 = arith.constant 384 : i32
    %add3A_95 = arith.addi %mul3A_93, %add3A_94 : i32
    %mul3A_96 = arith.constant 104 : i32
    %mul3A_97 = arith.muli %add3A, %mul3A_96 : i32
    %add3A_98 = arith.constant 78 : i32
    %add3A_99 = arith.addi %mul3A_97, %add3A_98 : i32
    "tpu.region"() ({
      %run_scoped3A = tpu.sem_alloc : memref<!tpu.dma_semaphore, #tpu.memory_space<semaphore_mem>>
      %dma_start3A = arith.constant 0 : i32
      %dma_start3A_122 = tpu.memref_slice %arg2[%add3A_99, %dma_start3A] : memref<3328x128xi32, #tpu.memory_space<hbm>> -> memref<26x128xi32, #tpu.memory_space<hbm>>
      %dma_start3A_123 = arith.constant 0 : i32
      %dma_start3A_124 = tpu.memref_slice %arg2[%add3A_99, %dma_start3A_123] : memref<3328x128xi32, #tpu.memory_space<hbm>> -> memref<26x128xi32, #tpu.memory_space<hbm>>
      tpu.enqueue_dma source(%dma_start3A_124 : memref<26x128xi32, #tpu.memory_space<hbm>>) target(%arg6 : memref<26x128xi32, #tpu.memory_space<vmem>>) target_semaphore(%run_scoped3A : memref<!tpu.dma_semaphore, #tpu.memory_space<semaphore_mem>>)
      %dma_wait3A = arith.constant 0 : i32
      %dma_wait3A_125 = tpu.memref_slice %arg2[%add3A_99, %dma_wait3A] : memref<3328x128xi32, #tpu.memory_space<hbm>> -> memref<26x128xi32, #tpu.memory_space<hbm>>
      %dma_wait3A_126 = arith.constant 0 : i32
      %dma_wait3A_127 = tpu.memref_slice %arg2[%add3A_99, %dma_wait3A_126] : memref<3328x128xi32, #tpu.memory_space<hbm>> -> memref<26x128xi32, #tpu.memory_space<hbm>>
      tpu.wait_dma2 semaphore(%run_scoped3A : memref<!tpu.dma_semaphore, #tpu.memory_space<semaphore_mem>>) src(%dma_wait3A_127 : memref<26x128xi32, #tpu.memory_space<hbm>>) dst(%arg6 : memref<26x128xi32, #tpu.memory_space<vmem>>)
      tpu.yield
    }) : () -> ()
    %scan3A_100 = arith.constant 0 : i32
    %scan3A_101 = arith.constant 0 : i32
    %scan3A_102 = arith.constant 26 : i32
    %scan3A_103 = arith.addi %scan3A_101, %scan3A_102 : i32
    %scan3A_104 = arith.constant 1 : i32
    %scan3A_105 = scf.for %scan3A_122 = %scan3A_101 to %scan3A_103 step %scan3A_104 iter_args(%scan3A_123 = %scan3A_100) -> (i32)  : i32 {
      %mul3A_124 = arith.constant 128 : i32
      %mul3A_125 = arith.muli %scan3A_122, %mul3A_124 : i32
      %dma_start3A = arith.constant 0 : i32
      %dma_start3A_126 = tpu.memref_slice %arg7[%mul3A_125, %dma_start3A] : memref<3328x16xf32, #tpu.memory_space<vmem>> -> memref<128x16xf32, #tpu.memory_space<vmem>>
      %dma_start3A_127 = arith.constant 0 : i32
      %dma_start3A_128 = tpu.memref_slice %arg6[%scan3A_122, %dma_start3A_127] : memref<26x128xi32, #tpu.memory_space<vmem>> -> memref<1x128xi32, #tpu.memory_space<vmem>>
      %dma_start3A_129 = tpu.memref_squeeze %dma_start3A_128 : memref<1x128xi32, #tpu.memory_space<vmem>> -> memref<128xi32, #tpu.memory_space<vmem>>
      %dma_start3A_130 = arith.constant 0 : i32
      %dma_start3A_131 = arith.constant 0 : i32
      %dma_start3A_132 = tpu.memref_slice %arg3[%dma_start3A_130, %dma_start3A_131] : memref<2600000x16xf32, #tpu.memory_space<hbm>> -> memref<2600000x16xf32, #tpu.memory_space<hbm>>
      tpu.enqueue_indirect_dma source(%dma_start3A_132 : memref<2600000x16xf32, #tpu.memory_space<hbm>>) target(%dma_start3A_126 : memref<128x16xf32, #tpu.memory_space<vmem>>) offsets(%dma_start3A_129 : memref<128xi32, #tpu.memory_space<vmem>>) semaphore(%arg10 : memref<!tpu.dma_semaphore, #tpu.memory_space<semaphore_mem>>)
      %mul3A_133 = arith.constant 128 : i32
      %mul3A_134 = arith.muli %scan3A_122, %mul3A_133 : i32
      %dma_start3A_135 = tpu.memref_slice %arg8[%mul3A_134] : memref<3328xf32, #tpu.memory_space<vmem>> -> memref<128xf32, #tpu.memory_space<vmem>>
      %dma_start3A_136 = arith.constant 0 : i32
      %dma_start3A_137 = tpu.memref_slice %arg6[%scan3A_122, %dma_start3A_136] : memref<26x128xi32, #tpu.memory_space<vmem>> -> memref<1x128xi32, #tpu.memory_space<vmem>>
      %dma_start3A_138 = tpu.memref_squeeze %dma_start3A_137 : memref<1x128xi32, #tpu.memory_space<vmem>> -> memref<128xi32, #tpu.memory_space<vmem>>
      %dma_start3A_139 = arith.constant 0 : i32
      %dma_start3A_140 = tpu.memref_slice %arg4[%dma_start3A_139] : memref<2600000xf32, #tpu.memory_space<hbm>> -> memref<2600000xf32, #tpu.memory_space<hbm>>
      tpu.enqueue_indirect_dma source(%dma_start3A_140 : memref<2600000xf32, #tpu.memory_space<hbm>>) target(%dma_start3A_135 : memref<128xf32, #tpu.memory_space<vmem>>) offsets(%dma_start3A_138 : memref<128xi32, #tpu.memory_space<vmem>>) semaphore(%arg11 : memref<!tpu.dma_semaphore, #tpu.memory_space<semaphore_mem>>)
      %scan3A_141 = arith.constant 0 : i32
      scf.yield %scan3A_141 : i32
    }
    %scan3A_106 = arith.constant 26 : i32
    %scan3A_107 = arith.constant 0 : i32
    %scan3A_108 = arith.constant 0 : i32
    %scan3A_109 = arith.constant 26 : i32
    %scan3A_110 = arith.addi %scan3A_108, %scan3A_109 : i32
    %scan3A_111 = arith.constant 1 : i32
    %scan3A_112 = scf.for %scan3A_122 = %scan3A_108 to %scan3A_110 step %scan3A_111 iter_args(%scan3A_123 = %scan3A_107) -> (i32)  : i32 {
      %mul3A_124 = arith.constant 128 : i32
      %mul3A_125 = arith.muli %scan3A_122, %mul3A_124 : i32
      %dma_wait3A = arith.constant 0 : i32
      %dma_wait3A_126 = tpu.memref_slice %arg7[%mul3A_125, %dma_wait3A] : memref<3328x16xf32, #tpu.memory_space<vmem>> -> memref<128x16xf32, #tpu.memory_space<vmem>>
      %dma_wait3A_127 = arith.constant 0 : i32
      %dma_wait3A_128 = tpu.memref_slice %arg6[%scan3A_122, %dma_wait3A_127] : memref<26x128xi32, #tpu.memory_space<vmem>> -> memref<1x128xi32, #tpu.memory_space<vmem>>
      %dma_wait3A_129 = tpu.memref_squeeze %dma_wait3A_128 : memref<1x128xi32, #tpu.memory_space<vmem>> -> memref<128xi32, #tpu.memory_space<vmem>>
      %dma_wait3A_130 = arith.constant 0 : i32
      %dma_wait3A_131 = arith.constant 0 : i32
      %dma_wait3A_132 = tpu.memref_slice %arg3[%dma_wait3A_130, %dma_wait3A_131] : memref<2600000x16xf32, #tpu.memory_space<hbm>> -> memref<2600000x16xf32, #tpu.memory_space<hbm>>
      tpu.wait_indirect_dma semaphore(%arg10 : memref<!tpu.dma_semaphore, #tpu.memory_space<semaphore_mem>>) src(%dma_wait3A_132 : memref<2600000x16xf32, #tpu.memory_space<hbm>>) dst(%dma_wait3A_126 : memref<128x16xf32, #tpu.memory_space<vmem>>)
      %mul3A_133 = arith.constant 128 : i32
      %mul3A_134 = arith.muli %scan3A_122, %mul3A_133 : i32
      %dma_wait3A_135 = tpu.memref_slice %arg8[%mul3A_134] : memref<3328xf32, #tpu.memory_space<vmem>> -> memref<128xf32, #tpu.memory_space<vmem>>
      %dma_wait3A_136 = arith.constant 0 : i32
      %dma_wait3A_137 = tpu.memref_slice %arg6[%scan3A_122, %dma_wait3A_136] : memref<26x128xi32, #tpu.memory_space<vmem>> -> memref<1x128xi32, #tpu.memory_space<vmem>>
      %dma_wait3A_138 = tpu.memref_squeeze %dma_wait3A_137 : memref<1x128xi32, #tpu.memory_space<vmem>> -> memref<128xi32, #tpu.memory_space<vmem>>
      %dma_wait3A_139 = arith.constant 0 : i32
      %dma_wait3A_140 = tpu.memref_slice %arg4[%dma_wait3A_139] : memref<2600000xf32, #tpu.memory_space<hbm>> -> memref<2600000xf32, #tpu.memory_space<hbm>>
      tpu.wait_indirect_dma semaphore(%arg11 : memref<!tpu.dma_semaphore, #tpu.memory_space<semaphore_mem>>) src(%dma_wait3A_140 : memref<2600000xf32, #tpu.memory_space<hbm>>) dst(%dma_wait3A_135 : memref<128xf32, #tpu.memory_space<vmem>>)
      %scan3A_141 = arith.constant 0 : i32
      scf.yield %scan3A_141 : i32
    }
    %scan3A_113 = arith.constant 26 : i32
    %scan3A_114 = arith.constant 0 : i32
    %scan3A_115 = arith.constant 0 : i32
    %scan3A_116 = arith.constant 8 : i32
    %scan3A_117 = arith.addi %scan3A_115, %scan3A_116 : i32
    %scan3A_118 = arith.constant 1 : i32
    %scan3A_119 = scf.for %scan3A_122 = %scan3A_115 to %scan3A_117 step %scan3A_118 iter_args(%scan3A_123 = %scan3A_114) -> (i32)  : i32 {
      %mul3A_124 = arith.constant 416 : i32
      %mul3A_125 = arith.muli %scan3A_122, %mul3A_124 : i32
      %broadcast_in_dim3A = arith.constant 0.000000e+00 : f32
      %broadcast_in_dim3A_126 = vector.broadcast %broadcast_in_dim3A : f32 to vector<16xf32>
      %scan3A_127 = arith.constant 0 : i32
      %scan3A_128 = arith.constant 16 : i32
      %scan3A_129 = arith.addi %scan3A_127, %scan3A_128 : i32
      %scan3A_130 = arith.constant 1 : i32
      %scan3A_131:2 = scf.for %scan3A_302 = %scan3A_127 to %scan3A_129 step %scan3A_130 iter_args(%scan3A_303 = %broadcast_in_dim3A_126, %scan3A_304 = %broadcast_in_dim3A_126) -> (vector<16xf32>, vector<16xf32>)  : i32 {
        %broadcast_in_dim3A_305 = vector.broadcast %scan3A_302 : i32 to vector<16xi32>
        %add3A_306 = arith.constant 0 : i32
        %add3A_307 = arith.addi %mul3A_125, %add3A_306 : i32
        %add3A_308 = vector.broadcast %add3A_307 : i32 to vector<16xi32>
        %add3A_309 = arith.addi %mul3A_3, %add3A_308 : vector<16xi32>
        %gather3A_310 = tpu.vector_load_idx %arg7[%add3A_309, %broadcast_in_dim3A_305] : memref<3328x16xf32, #tpu.memory_space<vmem>>[vector<16xi32>, vector<16xi32>], vector<16xf32>,
        %add3A_311 = arith.addf %broadcast_in_dim3A_126, %gather3A_310 : vector<16xf32>
        %mul3A_312 = arith.mulf %gather3A_310, %gather3A_310 : vector<16xf32>
        %add3A_313 = arith.addf %scan3A_304, %mul3A_312 : vector<16xf32>
        %add3A_314 = arith.constant 1 : i32
        %add3A_315 = arith.addi %mul3A_125, %add3A_314 : i32
        %add3A_316 = vector.broadcast %add3A_315 : i32 to vector<16xi32>
        %add3A_317 = arith.addi %mul3A_3, %add3A_316 : vector<16xi32>
        %gather3A_318 = tpu.vector_load_idx %arg7[%add3A_317, %broadcast_in_dim3A_305] : memref<3328x16xf32, #tpu.memory_space<vmem>>[vector<16xi32>, vector<16xi32>], vector<16xf32>,
        %add3A_319 = arith.addf %add3A_311, %gather3A_318 : vector<16xf32>
        %mul3A_320 = arith.mulf %gather3A_318, %gather3A_318 : vector<16xf32>
        %add3A_321 = arith.addf %add3A_313, %mul3A_320 : vector<16xf32>
        %add3A_322 = arith.constant 2 : i32
        %add3A_323 = arith.addi %mul3A_125, %add3A_322 : i32
        %add3A_324 = vector.broadcast %add3A_323 : i32 to vector<16xi32>
        %add3A_325 = arith.addi %mul3A_3, %add3A_324 : vector<16xi32>
        %gather3A_326 = tpu.vector_load_idx %arg7[%add3A_325, %broadcast_in_dim3A_305] : memref<3328x16xf32, #tpu.memory_space<vmem>>[vector<16xi32>, vector<16xi32>], vector<16xf32>,
        %add3A_327 = arith.addf %add3A_319, %gather3A_326 : vector<16xf32>
        %mul3A_328 = arith.mulf %gather3A_326, %gather3A_326 : vector<16xf32>
        %add3A_329 = arith.addf %add3A_321, %mul3A_328 : vector<16xf32>
        %add3A_330 = arith.constant 3 : i32
        %add3A_331 = arith.addi %mul3A_125, %add3A_330 : i32
        %add3A_332 = vector.broadcast %add3A_331 : i32 to vector<16xi32>
        %add3A_333 = arith.addi %mul3A_3, %add3A_332 : vector<16xi32>
        %gather3A_334 = tpu.vector_load_idx %arg7[%add3A_333, %broadcast_in_dim3A_305] : memref<3328x16xf32, #tpu.memory_space<vmem>>[vector<16xi32>, vector<16xi32>], vector<16xf32>,
        %add3A_335 = arith.addf %add3A_327, %gather3A_334 : vector<16xf32>
        %mul3A_336 = arith.mulf %gather3A_334, %gather3A_334 : vector<16xf32>
        %add3A_337 = arith.addf %add3A_329, %mul3A_336 : vector<16xf32>
        %add3A_338 = arith.constant 4 : i32
        %add3A_339 = arith.addi %mul3A_125, %add3A_338 : i32
        %add3A_340 = vector.broadcast %add3A_339 : i32 to vector<16xi32>
        %add3A_341 = arith.addi %mul3A_3, %add3A_340 : vector<16xi32>
        %gather3A_342 = tpu.vector_load_idx %arg7[%add3A_341, %broadcast_in_dim3A_305] : memref<3328x16xf32, #tpu.memory_space<vmem>>[vector<16xi32>, vector<16xi32>], vector<16xf32>,
        %add3A_343 = arith.addf %add3A_335, %gather3A_342 : vector<16xf32>
        %mul3A_344 = arith.mulf %gather3A_342, %gather3A_342 : vector<16xf32>
        %add3A_345 = arith.addf %add3A_337, %mul3A_344 : vector<16xf32>
        %add3A_346 = arith.constant 5 : i32
        %add3A_347 = arith.addi %mul3A_125, %add3A_346 : i32
        %add3A_348 = vector.broadcast %add3A_347 : i32 to vector<16xi32>
        %add3A_349 = arith.addi %mul3A_3, %add3A_348 : vector<16xi32>
        %gather3A_350 = tpu.vector_load_idx %arg7[%add3A_349, %broadcast_in_dim3A_305] : memref<3328x16xf32, #tpu.memory_space<vmem>>[vector<16xi32>, vector<16xi32>], vector<16xf32>,
        %add3A_351 = arith.addf %add3A_343, %gather3A_350 : vector<16xf32>
        %mul3A_352 = arith.mulf %gather3A_350, %gather3A_350 : vector<16xf32>
        %add3A_353 = arith.addf %add3A_345, %mul3A_352 : vector<16xf32>
        %add3A_354 = arith.constant 6 : i32
        %add3A_355 = arith.addi %mul3A_125, %add3A_354 : i32
        %add3A_356 = vector.broadcast %add3A_355 : i32 to vector<16xi32>
        %add3A_357 = arith.addi %mul3A_3, %add3A_356 : vector<16xi32>
        %gather3A_358 = tpu.vector_load_idx %arg7[%add3A_357, %broadcast_in_dim3A_305] : memref<3328x16xf32, #tpu.memory_space<vmem>>[vector<16xi32>, vector<16xi32>], vector<16xf32>,
        %add3A_359 = arith.addf %add3A_351, %gather3A_358 : vector<16xf32>
        %mul3A_360 = arith.mulf %gather3A_358, %gather3A_358 : vector<16xf32>
        %add3A_361 = arith.addf %add3A_353, %mul3A_360 : vector<16xf32>
        %add3A_362 = arith.constant 7 : i32
        %add3A_363 = arith.addi %mul3A_125, %add3A_362 : i32
        %add3A_364 = vector.broadcast %add3A_363 : i32 to vector<16xi32>
        %add3A_365 = arith.addi %mul3A_3, %add3A_364 : vector<16xi32>
        %gather3A_366 = tpu.vector_load_idx %arg7[%add3A_365, %broadcast_in_dim3A_305] : memref<3328x16xf32, #tpu.memory_space<vmem>>[vector<16xi32>, vector<16xi32>], vector<16xf32>,
        %add3A_367 = arith.addf %add3A_359, %gather3A_366 : vector<16xf32>
        %mul3A_368 = arith.mulf %gather3A_366, %gather3A_366 : vector<16xf32>
        %add3A_369 = arith.addf %add3A_361, %mul3A_368 : vector<16xf32>
        %add3A_370 = arith.constant 8 : i32
        %add3A_371 = arith.addi %mul3A_125, %add3A_370 : i32
        %add3A_372 = vector.broadcast %add3A_371 : i32 to vector<16xi32>
        %add3A_373 = arith.addi %mul3A_3, %add3A_372 : vector<16xi32>
        %gather3A_374 = tpu.vector_load_idx %arg7[%add3A_373, %broadcast_in_dim3A_305] : memref<3328x16xf32, #tpu.memory_space<vmem>>[vector<16xi32>, vector<16xi32>], vector<16xf32>,
        %add3A_375 = arith.addf %add3A_367, %gather3A_374 : vector<16xf32>
        %mul3A_376 = arith.mulf %gather3A_374, %gather3A_374 : vector<16xf32>
        %add3A_377 = arith.addf %add3A_369, %mul3A_376 : vector<16xf32>
        %add3A_378 = arith.constant 9 : i32
        %add3A_379 = arith.addi %mul3A_125, %add3A_378 : i32
        %add3A_380 = vector.broadcast %add3A_379 : i32 to vector<16xi32>
        %add3A_381 = arith.addi %mul3A_3, %add3A_380 : vector<16xi32>
        %gather3A_382 = tpu.vector_load_idx %arg7[%add3A_381, %broadcast_in_dim3A_305] : memref<3328x16xf32, #tpu.memory_space<vmem>>[vector<16xi32>, vector<16xi32>], vector<16xf32>,
        %add3A_383 = arith.addf %add3A_375, %gather3A_382 : vector<16xf32>
        %mul3A_384 = arith.mulf %gather3A_382, %gather3A_382 : vector<16xf32>
        %add3A_385 = arith.addf %add3A_377, %mul3A_384 : vector<16xf32>
        %add3A_386 = arith.constant 10 : i32
        %add3A_387 = arith.addi %mul3A_125, %add3A_386 : i32
        %add3A_388 = vector.broadcast %add3A_387 : i32 to vector<16xi32>
        %add3A_389 = arith.addi %mul3A_3, %add3A_388 : vector<16xi32>
        %gather3A_390 = tpu.vector_load_idx %arg7[%add3A_389, %broadcast_in_dim3A_305] : memref<3328x16xf32, #tpu.memory_space<vmem>>[vector<16xi32>, vector<16xi32>], vector<16xf32>,
        %add3A_391 = arith.addf %add3A_383, %gather3A_390 : vector<16xf32>
        %mul3A_392 = arith.mulf %gather3A_390, %gather3A_390 : vector<16xf32>
        %add3A_393 = arith.addf %add3A_385, %mul3A_392 : vector<16xf32>
        %add3A_394 = arith.constant 11 : i32
        %add3A_395 = arith.addi %mul3A_125, %add3A_394 : i32
        %add3A_396 = vector.broadcast %add3A_395 : i32 to vector<16xi32>
        %add3A_397 = arith.addi %mul3A_3, %add3A_396 : vector<16xi32>
        %gather3A_398 = tpu.vector_load_idx %arg7[%add3A_397, %broadcast_in_dim3A_305] : memref<3328x16xf32, #tpu.memory_space<vmem>>[vector<16xi32>, vector<16xi32>], vector<16xf32>,
        %add3A_399 = arith.addf %add3A_391, %gather3A_398 : vector<16xf32>
        %mul3A_400 = arith.mulf %gather3A_398, %gather3A_398 : vector<16xf32>
        %add3A_401 = arith.addf %add3A_393, %mul3A_400 : vector<16xf32>
        %add3A_402 = arith.constant 12 : i32
        %add3A_403 = arith.addi %mul3A_125, %add3A_402 : i32
        %add3A_404 = vector.broadcast %add3A_403 : i32 to vector<16xi32>
        %add3A_405 = arith.addi %mul3A_3, %add3A_404 : vector<16xi32>
        %gather3A_406 = tpu.vector_load_idx %arg7[%add3A_405, %broadcast_in_dim3A_305] : memref<3328x16xf32, #tpu.memory_space<vmem>>[vector<16xi32>, vector<16xi32>], vector<16xf32>,
        %add3A_407 = arith.addf %add3A_399, %gather3A_406 : vector<16xf32>
        %mul3A_408 = arith.mulf %gather3A_406, %gather3A_406 : vector<16xf32>
        %add3A_409 = arith.addf %add3A_401, %mul3A_408 : vector<16xf32>
        %add3A_410 = arith.constant 13 : i32
        %add3A_411 = arith.addi %mul3A_125, %add3A_410 : i32
        %add3A_412 = vector.broadcast %add3A_411 : i32 to vector<16xi32>
        %add3A_413 = arith.addi %mul3A_3, %add3A_412 : vector<16xi32>
        %gather3A_414 = tpu.vector_load_idx %arg7[%add3A_413, %broadcast_in_dim3A_305] : memref<3328x16xf32, #tpu.memory_space<vmem>>[vector<16xi32>, vector<16xi32>], vector<16xf32>,
        %add3A_415 = arith.addf %add3A_407, %gather3A_414 : vector<16xf32>
        %mul3A_416 = arith.mulf %gather3A_414, %gather3A_414 : vector<16xf32>
        %add3A_417 = arith.addf %add3A_409, %mul3A_416 : vector<16xf32>
        %add3A_418 = arith.constant 14 : i32
        %add3A_419 = arith.addi %mul3A_125, %add3A_418 : i32
        %add3A_420 = vector.broadcast %add3A_419 : i32 to vector<16xi32>
        %add3A_421 = arith.addi %mul3A_3, %add3A_420 : vector<16xi32>
        %gather3A_422 = tpu.vector_load_idx %arg7[%add3A_421, %broadcast_in_dim3A_305] : memref<3328x16xf32, #tpu.memory_space<vmem>>[vector<16xi32>, vector<16xi32>], vector<16xf32>,
        %add3A_423 = arith.addf %add3A_415, %gather3A_422 : vector<16xf32>
        %mul3A_424 = arith.mulf %gather3A_422, %gather3A_422 : vector<16xf32>
        %add3A_425 = arith.addf %add3A_417, %mul3A_424 : vector<16xf32>
        %add3A_426 = arith.constant 15 : i32
        %add3A_427 = arith.addi %mul3A_125, %add3A_426 : i32
        %add3A_428 = vector.broadcast %add3A_427 : i32 to vector<16xi32>
        %add3A_429 = arith.addi %mul3A_3, %add3A_428 : vector<16xi32>
        %gather3A_430 = tpu.vector_load_idx %arg7[%add3A_429, %broadcast_in_dim3A_305] : memref<3328x16xf32, #tpu.memory_space<vmem>>[vector<16xi32>, vector<16xi32>], vector<16xf32>,
        %add3A_431 = arith.addf %add3A_423, %gather3A_430 : vector<16xf32>
        %mul3A_432 = arith.mulf %gather3A_430, %gather3A_430 : vector<16xf32>
        %add3A_433 = arith.addf %add3A_425, %mul3A_432 : vector<16xf32>
        %add3A_434 = arith.constant 16 : i32
        %add3A_435 = arith.addi %mul3A_125, %add3A_434 : i32
        %add3A_436 = vector.broadcast %add3A_435 : i32 to vector<16xi32>
        %add3A_437 = arith.addi %mul3A_3, %add3A_436 : vector<16xi32>
        %gather3A_438 = tpu.vector_load_idx %arg7[%add3A_437, %broadcast_in_dim3A_305] : memref<3328x16xf32, #tpu.memory_space<vmem>>[vector<16xi32>, vector<16xi32>], vector<16xf32>,
        %add3A_439 = arith.addf %add3A_431, %gather3A_438 : vector<16xf32>
        %mul3A_440 = arith.mulf %gather3A_438, %gather3A_438 : vector<16xf32>
        %add3A_441 = arith.addf %add3A_433, %mul3A_440 : vector<16xf32>
        %add3A_442 = arith.constant 17 : i32
        %add3A_443 = arith.addi %mul3A_125, %add3A_442 : i32
        %add3A_444 = vector.broadcast %add3A_443 : i32 to vector<16xi32>
        %add3A_445 = arith.addi %mul3A_3, %add3A_444 : vector<16xi32>
        %gather3A_446 = tpu.vector_load_idx %arg7[%add3A_445, %broadcast_in_dim3A_305] : memref<3328x16xf32, #tpu.memory_space<vmem>>[vector<16xi32>, vector<16xi32>], vector<16xf32>,
        %add3A_447 = arith.addf %add3A_439, %gather3A_446 : vector<16xf32>
        %mul3A_448 = arith.mulf %gather3A_446, %gather3A_446 : vector<16xf32>
        %add3A_449 = arith.addf %add3A_441, %mul3A_448 : vector<16xf32>
        %add3A_450 = arith.constant 18 : i32
        %add3A_451 = arith.addi %mul3A_125, %add3A_450 : i32
        %add3A_452 = vector.broadcast %add3A_451 : i32 to vector<16xi32>
        %add3A_453 = arith.addi %mul3A_3, %add3A_452 : vector<16xi32>
        %gather3A_454 = tpu.vector_load_idx %arg7[%add3A_453, %broadcast_in_dim3A_305] : memref<3328x16xf32, #tpu.memory_space<vmem>>[vector<16xi32>, vector<16xi32>], vector<16xf32>,
        %add3A_455 = arith.addf %add3A_447, %gather3A_454 : vector<16xf32>
        %mul3A_456 = arith.mulf %gather3A_454, %gather3A_454 : vector<16xf32>
        %add3A_457 = arith.addf %add3A_449, %mul3A_456 : vector<16xf32>
        %add3A_458 = arith.constant 19 : i32
        %add3A_459 = arith.addi %mul3A_125, %add3A_458 : i32
        %add3A_460 = vector.broadcast %add3A_459 : i32 to vector<16xi32>
        %add3A_461 = arith.addi %mul3A_3, %add3A_460 : vector<16xi32>
        %gather3A_462 = tpu.vector_load_idx %arg7[%add3A_461, %broadcast_in_dim3A_305] : memref<3328x16xf32, #tpu.memory_space<vmem>>[vector<16xi32>, vector<16xi32>], vector<16xf32>,
        %add3A_463 = arith.addf %add3A_455, %gather3A_462 : vector<16xf32>
        %mul3A_464 = arith.mulf %gather3A_462, %gather3A_462 : vector<16xf32>
        %add3A_465 = arith.addf %add3A_457, %mul3A_464 : vector<16xf32>
        %add3A_466 = arith.constant 20 : i32
        %add3A_467 = arith.addi %mul3A_125, %add3A_466 : i32
        %add3A_468 = vector.broadcast %add3A_467 : i32 to vector<16xi32>
        %add3A_469 = arith.addi %mul3A_3, %add3A_468 : vector<16xi32>
        %gather3A_470 = tpu.vector_load_idx %arg7[%add3A_469, %broadcast_in_dim3A_305] : memref<3328x16xf32, #tpu.memory_space<vmem>>[vector<16xi32>, vector<16xi32>], vector<16xf32>,
        %add3A_471 = arith.addf %add3A_463, %gather3A_470 : vector<16xf32>
        %mul3A_472 = arith.mulf %gather3A_470, %gather3A_470 : vector<16xf32>
        %add3A_473 = arith.addf %add3A_465, %mul3A_472 : vector<16xf32>
        %add3A_474 = arith.constant 21 : i32
        %add3A_475 = arith.addi %mul3A_125, %add3A_474 : i32
        %add3A_476 = vector.broadcast %add3A_475 : i32 to vector<16xi32>
        %add3A_477 = arith.addi %mul3A_3, %add3A_476 : vector<16xi32>
        %gather3A_478 = tpu.vector_load_idx %arg7[%add3A_477, %broadcast_in_dim3A_305] : memref<3328x16xf32, #tpu.memory_space<vmem>>[vector<16xi32>, vector<16xi32>], vector<16xf32>,
        %add3A_479 = arith.addf %add3A_471, %gather3A_478 : vector<16xf32>
        %mul3A_480 = arith.mulf %gather3A_478, %gather3A_478 : vector<16xf32>
        %add3A_481 = arith.addf %add3A_473, %mul3A_480 : vector<16xf32>
        %add3A_482 = arith.constant 22 : i32
        %add3A_483 = arith.addi %mul3A_125, %add3A_482 : i32
        %add3A_484 = vector.broadcast %add3A_483 : i32 to vector<16xi32>
        %add3A_485 = arith.addi %mul3A_3, %add3A_484 : vector<16xi32>
        %gather3A_486 = tpu.vector_load_idx %arg7[%add3A_485, %broadcast_in_dim3A_305] : memref<3328x16xf32, #tpu.memory_space<vmem>>[vector<16xi32>, vector<16xi32>], vector<16xf32>,
        %add3A_487 = arith.addf %add3A_479, %gather3A_486 : vector<16xf32>
        %mul3A_488 = arith.mulf %gather3A_486, %gather3A_486 : vector<16xf32>
        %add3A_489 = arith.addf %add3A_481, %mul3A_488 : vector<16xf32>
        %add3A_490 = arith.constant 23 : i32
        %add3A_491 = arith.addi %mul3A_125, %add3A_490 : i32
        %add3A_492 = vector.broadcast %add3A_491 : i32 to vector<16xi32>
        %add3A_493 = arith.addi %mul3A_3, %add3A_492 : vector<16xi32>
        %gather3A_494 = tpu.vector_load_idx %arg7[%add3A_493, %broadcast_in_dim3A_305] : memref<3328x16xf32, #tpu.memory_space<vmem>>[vector<16xi32>, vector<16xi32>], vector<16xf32>,
        %add3A_495 = arith.addf %add3A_487, %gather3A_494 : vector<16xf32>
        %mul3A_496 = arith.mulf %gather3A_494, %gather3A_494 : vector<16xf32>
        %add3A_497 = arith.addf %add3A_489, %mul3A_496 : vector<16xf32>
        %add3A_498 = arith.constant 24 : i32
        %add3A_499 = arith.addi %mul3A_125, %add3A_498 : i32
        %add3A_500 = vector.broadcast %add3A_499 : i32 to vector<16xi32>
        %add3A_501 = arith.addi %mul3A_3, %add3A_500 : vector<16xi32>
        %gather3A_502 = tpu.vector_load_idx %arg7[%add3A_501, %broadcast_in_dim3A_305] : memref<3328x16xf32, #tpu.memory_space<vmem>>[vector<16xi32>, vector<16xi32>], vector<16xf32>,
        %add3A_503 = arith.addf %add3A_495, %gather3A_502 : vector<16xf32>
        %mul3A_504 = arith.mulf %gather3A_502, %gather3A_502 : vector<16xf32>
        %add3A_505 = arith.addf %add3A_497, %mul3A_504 : vector<16xf32>
        %add3A_506 = arith.constant 25 : i32
        %add3A_507 = arith.addi %mul3A_125, %add3A_506 : i32
        %add3A_508 = vector.broadcast %add3A_507 : i32 to vector<16xi32>
        %add3A_509 = arith.addi %mul3A_3, %add3A_508 : vector<16xi32>
        %gather3A_510 = tpu.vector_load_idx %arg7[%add3A_509, %broadcast_in_dim3A_305] : memref<3328x16xf32, #tpu.memory_space<vmem>>[vector<16xi32>, vector<16xi32>], vector<16xf32>,
        %add3A_511 = arith.addf %add3A_503, %gather3A_510 : vector<16xf32>
        %mul3A_512 = arith.mulf %gather3A_510, %gather3A_510 : vector<16xf32>
        %add3A_513 = arith.addf %add3A_505, %mul3A_512 : vector<16xf32>
        %mul3A_514 = arith.mulf %add3A_511, %add3A_511 : vector<16xf32>
        %add3A_515 = arith.addf %scan3A_303, %mul3A_514 : vector<16xf32>
        scf.yield %add3A_515, %add3A_513 : vector<16xf32>, vector<16xf32>
      }
      %scan3A_132 = arith.constant 16 : i32
      %sub3A = arith.subf %scan3A_131#0, %scan3A_131#1 : vector<16xf32>
      %mul3A_133 = arith.constant 5.000000e-01 : f32
      %mul3A_134 = vector.broadcast %mul3A_133 : f32 to vector<16xf32>
      %mul3A_135 = arith.mulf %sub3A, %mul3A_134 : vector<16xf32>
      %add3A_136 = arith.constant 0 : i32
      %add3A_137 = arith.addi %mul3A_125, %add3A_136 : i32
      %add3A_138 = vector.broadcast %add3A_137 : i32 to vector<16xi32>
      %add3A_139 = arith.addi %mul3A_3, %add3A_138 : vector<16xi32>
      %gather3A = tpu.vector_load_idx %arg8[%add3A_139] : memref<3328xf32, #tpu.memory_space<vmem>>[vector<16xi32>], vector<16xf32>,
      %add3A_140 = arith.addf %mul3A_135, %gather3A : vector<16xf32>
      %add3A_141 = arith.constant 1 : i32
      %add3A_142 = arith.addi %mul3A_125, %add3A_141 : i32
      %add3A_143 = vector.broadcast %add3A_142 : i32 to vector<16xi32>
      %add3A_144 = arith.addi %mul3A_3, %add3A_143 : vector<16xi32>
      %gather3A_145 = tpu.vector_load_idx %arg8[%add3A_144] : memref<3328xf32, #tpu.memory_space<vmem>>[vector<16xi32>], vector<16xf32>,
      %add3A_146 = arith.addf %add3A_140, %gather3A_145 : vector<16xf32>
      %add3A_147 = arith.constant 2 : i32
      %add3A_148 = arith.addi %mul3A_125, %add3A_147 : i32
      %add3A_149 = vector.broadcast %add3A_148 : i32 to vector<16xi32>
      %add3A_150 = arith.addi %mul3A_3, %add3A_149 : vector<16xi32>
      %gather3A_151 = tpu.vector_load_idx %arg8[%add3A_150] : memref<3328xf32, #tpu.memory_space<vmem>>[vector<16xi32>], vector<16xf32>,
      %add3A_152 = arith.addf %add3A_146, %gather3A_151 : vector<16xf32>
      %add3A_153 = arith.constant 3 : i32
      %add3A_154 = arith.addi %mul3A_125, %add3A_153 : i32
      %add3A_155 = vector.broadcast %add3A_154 : i32 to vector<16xi32>
      %add3A_156 = arith.addi %mul3A_3, %add3A_155 : vector<16xi32>
      %gather3A_157 = tpu.vector_load_idx %arg8[%add3A_156] : memref<3328xf32, #tpu.memory_space<vmem>>[vector<16xi32>], vector<16xf32>,
      %add3A_158 = arith.addf %add3A_152, %gather3A_157 : vector<16xf32>
      %add3A_159 = arith.constant 4 : i32
      %add3A_160 = arith.addi %mul3A_125, %add3A_159 : i32
      %add3A_161 = vector.broadcast %add3A_160 : i32 to vector<16xi32>
      %add3A_162 = arith.addi %mul3A_3, %add3A_161 : vector<16xi32>
      %gather3A_163 = tpu.vector_load_idx %arg8[%add3A_162] : memref<3328xf32, #tpu.memory_space<vmem>>[vector<16xi32>], vector<16xf32>,
      %add3A_164 = arith.addf %add3A_158, %gather3A_163 : vector<16xf32>
      %add3A_165 = arith.constant 5 : i32
      %add3A_166 = arith.addi %mul3A_125, %add3A_165 : i32
      %add3A_167 = vector.broadcast %add3A_166 : i32 to vector<16xi32>
      %add3A_168 = arith.addi %mul3A_3, %add3A_167 : vector<16xi32>
      %gather3A_169 = tpu.vector_load_idx %arg8[%add3A_168] : memref<3328xf32, #tpu.memory_space<vmem>>[vector<16xi32>], vector<16xf32>,
      %add3A_170 = arith.addf %add3A_164, %gather3A_169 : vector<16xf32>
      %add3A_171 = arith.constant 6 : i32
      %add3A_172 = arith.addi %mul3A_125, %add3A_171 : i32
      %add3A_173 = vector.broadcast %add3A_172 : i32 to vector<16xi32>
      %add3A_174 = arith.addi %mul3A_3, %add3A_173 : vector<16xi32>
      %gather3A_175 = tpu.vector_load_idx %arg8[%add3A_174] : memref<3328xf32, #tpu.memory_space<vmem>>[vector<16xi32>], vector<16xf32>,
      %add3A_176 = arith.addf %add3A_170, %gather3A_175 : vector<16xf32>
      %add3A_177 = arith.constant 7 : i32
      %add3A_178 = arith.addi %mul3A_125, %add3A_177 : i32
      %add3A_179 = vector.broadcast %add3A_178 : i32 to vector<16xi32>
      %add3A_180 = arith.addi %mul3A_3, %add3A_179 : vector<16xi32>
      %gather3A_181 = tpu.vector_load_idx %arg8[%add3A_180] : memref<3328xf32, #tpu.memory_space<vmem>>[vector<16xi32>], vector<16xf32>,
      %add3A_182 = arith.addf %add3A_176, %gather3A_181 : vector<16xf32>
      %add3A_183 = arith.constant 8 : i32
      %add3A_184 = arith.addi %mul3A_125, %add3A_183 : i32
      %add3A_185 = vector.broadcast %add3A_184 : i32 to vector<16xi32>
      %add3A_186 = arith.addi %mul3A_3, %add3A_185 : vector<16xi32>
      %gather3A_187 = tpu.vector_load_idx %arg8[%add3A_186] : memref<3328xf32, #tpu.memory_space<vmem>>[vector<16xi32>], vector<16xf32>,
      %add3A_188 = arith.addf %add3A_182, %gather3A_187 : vector<16xf32>
      %add3A_189 = arith.constant 9 : i32
      %add3A_190 = arith.addi %mul3A_125, %add3A_189 : i32
      %add3A_191 = vector.broadcast %add3A_190 : i32 to vector<16xi32>
      %add3A_192 = arith.addi %mul3A_3, %add3A_191 : vector<16xi32>
      %gather3A_193 = tpu.vector_load_idx %arg8[%add3A_192] : memref<3328xf32, #tpu.memory_space<vmem>>[vector<16xi32>], vector<16xf32>,
      %add3A_194 = arith.addf %add3A_188, %gather3A_193 : vector<16xf32>
      %add3A_195 = arith.constant 10 : i32
      %add3A_196 = arith.addi %mul3A_125, %add3A_195 : i32
      %add3A_197 = vector.broadcast %add3A_196 : i32 to vector<16xi32>
      %add3A_198 = arith.addi %mul3A_3, %add3A_197 : vector<16xi32>
      %gather3A_199 = tpu.vector_load_idx %arg8[%add3A_198] : memref<3328xf32, #tpu.memory_space<vmem>>[vector<16xi32>], vector<16xf32>,
      %add3A_200 = arith.addf %add3A_194, %gather3A_199 : vector<16xf32>
      %add3A_201 = arith.constant 11 : i32
      %add3A_202 = arith.addi %mul3A_125, %add3A_201 : i32
      %add3A_203 = vector.broadcast %add3A_202 : i32 to vector<16xi32>
      %add3A_204 = arith.addi %mul3A_3, %add3A_203 : vector<16xi32>
      %gather3A_205 = tpu.vector_load_idx %arg8[%add3A_204] : memref<3328xf32, #tpu.memory_space<vmem>>[vector<16xi32>], vector<16xf32>,
      %add3A_206 = arith.addf %add3A_200, %gather3A_205 : vector<16xf32>
      %add3A_207 = arith.constant 12 : i32
      %add3A_208 = arith.addi %mul3A_125, %add3A_207 : i32
      %add3A_209 = vector.broadcast %add3A_208 : i32 to vector<16xi32>
      %add3A_210 = arith.addi %mul3A_3, %add3A_209 : vector<16xi32>
      %gather3A_211 = tpu.vector_load_idx %arg8[%add3A_210] : memref<3328xf32, #tpu.memory_space<vmem>>[vector<16xi32>], vector<16xf32>,
      %add3A_212 = arith.addf %add3A_206, %gather3A_211 : vector<16xf32>
      %add3A_213 = arith.constant 13 : i32
      %add3A_214 = arith.addi %mul3A_125, %add3A_213 : i32
      %add3A_215 = vector.broadcast %add3A_214 : i32 to vector<16xi32>
      %add3A_216 = arith.addi %mul3A_3, %add3A_215 : vector<16xi32>
      %gather3A_217 = tpu.vector_load_idx %arg8[%add3A_216] : memref<3328xf32, #tpu.memory_space<vmem>>[vector<16xi32>], vector<16xf32>,
      %add3A_218 = arith.addf %add3A_212, %gather3A_217 : vector<16xf32>
      %add3A_219 = arith.constant 14 : i32
      %add3A_220 = arith.addi %mul3A_125, %add3A_219 : i32
      %add3A_221 = vector.broadcast %add3A_220 : i32 to vector<16xi32>
      %add3A_222 = arith.addi %mul3A_3, %add3A_221 : vector<16xi32>
      %gather3A_223 = tpu.vector_load_idx %arg8[%add3A_222] : memref<3328xf32, #tpu.memory_space<vmem>>[vector<16xi32>], vector<16xf32>,
      %add3A_224 = arith.addf %add3A_218, %gather3A_223 : vector<16xf32>
      %add3A_225 = arith.constant 15 : i32
      %add3A_226 = arith.addi %mul3A_125, %add3A_225 : i32
      %add3A_227 = vector.broadcast %add3A_226 : i32 to vector<16xi32>
      %add3A_228 = arith.addi %mul3A_3, %add3A_227 : vector<16xi32>
      %gather3A_229 = tpu.vector_load_idx %arg8[%add3A_228] : memref<3328xf32, #tpu.memory_space<vmem>>[vector<16xi32>], vector<16xf32>,
      %add3A_230 = arith.addf %add3A_224, %gather3A_229 : vector<16xf32>
      %add3A_231 = arith.constant 16 : i32
      %add3A_232 = arith.addi %mul3A_125, %add3A_231 : i32
      %add3A_233 = vector.broadcast %add3A_232 : i32 to vector<16xi32>
      %add3A_234 = arith.addi %mul3A_3, %add3A_233 : vector<16xi32>
      %gather3A_235 = tpu.vector_load_idx %arg8[%add3A_234] : memref<3328xf32, #tpu.memory_space<vmem>>[vector<16xi32>], vector<16xf32>,
      %add3A_236 = arith.addf %add3A_230, %gather3A_235 : vector<16xf32>
      %add3A_237 = arith.constant 17 : i32
      %add3A_238 = arith.addi %mul3A_125, %add3A_237 : i32
      %add3A_239 = vector.broadcast %add3A_238 : i32 to vector<16xi32>
      %add3A_240 = arith.addi %mul3A_3, %add3A_239 : vector<16xi32>
      %gather3A_241 = tpu.vector_load_idx %arg8[%add3A_240] : memref<3328xf32, #tpu.memory_space<vmem>>[vector<16xi32>], vector<16xf32>,
      %add3A_242 = arith.addf %add3A_236, %gather3A_241 : vector<16xf32>
      %add3A_243 = arith.constant 18 : i32
      %add3A_244 = arith.addi %mul3A_125, %add3A_243 : i32
      %add3A_245 = vector.broadcast %add3A_244 : i32 to vector<16xi32>
      %add3A_246 = arith.addi %mul3A_3, %add3A_245 : vector<16xi32>
      %gather3A_247 = tpu.vector_load_idx %arg8[%add3A_246] : memref<3328xf32, #tpu.memory_space<vmem>>[vector<16xi32>], vector<16xf32>,
      %add3A_248 = arith.addf %add3A_242, %gather3A_247 : vector<16xf32>
      %add3A_249 = arith.constant 19 : i32
      %add3A_250 = arith.addi %mul3A_125, %add3A_249 : i32
      %add3A_251 = vector.broadcast %add3A_250 : i32 to vector<16xi32>
      %add3A_252 = arith.addi %mul3A_3, %add3A_251 : vector<16xi32>
      %gather3A_253 = tpu.vector_load_idx %arg8[%add3A_252] : memref<3328xf32, #tpu.memory_space<vmem>>[vector<16xi32>], vector<16xf32>,
      %add3A_254 = arith.addf %add3A_248, %gather3A_253 : vector<16xf32>
      %add3A_255 = arith.constant 20 : i32
      %add3A_256 = arith.addi %mul3A_125, %add3A_255 : i32
      %add3A_257 = vector.broadcast %add3A_256 : i32 to vector<16xi32>
      %add3A_258 = arith.addi %mul3A_3, %add3A_257 : vector<16xi32>
      %gather3A_259 = tpu.vector_load_idx %arg8[%add3A_258] : memref<3328xf32, #tpu.memory_space<vmem>>[vector<16xi32>], vector<16xf32>,
      %add3A_260 = arith.addf %add3A_254, %gather3A_259 : vector<16xf32>
      %add3A_261 = arith.constant 21 : i32
      %add3A_262 = arith.addi %mul3A_125, %add3A_261 : i32
      %add3A_263 = vector.broadcast %add3A_262 : i32 to vector<16xi32>
      %add3A_264 = arith.addi %mul3A_3, %add3A_263 : vector<16xi32>
      %gather3A_265 = tpu.vector_load_idx %arg8[%add3A_264] : memref<3328xf32, #tpu.memory_space<vmem>>[vector<16xi32>], vector<16xf32>,
      %add3A_266 = arith.addf %add3A_260, %gather3A_265 : vector<16xf32>
      %add3A_267 = arith.constant 22 : i32
      %add3A_268 = arith.addi %mul3A_125, %add3A_267 : i32
      %add3A_269 = vector.broadcast %add3A_268 : i32 to vector<16xi32>
      %add3A_270 = arith.addi %mul3A_3, %add3A_269 : vector<16xi32>
      %gather3A_271 = tpu.vector_load_idx %arg8[%add3A_270] : memref<3328xf32, #tpu.memory_space<vmem>>[vector<16xi32>], vector<16xf32>,
      %add3A_272 = arith.addf %add3A_266, %gather3A_271 : vector<16xf32>
      %add3A_273 = arith.constant 23 : i32
      %add3A_274 = arith.addi %mul3A_125, %add3A_273 : i32
      %add3A_275 = vector.broadcast %add3A_274 : i32 to vector<16xi32>
      %add3A_276 = arith.addi %mul3A_3, %add3A_275 : vector<16xi32>
      %gather3A_277 = tpu.vector_load_idx %arg8[%add3A_276] : memref<3328xf32, #tpu.memory_space<vmem>>[vector<16xi32>], vector<16xf32>,
      %add3A_278 = arith.addf %add3A_272, %gather3A_277 : vector<16xf32>
      %add3A_279 = arith.constant 24 : i32
      %add3A_280 = arith.addi %mul3A_125, %add3A_279 : i32
      %add3A_281 = vector.broadcast %add3A_280 : i32 to vector<16xi32>
      %add3A_282 = arith.addi %mul3A_3, %add3A_281 : vector<16xi32>
      %gather3A_283 = tpu.vector_load_idx %arg8[%add3A_282] : memref<3328xf32, #tpu.memory_space<vmem>>[vector<16xi32>], vector<16xf32>,
      %add3A_284 = arith.addf %add3A_278, %gather3A_283 : vector<16xf32>
      %add3A_285 = arith.constant 25 : i32
      %add3A_286 = arith.addi %mul3A_125, %add3A_285 : i32
      %add3A_287 = vector.broadcast %add3A_286 : i32 to vector<16xi32>
      %add3A_288 = arith.addi %mul3A_3, %add3A_287 : vector<16xi32>
      %gather3A_289 = tpu.vector_load_idx %arg8[%add3A_288] : memref<3328xf32, #tpu.memory_space<vmem>>[vector<16xi32>], vector<16xf32>,
      %add3A_290 = arith.addf %add3A_284, %gather3A_289 : vector<16xf32>
      %neg3A = arith.constant 0.000000e+00 : f32
      %neg3A_291 = vector.broadcast %neg3A : f32 to vector<16xf32>
      %neg3A_292 = arith.subf %neg3A_291, %add3A_290 : vector<16xf32>
      %exp3A = math.exp %neg3A_292 : vector<16xf32>
      %add3A_293 = arith.constant 1.000000e+00 : f32
      %add3A_294 = vector.broadcast %add3A_293 : f32 to vector<16xf32>
      %add3A_295 = arith.addf %add3A_294, %exp3A : vector<16xf32>
      %div3A = arith.constant 1.000000e+00 : f32
      %div3A_296 = vector.broadcast %div3A : f32 to vector<16xf32>
      %div3A_297 = arith.divf %div3A_296, %add3A_295 : vector<16xf32>
      %mul3A_298 = arith.constant 16 : i32
      %mul3A_299 = arith.muli %scan3A_122, %mul3A_298 : i32
      %swap3A = arith.index_cast %mul3A_299 : i32 to index
      %swap3A_300 = tpu.vector_load %arg9[%swap3A] {strides = array<i32>} : memref<128xf32, #tpu.memory_space<vmem>>, vector<16xf32>,
      tpu.vector_store %arg9[%swap3A], %div3A_297 {strides = array<i32>} : memref<128xf32, #tpu.memory_space<vmem>>, vector<16xf32>,
      %scan3A_301 = arith.constant 0 : i32
      scf.yield %scan3A_301 : i32
    }
    %scan3A_120 = arith.constant 8 : i32
    %barrier3A_121 = arith.constant 0 : index
    tpu.barrier barrier_id(%barrier3A_121)
    "tpu.region"() ({
      %run_scoped3A = tpu.sem_alloc : memref<!tpu.dma_semaphore, #tpu.memory_space<semaphore_mem>>
      %dma_start3A = tpu.memref_slice %arg5[%add3A_95] : memref<16384xf32, #tpu.memory_space<hbm>> -> memref<128xf32, #tpu.memory_space<hbm>>
      %dma_start3A_122 = tpu.memref_slice %arg5[%add3A_95] : memref<16384xf32, #tpu.memory_space<hbm>> -> memref<128xf32, #tpu.memory_space<hbm>>
      tpu.enqueue_dma source(%arg9 : memref<128xf32, #tpu.memory_space<vmem>>) target(%dma_start3A_122 : memref<128xf32, #tpu.memory_space<hbm>>) target_semaphore(%run_scoped3A : memref<!tpu.dma_semaphore, #tpu.memory_space<semaphore_mem>>)
      %dma_wait3A = tpu.memref_slice %arg5[%add3A_95] : memref<16384xf32, #tpu.memory_space<hbm>> -> memref<128xf32, #tpu.memory_space<hbm>>
      %dma_wait3A_123 = tpu.memref_slice %arg5[%add3A_95] : memref<16384xf32, #tpu.memory_space<hbm>> -> memref<128xf32, #tpu.memory_space<hbm>>
      tpu.wait_dma2 semaphore(%run_scoped3A : memref<!tpu.dma_semaphore, #tpu.memory_space<semaphore_mem>>) src(%arg9 : memref<128xf32, #tpu.memory_space<vmem>>) dst(%dma_wait3A_123 : memref<128xf32, #tpu.memory_space<hbm>>)
      tpu.yield
    }) : () -> ()
    return
  }
}

</mosaic_0001>

<sc_bundles>
// kernel: kernel.3.cloned.1.call-start
scs
__scs_entry_jumppad:
0x0: {  	(pc) =	sbr.rel $0x88, $3  }
0x1: {  	(tag) =	ssettag $0x0;
	lr =	simm.s32 $0x1  }
0x2: {  	[smem:$0x3F9E] =	sst lr;
	_ =	strace $0xD0000000  }
0x3: {  	_ = 	snop  }
0x4: {  	_ = 	snop  }
0x5: {  	_ = 	snop  }
0x6: {  	_ = 	snop  }
0x7: {  	_ = 	snop  }
__scs_overlays_trampoline_lowered:
0x8: {  	[smem:$0x3FAD] =	sst s0  }
0x9: {  	[smem:$0x3FAE] =	sst s1  }
0xa: {  	[smem:$0x3FAF] =	sst s2  }
0xb: {  	[smem:$0x3FB0] =	sst s3  }
0xc: {  	[smem:$0x3FB1] =	sst s4  }
0xd: {  	[smem:$0x3FB2] =	sst s5  }
0xe: {  	[smem:$0x3FB3] =	sst s6  }
0xf: {  	[smem:$0x3FB4] =	sst s7  }
0x10: {  	[smem:$0x3FB5] =	sst s8  }
0x11: {  	[smem:$0x3FB6] =	sst s9;
	s0 =	simm.s32 @!p0 $0x0  }
0x12: {  	s1 =	sld [smem:$0x3F9C];
	s0 =	simm.s32 @p0 $0x1  }
0x13: {  	[smem:$0x3FB7] =	sst s0;
	s0 =	simm.s32 @!p1 $0x0  }
0x14: {  	s2 =	sld [smem:$0x3F9B];
	s0 =	simm.s32 @p1 $0x1  }
0x15: {  	[smem:$0x3FB8] =	sst s0;
	s0 =	simm.s32 @!p2 $0x0  }
0x16: {  	s3 =	sld [smem:$0x3FDB];
	s0 =	simm.s32 @p2 $0x1  }
0x17: {  	s4 =	simm.s32 $0x1BF5;
	[smem:$0x3FBA] =	sst s0  }
0x18: {  	s0 =	sld [smem:$0x3F9D];
	_ =	swait.ge [sflag:s4], $0x0  }
0x19: {  	s7 =	sld [smem:$0x3F9E]  }
0x1a: {  	s8 =	sadd.s32 $0xFFFFE003, lr  }
0x1b: {  	s9 =	sadd.s32 $0xFFFFFEF7, lr;
	s5 =	simm.s32 $0xFFFFFFFF;
	p2 =	slt.u32 s8, $0xFFFFF086  }
0x1c: {  	p1 =	slt.u32 s9, $0xF7A;
	s5 =	simm.s32 @!p2 $0x0  }
0x1d: {  	s5 =	simm.s32 @p1 $0x1;
	p0 =	seq.s32 s7, s2  }
0x1e: {  	s7 =	smul.u32 @!p0 $0xF7A, s2;
	p2 =	seq.s32 @!p0 s5, $0x0  }
0x1f: {  	s9 =	smul.u32 $0xF7A, s1;
	s8 =	simm.s32 @!p0 $0x1BF5;
	p2 =	por !p2, p0  }
0x20: {  	[sflag:s8] =	ssyncset.s32 @!p0 $0xFFFFF086;
	s6 =	sadd.s32 @!p0 s3, s7;
	s7 =	simm.s32 @!p0 $0x108  }
0x21: {  	s3 =	sadd.s32 s3, s9;
	s6 =	sadd.s32 @!p0 $0x88, s6;
	s7 =	simm.s32 @p2 $0x1082  }
0x22: {  	[simem:s7], [sflag:s8] =	dma.local @!p0 [hbm:s6], $0xF7A  }
0x23: {  	s9 =	sor.u32 $0xD0000000, s2;
	s6 =	simm.s32 $0x108;
	_ =	swait.ge @!p0 [sflag:s8], $0x0  }
0x24: {  	s3 =	sadd.s32 $0x88, s3;
	s6 =	simm.s32 @!p1 $0x1082;
	[sflag:s4] =	ssyncset.s32 $0xFFFFF086  }
0x25: {  	[simem:s6], [sflag:s4] =	dma.local [hbm:s3], $0xF7A  }
0x26: {  	[smem:$0x3F9E] =	sst s1;
	(tag) =	ssettag s2;
	_ =	strace s9  }
0x27: {  	s1 =	sld [smem:$0x3FAE]  }
0x28: {  	s2 =	sld [smem:$0x3FAF]  }
0x29: {  	s4 =	sld [smem:$0x3FB1]  }
0x2a: {  	p0 =	seq.s32 s5, $0x0;
	s5 =	sld [smem:$0x3FB2]  }
0x2b: {  	s6 =	sld [smem:$0x3FB3]  }
0x2c: {  	s7 =	sld [smem:$0x3FB4]  }
0x2d: {  	s3 =	simm.s32 $0x108;
	s8 =	sld [smem:$0x3FB5]  }
0x2e: {  	s3 =	simm.s32 @!p0 $0x1082;
	s9 =	sld [smem:$0x3FB6]  }
0x2f: {  	lr =	sadd.s32 s0, s3;
	s0 =	sld [smem:$0x3FAD]  }
0x30: {  	s3 =	sld [smem:$0x3FB0]  }
0x31: {  	[smem:$0x3FB9] =	sst s10  }
0x32: {  	s10 =	sld [smem:$0x3FB7];
	_ =	sdelay $0x3  }
0x33: {  	p0 =	seq.s32 s10, $0x1;
	s10 =	sld [smem:$0x3FB9];
	_ =	sdelay $0x3  }
0x34: {  	[smem:$0x3FB9] =	sst s10  }
0x35: {  	s10 =	sld [smem:$0x3FB8];
	_ =	sdelay $0x3  }
0x36: {  	p1 =	seq.s32 s10, $0x1;
	s10 =	sld [smem:$0x3FB9];
	_ =	sdelay $0x3  }
0x37: {  	[smem:$0x3FB9] =	sst s10  }
0x38: {  	s10 =	sld [smem:$0x3FBA]  }
0x39: {  	_ = 	snop;
	(pc) =	sbr.ind lr, $3  }
0x3a: {  	_ = 	snop  }
0x3b: {  	_ = 	snop  }
0x3c: {  	p2 =	seq.s32 s10, $0x1;
	s10 =	sld [smem:$0x3FB9]  }
0x3d: {  	_ =	shalt  }
0x3e: {  	_ =	shalt  }
0x3f: {  	_ =	shalt  }
0x40: {  	_ =	shalt  }
0x41: {  	_ =	shalt  }
0x42: {  	_ =	shalt  }
0x43: {  	_ =	shalt  }
0x44: {  	_ =	shalt  }
0x45: {  	_ =	shalt  }
0x46: {  	_ =	shalt  }
0x47: {  	_ =	shalt  }
0x48: {  	_ =	shalt  }
0x49: {  	_ =	shalt  }
0x4a: {  	_ =	shalt  }
0x4b: {  	_ =	shalt  }
0x4c: {  	_ =	shalt  }
0x4d: {  	_ =	shalt  }
0x4e: {  	_ =	shalt  }
0x4f: {  	_ =	shalt  }
0x50: {  	_ =	shalt  }
0x51: {  	_ =	shalt  }
0x52: {  	_ =	shalt  }
0x53: {  	_ =	shalt  }
0x54: {  	_ =	shalt  }
0x55: {  	_ =	shalt  }
0x56: {  	_ =	shalt  }
0x57: {  	_ =	shalt  }
0x58: {  	_ =	shalt  }
0x59: {  	_ =	shalt  }
0x5a: {  	_ =	shalt  }
0x5b: {  	_ =	shalt  }
0x5c: {  	_ =	shalt  }
0x5d: {  	_ =	shalt  }
0x5e: {  	_ =	shalt  }
0x5f: {  	_ =	shalt  }
0x60: {  	_ =	shalt  }
0x61: {  	_ =	shalt  }
0x62: {  	_ =	shalt  }
0x63: {  	_ =	shalt  }
0x64: {  	_ =	shalt  }
0x65: {  	_ =	shalt  }
0x66: {  	_ =	shalt  }
0x67: {  	_ =	shalt  }
0x68: {  	_ =	shalt  }
0x69: {  	_ =	shalt  }
0x6a: {  	_ =	shalt  }
0x6b: {  	_ =	shalt  }
0x6c: {  	_ =	shalt  }
0x6d: {  	_ =	shalt  }
0x6e: {  	_ =	shalt  }
0x6f: {  	_ =	shalt  }
0x70: {  	_ =	shalt  }
0x71: {  	_ =	shalt  }
0x72: {  	_ =	shalt  }
0x73: {  	_ =	shalt  }
0x74: {  	_ =	shalt  }
0x75: {  	_ =	shalt  }
0x76: {  	_ =	shalt  }
0x77: {  	_ =	shalt  }
0x78: {  	_ =	shalt  }
0x79: {  	_ =	shalt  }
0x7a: {  	_ =	shalt  }
0x7b: {  	_ =	shalt  }
0x7c: {  	_ =	shalt  }
0x7d: {  	_ =	shalt  }
0x7e: {  	_ =	shalt  }
0x7f: {  	_ =	shalt  }
0x80: {  	_ =	shalt  }
0x81: {  	_ =	shalt  }
0x82: {  	_ =	shalt  }
0x83: {  	_ =	shalt  }
0x84: {  	_ =	shalt  }
0x85: {  	_ =	shalt  }
0x86: {  	_ =	shalt  }
0x87: {  	_ =	shalt  }
.Lfunc_end0:
.L_simem_size_0:
called_computation_lowered:
.L_overlay_start_0:
0x88: {  	s2 =	sld [smem:$0x3FD9]  }
0x89: {  	s3 =	sld [smem:$0x3FFE];
	_ =	sdelay $0x1  }
0x8a: {  	s1 =	srdreg.scid  }
0x8b: {  	s0 =	sand.u32 $0x1, s1  }
0x8c: {  	s17 =	sshll.u32 s0, $0xA;
	s2 =	sadd.s32 s3, s2  }
0x8d: {  	s2 =	sadd.s32 s2, s17  }
0x8e: {  	[smem:$0x3FC5] =	sst s2  }
0x8f: {  	_ = 	snop  }
0x90: {  	s2 =	sld [smem:$0x3FD0];
	(tm) =	ssettm $0x1  }
0x91: {  	s18 =	sld [smem:$0x3FFB];
	_ =	sdelay $0x3  }
0x92: {  	_ =	strace s18  }
0x93: {  	s3 =	sld [smem:$0x3FFC];
	_ =	sdelay $0x3  }
0x94: {  	_ =	strace s3  }
0x95: {  	s3 =	sld [smem:$0x3FFD];
	_ =	sdelay $0x3  }
0x96: {  	_ =	strace s3  }
0x97: {  	_ =	strace $0x8FFFFFFF  }
0x98: {  	s19 =	sld [smem:$0x3FDB];
	_ =	sdelay $0x1  }
0x99: {  	s4 =	simm.s32 $_scs_section_size  }
0x9a: {  	s5 =	simm.s32 $_size__tile_overlayer_lowered;
	s6 =	simm.s32 $_tile_overlayer_lowered  }
0x9b: {  	s22 =	simm.s32 $0x1BFF;
	s21 =	sshll.u32 s6, $0x1;
	s3 =	sadd.s32 s4, s19  }
0x9c: {  	s7 =	simm.s32 $0x0;
	s20 =	sshll.u32 s5, $0x1;
	s5 =	sadd.s32 s21, s3  }
0x9d: {  	[timem:s7], [sflag:s22] =	dma.local [hbm:s5], s20  }
0x9e: {  	_ =	swait.ge [sflag:s22], s20  }
0x9f: {  	s4 =	ssub.s32 $0x0, s20;
	[sflag:s22] =	ssyncset.done $0x0  }
0xa0: {  	[sflag:s22] =	ssyncadd.s32 s4;
	_ =	sdelay $0x1  }
0xa1: {  	s23 =	simm.s32 $0x1B8B  }
0xa2: {  	_ =	swait.ge [sflag:s23], $0x1  }
0xa3: {  	[sflag:s23] =	ssyncset.done $0x0  }
0xa4: {  	s25 =	simm.s32 $0x1B8E;
	s24 =	sld [smem:$0x3FFE];
	[sflag:s23] =	ssyncadd.s32 $0xFFFFFFFF  }
0xa5: {  	s26 =	simm.s32 $execute0_lowered;
	[smem:$0x3FD2] =	sst s25  }
0xa6: {  	s5 =	sshll.u32 s26, $0x1;
	_ =	strace $0x80000046;
	[dreg:$0x1] =	wrdreg $0xFFFFFFFF  }
0xa7: {  	s28 =	simm.s32 $_size_execute0_lowered;
	s3 =	sadd.s32 s3, s5;
	[dreg:$0x0] =	wrdreg $0x0  }
0xa8: {  	s5 =	sshll.u32 s28, $0x1;
	[dreg:$0x2] =	wrdreg s3  }
0xa9: {  	[dreg:$0x3] =	wrdreg s5  }
0xaa: {  	[dreg:$0x4] =	wrdreg $0xC0  }
0xab: {  	_ =	task [dreg:s7], $0x5FFFF  }
0xac: {  	[dreg:$0x1] =	wrdreg $0xFFFFFFFF  }
0xad: {  	[dreg:$0x0] =	wrdreg $0x60  }
0xae: {  	[dreg:$0x2] =	wrdreg s24  }
0xaf: {  	[dreg:$0x3] =	wrdreg s2  }
0xb0: {  	[dreg:$0x4] =	wrdreg $0x9  }
0xb1: {  	_ =	task.clear_ibuf [dreg:s7], $0x5FFFF;
	_ =	strace $0x90000046  }
0xb2: {  	s29 =	simm.s32 $0x9;
	_ =	strace $0x80000048  }
0xb3: {  	_ =	swait.ge [sflag:s29], $0x1  }
0xb4: {  	[sflag:s29] =	ssyncadd.s32 $0xFFFFFFFF  }
0xb5: {  	_ =	strace $0x90000048  }
0xb6: {  	_ =	sfence  }
0xb7: {  	s30 =	sld [smem:$0x0];
	_ =	sdelay $0x2  }
0xb8: {  	s31 =	sshll.u32 s1, $0xD;
	s1 =	sshrl.u32 s1, $0x2  }
0xb9: {  	s3 =	sand.u32 $0x4000, s31;
	s1 =	sadd.s32 s1, s30  }
0xba: {  	s0 =	sor.u32 s3, s0;
	s1 =	sshll.u32 s1, $0x11  }
0xbb: {  	s0 =	sor.u32 s1, s0  }
0xbc: {  	s0 =	sadd.s32 $0x8F2B, s0  }
0xbd: {  	[sflag:s0] =	ssyncadd.remote.s32 $0x1  }
0xbe: {  	_ =	sfence.sel $0xFFFF  }
0xbf: {  	[dreg:$0x0] =	wrdreg $0xFFFFFFFF;
	(pc) =	sbr.abs _section_cstart, $3  }
0xc0: {  	[dreg:$0x1] =	wrdreg $0xFFFFFFFF  }
0xc1: {  	_ =	task.clear_ibuf [dreg:s7], $0x2FFFF;
	_ =	strace $0x9FFFFFFF  }
0xc2: {  	(tm) =	ssettm $0x7FFFFFFF  }
0xc3: {  	_ =	shalt  }
tec
execute0_lowered:
.L_overlay_start_1:
0x0: {  	(tag) =	ssettag $0x1  }
0x1: {  	s4 =	rddreg [dreg:$0x0]  }
0x2: {  	s6 =	rddreg [dreg:$0x1]  }
0x3: {  	s0 =	rddreg [dreg:$0x2]  }
0x4: {  	s2 =	simm.s32 $0x0;
	s3 =	srdreg.scid;
	s1 =	stileid.u32  }
0x5: {  	s14 =	simm.s32 $0x3;
	s15 =	simm.s32 $0x80;
	s16 =	simm.s32 $0x1  }
0x6: {  	s17 =	simm.s32 $0x2;
	s18 =	simm.s32 $0xD00;
	s19 =	simm.s32 $0xDD00  }
0x7: {  	s20 =	simm.s32 $0xEA00;
	s21 =	simm.s32 $0x0;
	[smem:$0x7FF] =	sst s2  }
0x8: {  	s5 =	sand.u32 $0x1, s3;
	s30 =	sshll.u32 s1, $0x1;
	s7 =	sadd.s32 $0x1000, s4  }
0x9: {  	s3 =	sadd.s32 $0x27AD600, s4;
	s4 =	sadd.s32 $0xE000, s4;
	s8 =	sor.u32 s5, s30  }
0xa: {  	_ =	strace $0x80000047;
	s5 =	ssub.s32 $0x2, s5;
	s9 =	smul.u32 $0x3400, s8  }
0xb: {  	s10 =	sshrl.u32 s5, $0x1;
	s11 =	smul.u32 $0x680, s8;
	s8 =	sshll.u32 s8, $0x6  }
0xc: {  	s13 =	ssub.s32 s5, s10;
	s6 =	sadd.s32 s6, s8;
	s9 =	sshrl.u32 s9, $0x3  }
0xd: {  	v0 =	vlaneseq.u32;
	s5 =	sadd.s32 s7, s11;
	s8 =	sadd.s32 $0x10, s6;
	s10 =	sadd.s32 $0x20, s6  }
0xe: {  	v1 =	vand.u32 $0x3, v0;
	s12 =	sadd.s32 $0x30, s6;
	s13 =	smax.u32 s13, $0x1;
	s31 =	sadd.s32 s7, s9  }
0xf: {  	v0 =	vmul.u32 $0x1A, v0;
	v1 =	vmul.u32 $0x2, v1;
	s7 =	sadd.s32 $0x1A0, s31;
	s9 =	sadd.s32 $0x340, s31;
	s11 =	sadd.s32 $0x4E0, s31  }
.LBB2_1:
0x10: {  	[tilespmem:s2], [sflag:$0x3] =	stream.linear.gather [hbm4b:s5+s2], $0xD00, $0x38;
	[tilespmem:$0xEA80] =	vst v63  }
0x11: {  	_ =	swait.ge [sflag:s14], $0xD00  }
0x12: {  	s24 =	simm.s32 $0x0;
	s22 =	simm.s32 $0x200;
	[sflag:s14] =	ssyncset.done $0x0  }
0x13: {  	s25 =	simm.s32 $0xDD00;
	s23 =	simm.s32 $0x1500;
	[sflag:s14] =	ssyncadd.s32 $0xFFFFF300  }
0x14: {  	[tilespmem:s18], [sflag:$0x1] =	stream.indirect.gather [hbm4b:s3+s15], $0x10, s24, s15, $0xb8;
	[tilespmem:$0xEA80] =	vst v63  }
.LBB2_2:
0x15: {  	[tilespmem:s25], [sflag:$0x2] =	stream.indirect.gather [hbm4b:s4+s15], $0x1, s24, s15, $0xb8;
	[tilespmem:$0xEA80] =	vst v63  }
0x16: {  	s24 =	smov.u32 s22;
	p0 =	sne.s32 s22, $0x3200  }
.Ltmp0:
0x17: {  	s22 =	sadd.s32 $0x200, s22;
	(pc) =	sbr.rel @p0 .LBB2_2-.Ltmp0, $4  }
0x18: {  	_ = 	snop  }
0x19: {  	s24 =	sshra.s32 s24, $0x2  }
0x1a: {  	[tilespmem:s23], [sflag:$0x1] =	stream.indirect.gather [hbm4b:s3+s15], $0x10, s24, s15, $0xb8;
	[tilespmem:$0xEA80] =	vst v63  }
0x1b: {  	s25 =	sadd.s32 $0xDD00, s24;
	s23 =	sadd.s32 $0x800, s23  }
0x1c: {  	[tilespmem:s25], [sflag:$0x2] =	stream.indirect.gather [hbm4b:s4+s15], $0x1, s24, s15, $0xb8;
	[tilespmem:$0xEA80] =	vst v63  }
0x1d: {  	_ =	swait.ge [sflag:s16], $0x800  }
0x1e: {  	[sflag:s16] =	ssyncset.done $0x0  }
0x1f: {  	[sflag:s16] =	ssyncadd.s32 $0xFFFFF800  }
0x20: {  	_ =	swait.ge [sflag:s17], $0x80  }
0x21: {  	s23 =	simm.s32 $0x19;
	[sflag:s17] =	ssyncset.done $0x0  }
.LBB2_4:
0x22: {  	p0 =	sne.s32 s23, $0x1;
	s23 =	sadd.s32 $0xFFFFFFFF, s23;
	[sflag:s17] =	ssyncadd.s32 $0xFFFFFF80  }
.Ltmp1:
0x23: {  	_ =	swait.ge [sflag:s16], $0x800;
	(pc) =	sbr.rel @p0 .LBB2_4-.Ltmp1, $4  }
0x24: {  	[sflag:s16] =	ssyncset.done $0x0  }
0x25: {  	[sflag:s16] =	ssyncadd.s32 $0xFFFFF800  }
0x26: {  	_ =	swait.ge [sflag:s17], $0x80  }
0x27: {  	s22 =	simm.s32 $0x0;
	[sflag:s17] =	ssyncset.done $0x0  }
0x28: {  	[sflag:s17] =	ssyncadd.s32 $0xFFFFFF80;
	s23 =	simm.s32 $0x0  }
.LBB2_6:
0x29: {  	s24 =	smul.u32 $0x1A0, s23;
	_ =	sdelay $0x1  }
0x2a: {  	v9 =	vadd.s32 s24, v0;
	s25 =	sor.u32 $0x1, s24  }
0x2b: {  	v22 =	vimm.f32 $0.0e+00;
	s26 =	sor.u32 $0x2, s24;
	s30 =	sor.u32 $0x3, s24;
	v2 =	vadd.s32 s25, v0;
	v47 =	vshll.u32 v9, $0x4  }
0x2c: {  	s29 =	sor.u32 $0x7, s24;
	v3 =	vadd.s32 s26, v0;
	[tilespmem:$0x1FFA0] =	vst v2;
	v46 =	vshll.u32 v2, $0x4;
	v2 =	vadd.s32 s30, v0  }
0x2d: {  	s31 =	sor.u32 $0x4, s24;
	v8 =	vadd.s32 s29, v0;
	[tilespmem:$0x1FFC0] =	vst v2;
	v42 =	vshll.u32 v2, $0x4;
	v2 =	vmov s22  }
0x2e: {  	s26 =	sor.u32 $0x5, s24;
	[tilespmem:$0x1FFB0] =	vst v3;
	v44 =	vshll.u32 v3, $0x4;
	v3 =	vadd.s32 s31, v0;
	v51 =	vand.u32 $0x8, v2  }
0x2f: {  	s28 =	sor.u32 $0x6, s24;
	v4 =	vadd.s32 s26, v0;
	v50 =	vand.u32 $0x7, v2;
	v2 =	vor.u32 v47, v51  }
0x30: {  	[tilespmem:$0x1FFD0] =	vst v3;
	v40 =	vshll.u32 v3, $0x4;
	v3 =	vadd.s32 s28, v0;
	v2 =	vor.u32 v50, v2  }
0x31: {  	s29 =	sor.u32 $0xC, s24;
	v39 =	vshll.u32 v8, $0x4;
	[tilespmem:$0x1FFF0] =	vst v3;
	v41 =	vshll.u32 v3, $0x4;
	v3 =	vor.u32 v46, v51  }
0x32: {  	s30 =	sor.u32 $0x8, s24;
	s31 =	sor.u32 $0x9, s24;
	v14 =	vadd.s32 s29, v0;
	v43 =	vshll.u32 v4, $0x4;
	v3 =	vor.u32 v50, v3  }
0x33: {  	s26 =	sor.u32 $0xA, s24;
	[tilespmem:$0x1FFE0] =	vst v4;
	v13 =	vadd.s32 s30, v0;
	v10 =	vadd.s32 s31, v0;
	v4 =	vor.u32 v44, v51  }
0x34: {  	v11 =	vadd.s32 s26, v0;
	v33 =	vshll.u32 v14, $0x4;
	v4 =	vor.u32 v50, v4  }
0x35: {  	s28 =	sor.u32 $0xB, s24;
	v37 =	vshll.u32 v13, $0x4;
	v36 =	vshll.u32 v10, $0x4;
	v16 =	vor.u32 v42, v51;
	v2 =	vld.idx.msk [tilespmem:v2+s18+$0x0], $0xffff  }
0x36: {  	s30 =	sor.u32 $0xD, s24;
	s26 =	sor.u32 $0xF, s24;
	v12 =	vadd.s32 s28, v0;
	v35 =	vshll.u32 v11, $0x4;
	v19 =	vor.u32 v50, v16  }
0x37: {  	v15 =	vadd.s32 s30, v0;
	v17 =	vadd.s32 s26, v0;
	v18 =	vor.u32 v40, v51;
	v3 =	vld.idx.msk [tilespmem:v3+s18+$0x0], $0xffff  }
0x38: {  	v34 =	vshll.u32 v12, $0x4;
	v31 =	vshll.u32 v15, $0x4;
	v20 =	vor.u32 v50, v18  }
0x39: {  	v29 =	vshll.u32 v17, $0x4;
	v21 =	vor.u32 v43, v51;
	v27 =	vor.u32 v37, v51;
	v4 =	vld.idx.msk [tilespmem:v4+s18+$0x0], $0xffff  }
0x3a: {  	v28 =	vor.u32 v35, v51;
	v21 =	vor.u32 v50, v21;
	v23 =	vmul.f32 v2, v2  }
0x3b: {  	v48 =	vor.u32 v33, v51;
	v24 =	vld.idx.msk [tilespmem:v19+s18+$0x0], $0xffff;
	v19 =	vor.u32 v41, v51;
	v2 =	vadd.f32 $0.0e+00, v2  }
0x3c: {  	s31 =	sor.u32 $0xE, s24;
	v25 =	vor.u32 v50, v19;
	v19 =	vadd.f32 v23, v22;
	v23 =	vmul.f32 v3, v3  }
0x3d: {  	v16 =	vadd.s32 s31, v0;
	v26 =	vld.idx.msk [tilespmem:v20+s18+$0x0], $0xffff;
	v20 =	vor.u32 v39, v51;
	v2 =	vadd.f32 v3, v2  }
0x3e: {  	s28 =	sor.u32 $0x10, s24;
	v3 =	vor.u32 v50, v20;
	v20 =	vadd.f32 v23, v19;
	v23 =	vmul.f32 v4, v4  }
0x3f: {  	v18 =	vadd.s32 s28, v0;
	v49 =	vor.u32 v31, v51;
	v21 =	vld.idx.msk [tilespmem:v21+s18+$0x0], $0xffff;
	v2 =	vadd.f32 v4, v2  }
0x40: {  	v4 =	vor.u32 v50, v27;
	v20 =	vadd.f32 v23, v20;
	v23 =	vmul.f32 v24, v24  }
0x41: {  	v30 =	vshll.u32 v16, $0x4;
	v25 =	vld.idx.msk [tilespmem:v25+s18+$0x0], $0xffff;
	v27 =	vor.u32 v36, v51;
	v2 =	vadd.f32 v24, v2  }
0x42: {  	v24 =	vor.u32 v50, v27;
	v27 =	vmul.f32 v26, v26;
	v23 =	vadd.f32 v23, v20  }
0x43: {  	v32 =	vshll.u32 v18, $0x4;
	v52 =	vor.u32 v30, v51;
	v3 =	vld.idx.msk [tilespmem:v3+s18+$0x0], $0xffff;
	v2 =	vadd.f32 v26, v2  }
0x44: {  	v26 =	vor.u32 v50, v28;
	v23 =	vadd.f32 v27, v23;
	v27 =	vmul.f32 v21, v21  }
0x45: {  	v61 =	vor.u32 v32, v51;
	v28 =	vor.u32 v34, v51;
	v4 =	vld.idx.msk [tilespmem:v4+s18+$0x0], $0xffff;
	v2 =	vadd.f32 v21, v2  }
0x46: {  	s29 =	sor.u32 $0x11, s24;
	v28 =	vor.u32 v50, v28;
	v23 =	vadd.f32 v27, v23;
	v27 =	vmul.f32 v25, v25  }
0x47: {  	v56 =	vor.u32 v50, v61;
	v19 =	vadd.s32 s29, v0;
	v24 =	vld.idx.msk [tilespmem:v24+s18+$0x0], $0xffff;
	v2 =	vadd.f32 v25, v2  }
0x48: {  	s30 =	sor.u32 $0x12, s24;
	v25 =	vor.u32 v50, v48;
	v23 =	vadd.f32 v27, v23;
	v27 =	vmul.f32 v3, v3  }
0x49: {  	v38 =	vshll.u32 v19, $0x4;
	v20 =	vadd.s32 s30, v0;
	v26 =	vld.idx.msk [tilespmem:v26+s18+$0x0], $0xffff;
	v2 =	vadd.f32 v3, v2  }
0x4a: {  	s31 =	sor.u32 $0x13, s24;
	v3 =	vor.u32 v50, v49;
	v59 =	vmul.f32 v4, v4;
	v27 =	vadd.f32 v27, v23  }
0x4b: {  	v45 =	vshll.u32 v20, $0x4;
	v21 =	vadd.s32 s31, v0;
	v28 =	vld.idx.msk [tilespmem:v28+s18+$0x0], $0xffff;
	v2 =	vadd.f32 v4, v2  }
0x4c: {  	v4 =	vor.u32 v50, v52;
	v60 =	vmul.f32 v24, v24;
	v27 =	vadd.f32 v59, v27  }
0x4d: {  	v62 =	vor.u32 v45, v51;
	v54 =	vld.idx.msk [tilespmem:v25+s18+$0x0], $0xffff;
	v25 =	vor.u32 v29, v51;
	v2 =	vadd.f32 v24, v2  }
0x4e: {  	s26 =	sor.u32 $0x14, s24;
	v55 =	vor.u32 v50, v25;
	v25 =	vadd.f32 v60, v27;
	v27 =	vmul.f32 v26, v26  }
0x4f: {  	s28 =	sor.u32 $0x15, s24;
	v48 =	vshll.u32 v21, $0x4;
	v23 =	vadd.s32 s26, v0;
	v3 =	vld.idx.msk [tilespmem:v3+s18+$0x0], $0xffff;
	v2 =	vadd.f32 v26, v2  }
0x50: {  	v58 =	vld.idx.msk [tilespmem:v56+s18+$0x0], $0xffff;
	v24 =	vadd.s32 s28, v0;
	v26 =	vadd.f32 v27, v25;
	v27 =	vmul.f32 v28, v28  }
0x51: {  	v49 =	vshll.u32 v23, $0x4;
	v52 =	vshll.u32 v24, $0x4;
	v4 =	vld.idx.msk [tilespmem:v4+s18+$0x0], $0xffff;
	v2 =	vadd.f32 v28, v2  }
0x52: {  	s29 =	sor.u32 $0x16, s24;
	v28 =	vor.u32 v38, v51;
	v26 =	vadd.f32 v27, v26;
	v27 =	vmul.f32 v54, v54  }
0x53: {  	v25 =	vadd.s32 s29, v0;
	v28 =	vor.u32 v50, v28;
	v55 =	vld.idx.msk [tilespmem:v55+s18+$0x0], $0xffff;
	v2 =	vadd.f32 v54, v2  }
0x54: {  	v53 =	vshll.u32 v25, $0x4;
	v57 =	vmul.f32 v3, v3;
	v27 =	vadd.f32 v27, v26  }
0x55: {  	v54 =	vor.u32 v50, v62;
	v62 =	vmul.f32 v58, v58;
	v2 =	vadd.f32 v3, v2  }
0x56: {  	s30 =	sor.u32 $0x17, s24;
	v3 =	vor.u32 v48, v51;
	v60 =	vmul.f32 v4, v4;
	v63 =	vadd.f32 v57, v27  }
0x57: {  	v26 =	vadd.s32 s30, v0;
	v3 =	vor.u32 v50, v3;
	v2 =	vadd.f32 v4, v2  }
0x58: {  	v4 =	vld.idx.msk [tilespmem:v28+s18+$0x0], $0xffff;
	v28 =	vor.u32 v49, v51;
	v57 =	vmul.f32 v55, v55;
	v56 =	vadd.f32 v60, v63  }
0x59: {  	s31 =	sor.u32 $0x18, s24;
	v63 =	vor.u32 v50, v28;
	v28 =	vor.u32 v52, v51;
	v2 =	vadd.f32 v55, v2  }
0x5a: {  	v27 =	vadd.s32 s31, v0;
	v60 =	vld.idx.msk [tilespmem:v54+s18+$0x0], $0xffff;
	v5 =	vor.u32 v50, v28;
	v61 =	vadd.f32 v57, v56  }
0x5b: {  	v54 =	vshll.u32 v27, $0x4;
	v2 =	vadd.f32 v58, v2;
	v58 =	vor.u32 v53, v51  }
0x5c: {  	s24 =	sor.u32 $0x19, s24;
	v56 =	vshll.u32 v26, $0x4;
	v59 =	vld.idx.msk [tilespmem:v3+s18+$0x0], $0xffff;
	v6 =	vadd.f32 v62, v61;
	v62 =	vor.u32 v50, v58  }
0x5d: {  	v28 =	vadd.s32 s24, v0;
	v3 =	vmul.f32 v4, v4;
	v7 =	vor.u32 v56, v51  }
0x5e: {  	v55 =	vshll.u32 v28, $0x4;
	v61 =	vadd.f32 v4, v2;
	v57 =	vld.idx.msk [tilespmem:v63+s18+$0x0], $0xffff;
	v63 =	vor.u32 v50, v7  }
0x5f: {  	s25 =	simm.s32 $0x2;
	s24 =	simm.s32 $0x1;
	v4 =	vor.u32 v54, v51;
	v2 =	vadd.f32 v3, v6;
	v3 =	vmul.f32 v60, v60;
	v58 =	vld.idx.msk [tilespmem:v5+s18+$0x0], $0xffff  }
.LBB2_7:
0x60: {  	p0 =	sne.s32 s25, $0xF;
	v5 =	vmov s24;
	v6 =	vadd.f32 v60, v61;
	v4 =	vor.u32 v50, v4;
	s24 =	smov.u32 s25  }
0x61: {  	v60 =	vor.u32 v55, v51;
	v2 =	vadd.f32 v3, v2;
	v3 =	vmul.f32 v59, v59;
	v7 =	vld.idx.msk [tilespmem:v62+s18+$0x0], $0xffff  }
0x62: {  	v51 =	vand.u32 $0x8, v5;
	v60 =	vor.u32 v50, v60;
	v50 =	vand.u32 $0x7, v5  }
0x63: {  	v5 =	vor.u32 v47, v51;
	v2 =	vadd.f32 v3, v2;
	v3 =	vmul.f32 v57, v57;
	v61 =	vld.idx.msk [tilespmem:v63+s18+$0x0], $0xffff  }
0x64: {  	v6 =	vadd.f32 v59, v6;
	v5 =	vor.u32 v50, v5  }
0x65: {  	v59 =	vor.u32 v46, v51;
	v2 =	vadd.f32 v3, v2;
	v3 =	vmul.f32 v58, v58;
	v4 =	vld.idx.msk [tilespmem:v4+s18+$0x0], $0xffff  }
0x66: {  	v59 =	vor.u32 v50, v59;
	v6 =	vadd.f32 v57, v6  }
0x67: {  	v57 =	vor.u32 v44, v51;
	v2 =	vadd.f32 v3, v2;
	v3 =	vmul.f32 v7, v7;
	v60 =	vld.idx.msk [tilespmem:v60+s18+$0x0], $0xffff  }
0x68: {  	v57 =	vor.u32 v50, v57;
	v6 =	vadd.f32 v58, v6  }
0x69: {  	v58 =	vor.u32 v42, v51;
	v5 =	vld.idx.msk [tilespmem:v5+s18+$0x0], $0xffff;
	v2 =	vadd.f32 v3, v2;
	v3 =	vmul.f32 v61, v61  }
0x6a: {  	v58 =	vor.u32 v50, v58;
	v6 =	vadd.f32 v7, v6  }
0x6b: {  	v7 =	vld.idx.msk [tilespmem:v59+s18+$0x0], $0xffff;
	v59 =	vor.u32 v40, v51;
	v2 =	vadd.f32 v3, v2;
	v3 =	vmul.f32 v4, v4  }
0x6c: {  	v6 =	vadd.f32 v61, v6;
	v59 =	vor.u32 v50, v59  }
0x6d: {  	v61 =	vor.u32 v43, v51;
	v57 =	vld.idx.msk [tilespmem:v57+s18+$0x0], $0xffff;
	v2 =	vadd.f32 v3, v2;
	v3 =	vmul.f32 v60, v60  }
0x6e: {  	v61 =	vor.u32 v50, v61;
	v4 =	vadd.f32 v4, v6  }
0x6f: {  	v62 =	vor.u32 v41, v51;
	v6 =	vmul.f32 v5, v5;
	v58 =	vld.idx.msk [tilespmem:v58+s18+$0x0], $0xffff;
	v2 =	vadd.f32 v3, v2  }
0x70: {  	v4 =	vadd.f32 v60, v4;
	v3 =	vadd.f32 $0.0e+00, v5;
	v5 =	vor.u32 v50, v62  }
0x71: {  	v60 =	vor.u32 v39, v51;
	v2 =	vadd.f32 v6, v2;
	v6 =	vmul.f32 v7, v7;
	v59 =	vld.idx.msk [tilespmem:v59+s18+$0x0], $0xffff  }
0x72: {  	v4 =	vmul.f32 v4, v4;
	v3 =	vadd.f32 v7, v3;
	v7 =	vor.u32 v50, v60  }
0x73: {  	v2 =	vadd.f32 v6, v2;
	v6 =	vmul.f32 v57, v57;
	v60 =	vld.idx.msk [tilespmem:v61+s18+$0x0], $0xffff;
	v61 =	vor.u32 v37, v51  }
0x74: {  	v22 =	vadd.f32 v4, v22;
	v3 =	vadd.f32 v57, v3;
	v57 =	vor.u32 v50, v61  }
0x75: {  	v4 =	vmul.f32 v58, v58;
	v2 =	vadd.f32 v6, v2;
	v5 =	vld.idx.msk [tilespmem:v5+s18+$0x0], $0xffff;
	v6 =	vor.u32 v36, v51  }
0x76: {  	v3 =	vadd.f32 v58, v3;
	v6 =	vor.u32 v50, v6  }
0x77: {  	v58 =	vor.u32 v35, v51;
	v2 =	vadd.f32 v4, v2;
	v4 =	vmul.f32 v59, v59;
	v7 =	vld.idx.msk [tilespmem:v7+s18+$0x0], $0xffff  }
0x78: {  	v58 =	vor.u32 v50, v58;
	v3 =	vadd.f32 v59, v3  }
0x79: {  	v59 =	vor.u32 v34, v51;
	v2 =	vadd.f32 v4, v2;
	v4 =	vmul.f32 v60, v60;
	v57 =	vld.idx.msk [tilespmem:v57+s18+$0x0], $0xffff  }
0x7a: {  	v59 =	vor.u32 v50, v59;
	v3 =	vadd.f32 v60, v3  }
0x7b: {  	v60 =	vor.u32 v33, v51;
	v2 =	vadd.f32 v4, v2;
	v4 =	vmul.f32 v5, v5;
	v6 =	vld.idx.msk [tilespmem:v6+s18+$0x0], $0xffff  }
0x7c: {  	v3 =	vadd.f32 v5, v3;
	v5 =	vor.u32 v50, v60  }
0x7d: {  	v60 =	vor.u32 v31, v51;
	v2 =	vadd.f32 v4, v2;
	v4 =	vmul.f32 v7, v7;
	v58 =	vld.idx.msk [tilespmem:v58+s18+$0x0], $0xffff  }
0x7e: {  	v3 =	vadd.f32 v7, v3;
	v7 =	vor.u32 v50, v60  }
0x7f: {  	v60 =	vor.u32 v30, v51;
	v2 =	vadd.f32 v4, v2;
	v4 =	vmul.f32 v57, v57;
	v59 =	vld.idx.msk [tilespmem:v59+s18+$0x0], $0xffff  }
0x80: {  	v3 =	vadd.f32 v57, v3;
	v57 =	vor.u32 v50, v60  }
0x81: {  	v60 =	vor.u32 v29, v51;
	v2 =	vadd.f32 v4, v2;
	v4 =	vmul.f32 v6, v6;
	v5 =	vld.idx.msk [tilespmem:v5+s18+$0x0], $0xffff  }
0x82: {  	v3 =	vadd.f32 v6, v3;
	v6 =	vor.u32 v50, v60  }
0x83: {  	v60 =	vor.u32 v32, v51;
	v2 =	vadd.f32 v4, v2;
	v4 =	vmul.f32 v58, v58;
	v7 =	vld.idx.msk [tilespmem:v7+s18+$0x0], $0xffff  }
0x84: {  	v3 =	vadd.f32 v58, v3;
	v58 =	vor.u32 v50, v60  }
0x85: {  	v60 =	vor.u32 v38, v51;
	v2 =	vadd.f32 v4, v2;
	v4 =	vmul.f32 v59, v59;
	v57 =	vld.idx.msk [tilespmem:v57+s18+$0x0], $0xffff  }
0x86: {  	v3 =	vadd.f32 v59, v3;
	v59 =	vor.u32 v50, v60  }
0x87: {  	v60 =	vor.u32 v45, v51;
	v2 =	vadd.f32 v4, v2;
	v4 =	vmul.f32 v5, v5;
	v6 =	vld.idx.msk [tilespmem:v6+s18+$0x0], $0xffff  }
0x88: {  	v3 =	vadd.f32 v5, v3;
	v5 =	vor.u32 v50, v60  }
0x89: {  	v60 =	vor.u32 v48, v51;
	v2 =	vadd.f32 v4, v2;
	v4 =	vmul.f32 v7, v7;
	v58 =	vld.idx.msk [tilespmem:v58+s18+$0x0], $0xffff  }
0x8a: {  	v3 =	vadd.f32 v7, v3;
	v7 =	vor.u32 v50, v60  }
0x8b: {  	v2 =	vadd.f32 v4, v2;
	v4 =	vmul.f32 v57, v57;
	v61 =	vld.idx.msk [tilespmem:v59+s18+$0x0], $0xffff;
	v59 =	vor.u32 v49, v51  }
0x8c: {  	v3 =	vadd.f32 v57, v3;
	v57 =	vor.u32 v50, v59  }
0x8d: {  	v2 =	vadd.f32 v4, v2;
	v4 =	vmul.f32 v6, v6;
	v60 =	vld.idx.msk [tilespmem:v5+s18+$0x0], $0xffff;
	v5 =	vor.u32 v52, v51  }
0x8e: {  	v3 =	vadd.f32 v6, v3;
	v5 =	vor.u32 v50, v5  }
.Ltmp2:
0x8f: {  	v6 =	vor.u32 v53, v51;
	v2 =	vadd.f32 v4, v2;
	v4 =	vmul.f32 v58, v58;
	v59 =	vld.idx.msk [tilespmem:v7+s18+$0x0], $0xffff;
	(pc) =	sbr.rel @p0 .LBB2_7-.Ltmp2, $4  }
0x90: {  	v62 =	vor.u32 v50, v6;
	v3 =	vadd.f32 v58, v3  }
0x91: {  	v6 =	vor.u32 v56, v51;
	v2 =	vadd.f32 v4, v2;
	v4 =	vmul.f32 v61, v61;
	v57 =	vld.idx.msk [tilespmem:v57+s18+$0x0], $0xffff  }
0x92: {  	v63 =	vor.u32 v50, v6;
	v61 =	vadd.f32 v61, v3  }
0x93: {  	s25 =	sadd.s32 $0x1, s25;
	v3 =	vmul.f32 v60, v60;
	v2 =	vadd.f32 v4, v2;
	v58 =	vld.idx.msk [tilespmem:v5+s18+$0x0], $0xffff;
	v4 =	vor.u32 v54, v51  }
0x94: {  	_ =	sdelay $0x1  }
0x95: {  	v4 =	vor.u32 v50, v4;
	v5 =	vor.u32 v55, v51  }
0x96: {  	v6 =	vmov s24;
	v2 =	vadd.f32 v3, v2;
	v3 =	vmul.f32 v59, v59  }
0x97: {  	v5 =	vor.u32 v50, v5;
	v50 =	vld.idx.msk [tilespmem:v62+s18+$0x0], $0xffff;
	v62 =	vand.u32 $0x8, v6;
	v51 =	vand.u32 $0x7, v6  }
0x98: {  	v6 =	vmul.f32 v57, v57;
	v2 =	vadd.f32 v3, v2;
	v3 =	vor.u32 v47, v62  }
0x99: {  	v47 =	vld.idx.msk [tilespmem:v63+s18+$0x0], $0xffff;
	v3 =	vor.u32 v51, v3  }
0x9a: {  	v63 =	vor.u32 v46, v62;
	v7 =	vmul.f32 v58, v58;
	v2 =	vadd.f32 v6, v2  }
0x9b: {  	v46 =	vld.idx.msk [tilespmem:v4+s18+$0x0], $0xffff;
	v4 =	vor.u32 v51, v63  }
0x9c: {  	v6 =	vor.u32 v44, v62;
	v63 =	vmul.f32 v50, v50;
	v2 =	vadd.f32 v7, v2  }
0x9d: {  	v44 =	vld.idx.msk [tilespmem:v5+s18+$0x0], $0xffff;
	v5 =	vor.u32 v51, v6  }
0x9e: {  	v2 =	vadd.f32 v63, v2;
	v3 =	vld.idx.msk [tilespmem:v3+s18+$0x0], $0xffff;
	v63 =	vor.u32 v42, v62;
	v42 =	vmul.f32 v47, v47  }
0x9f: {  	v6 =	vor.u32 v51, v63  }
0xa0: {  	v7 =	vor.u32 v40, v62;
	v4 =	vld.idx.msk [tilespmem:v4+s18+$0x0], $0xffff;
	v63 =	vmul.f32 v46, v46;
	v2 =	vadd.f32 v42, v2  }
0xa1: {  	v7 =	vor.u32 v51, v7  }
0xa2: {  	v5 =	vld.idx.msk [tilespmem:v5+s18+$0x0], $0xffff;
	v42 =	vmul.f32 v44, v44;
	v2 =	vadd.f32 v63, v2;
	v63 =	vor.u32 v43, v62  }
0xa3: {  	v40 =	vor.u32 v51, v63;
	v63 =	vadd.f32 $0.0e+00, v3  }
0xa4: {  	v41 =	vor.u32 v41, v62;
	v3 =	vmul.f32 v3, v3;
	v2 =	vadd.f32 v42, v2;
	v6 =	vld.idx.msk [tilespmem:v6+s18+$0x0], $0xffff  }
0xa5: {  	v41 =	vor.u32 v51, v41;
	v63 =	vadd.f32 v4, v63  }
0xa6: {  	v39 =	vor.u32 v39, v62;
	v2 =	vadd.f32 v3, v2;
	v3 =	vmul.f32 v4, v4;
	v4 =	vld.idx.msk [tilespmem:v7+s18+$0x0], $0xffff  }
0xa7: {  	v7 =	vor.u32 v51, v39;
	v43 =	vadd.f32 v5, v63  }
0xa8: {  	v37 =	vor.u32 v37, v62;
	v2 =	vadd.f32 v3, v2;
	v3 =	vmul.f32 v5, v5;
	v63 =	vld.idx.msk [tilespmem:v40+s18+$0x0], $0xffff  }
0xa9: {  	v37 =	vor.u32 v51, v37;
	v39 =	vadd.f32 v6, v43  }
0xaa: {  	v36 =	vor.u32 v36, v62;
	v2 =	vadd.f32 v3, v2;
	v3 =	vmul.f32 v6, v6;
	v6 =	vld.idx.msk [tilespmem:v41+s18+$0x0], $0xffff  }
0xab: {  	v36 =	vor.u32 v51, v36;
	v39 =	vadd.f32 v4, v39  }
0xac: {  	v42 =	vor.u32 v35, v62;
	v41 =	vld.idx.msk [tilespmem:v7+s18+$0x0], $0xffff;
	v2 =	vadd.f32 v3, v2;
	v3 =	vmul.f32 v4, v4  }
0xad: {  	v7 =	vor.u32 v51, v42;
	v43 =	vadd.f32 v63, v39  }
0xae: {  	v34 =	vor.u32 v34, v62;
	v2 =	vadd.f32 v3, v2;
	v3 =	vmul.f32 v63, v63;
	v63 =	vld.idx.msk [tilespmem:v37+s18+$0x0], $0xffff  }
0xaf: {  	v34 =	vor.u32 v51, v34;
	v35 =	vadd.f32 v6, v43  }
0xb0: {  	v33 =	vor.u32 v33, v62;
	v37 =	vld.idx.msk [tilespmem:v36+s18+$0x0], $0xffff;
	v2 =	vadd.f32 v3, v2;
	v3 =	vmul.f32 v6, v6  }
0xb1: {  	v33 =	vor.u32 v51, v33;
	v35 =	vadd.f32 v41, v35  }
0xb2: {  	v40 =	vor.u32 v31, v62;
	v39 =	vld.idx.msk [tilespmem:v7+s18+$0x0], $0xffff;
	v2 =	vadd.f32 v3, v2;
	v3 =	vmul.f32 v41, v41  }
0xb3: {  	v7 =	vor.u32 v51, v40;
	v41 =	vadd.f32 v63, v35  }
0xb4: {  	v30 =	vor.u32 v30, v62;
	v42 =	vld.idx.msk [tilespmem:v34+s18+$0x0], $0xffff;
	v2 =	vadd.f32 v3, v2;
	v3 =	vmul.f32 v63, v63  }
0xb5: {  	v30 =	vor.u32 v51, v30;
	v31 =	vadd.f32 v37, v41  }
0xb6: {  	v29 =	vor.u32 v29, v62;
	v43 =	vld.idx.msk [tilespmem:v33+s18+$0x0], $0xffff;
	v2 =	vadd.f32 v3, v2;
	v3 =	vmul.f32 v37, v37  }
0xb7: {  	v29 =	vor.u32 v51, v29;
	v31 =	vadd.f32 v39, v31  }
0xb8: {  	v33 =	vor.u32 v32, v62;
	v63 =	vld.idx.msk [tilespmem:v7+s18+$0x0], $0xffff;
	v2 =	vadd.f32 v3, v2;
	v3 =	vmul.f32 v39, v39  }
0xb9: {  	v7 =	vor.u32 v51, v33;
	v31 =	vadd.f32 v42, v31  }
0xba: {  	v34 =	vld.idx.msk [tilespmem:v30+s18+$0x0], $0xffff;
	v35 =	vor.u32 v38, v62;
	v2 =	vadd.f32 v3, v2;
	v3 =	vmul.f32 v42, v42  }
0xbb: {  	v30 =	vor.u32 v51, v35;
	v31 =	vadd.f32 v43, v31  }
0xbc: {  	v36 =	vld.idx.msk [tilespmem:v29+s18+$0x0], $0xffff;
	v37 =	vor.u32 v45, v62;
	v2 =	vadd.f32 v3, v2;
	v3 =	vmul.f32 v43, v43  }
0xbd: {  	v29 =	vor.u32 v51, v37;
	v31 =	vadd.f32 v63, v31  }
0xbe: {  	v39 =	vor.u32 v48, v62;
	v38 =	vld.idx.msk [tilespmem:v7+s18+$0x0], $0xffff;
	v2 =	vadd.f32 v3, v2;
	v3 =	vmul.f32 v63, v63  }
0xbf: {  	v7 =	vor.u32 v51, v39;
	v31 =	vadd.f32 v34, v31  }
0xc0: {  	v41 =	vor.u32 v49, v62;
	v40 =	vld.idx.msk [tilespmem:v30+s18+$0x0], $0xffff;
	v2 =	vadd.f32 v3, v2;
	v3 =	vmul.f32 v34, v34  }
0xc1: {  	v30 =	vor.u32 v51, v41;
	v31 =	vadd.f32 v36, v31  }
0xc2: {  	v42 =	vld.idx.msk [tilespmem:v29+s18+$0x0], $0xffff;
	v43 =	vor.u32 v52, v62;
	v2 =	vadd.f32 v3, v2;
	v3 =	vmul.f32 v36, v36  }
0xc3: {  	v45 =	vadd.f32 v60, v61;
	v29 =	vor.u32 v51, v43;
	v31 =	vadd.f32 v38, v31  }
0xc4: {  	v49 =	vor.u32 v53, v62;
	v48 =	vld.idx.msk [tilespmem:v7+s18+$0x0], $0xffff;
	v2 =	vadd.f32 v3, v2;
	v3 =	vmul.f32 v38, v38  }
0xc5: {  	v32 =	vadd.f32 v59, v45;
	v7 =	vor.u32 v51, v49;
	v31 =	vadd.f32 v40, v31  }
0xc6: {  	v53 =	vor.u32 v56, v62;
	v52 =	vld.idx.msk [tilespmem:v30+s18+$0x0], $0xffff;
	v2 =	vadd.f32 v3, v2;
	v3 =	vmul.f32 v40, v40  }
0xc7: {  	v32 =	vadd.f32 v57, v32;
	v30 =	vor.u32 v51, v53;
	v31 =	vadd.f32 v42, v31  }
0xc8: {  	v57 =	vor.u32 v54, v62;
	v56 =	vld.idx.msk [tilespmem:v29+s18+$0x0], $0xffff;
	v2 =	vadd.f32 v3, v2;
	v3 =	vmul.f32 v42, v42  }
0xc9: {  	v29 =	vor.u32 v51, v57;
	v31 =	vadd.f32 v48, v31  }
0xca: {  	v32 =	vadd.f32 v58, v32;
	v7 =	vld.idx.msk [tilespmem:v7+s18+$0x0], $0xffff;
	v2 =	vadd.f32 v3, v2;
	v3 =	vor.u32 v55, v62  }
0xcb: {  	v4 =	vmul.f32 v48, v48;
	v3 =	vor.u32 v51, v3;
	v31 =	vadd.f32 v52, v31  }
0xcc: {  	v32 =	vadd.f32 v50, v32;
	v59 =	vld.idx.msk [tilespmem:v30+s18+$0x0], $0xffff  }
0xcd: {  	v58 =	vmul.f32 v52, v52;
	v2 =	vadd.f32 v4, v2;
	v60 =	vadd.f32 v56, v31  }
0xce: {  	v61 =	vadd.f32 v47, v32;
	v63 =	vld.idx.msk [tilespmem:v29+s18+$0x0], $0xffff  }
0xcf: {  	v62 =	vmul.f32 v56, v56;
	v2 =	vadd.f32 v58, v2;
	v33 =	vadd.f32 v7, v60  }
0xd0: {  	v34 =	vadd.f32 v46, v61;
	v3 =	vld.idx.msk [tilespmem:v3+s18+$0x0], $0xffff  }
0xd1: {  	v35 =	vmul.f32 v7, v7;
	v2 =	vadd.f32 v62, v2;
	v36 =	vadd.f32 v59, v33  }
0xd2: {  	v37 =	vadd.f32 v44, v34  }
0xd3: {  	v38 =	vmul.f32 v59, v59;
	v2 =	vadd.f32 v35, v2;
	v39 =	vadd.f32 v63, v36  }
0xd4: {  	v40 =	vmul.f32 v37, v37  }
0xd5: {  	v6 =	vmul.f32 v63, v63;
	v2 =	vadd.f32 v38, v2;
	v5 =	vadd.f32 v3, v39  }
0xd6: {  	v4 =	vadd.f32 v40, v22  }
0xd7: {  	v3 =	vmul.f32 v3, v3;
	v2 =	vadd.f32 v6, v2;
	v5 =	vmul.f32 v5, v5;
	_ =	sdelay $0x1  }
0xd8: {  	v2 =	vadd.f32 v3, v2;
	v3 =	vadd.f32 v5, v4;
	_ =	sdelay $0x1  }
0xd9: {  	v41 =	vand.u32 $0x1FF8, v9;
	v2 =	vsub.f32 v3, v2;
	v3 =	vld [tilespmem:$0x1FFA0]  }
0xda: {  	v7 =	vor.u32 v1, v41;
	_ =	sdelay $0x4  }
0xdb: {  	v42 =	vld.idx.msk [tilespmem:v7+s19+$0x0], $0xffff;
	_ =	sdelay $0x1  }
0xdc: {  	v3 =	vld.idx.msk [tilespmem:v3+s19+$0x0], $0xffff  }
0xdd: {  	v43 =	vld [tilespmem:$0x1FFB0];
	v2 =	vmul.f32 $5.000000000e-01, v2;
	_ =	sdelay $0x1  }
0xde: {  	v44 =	vld [tilespmem:$0x1FFC0];
	v2 =	vadd.f32 v42, v2;
	_ =	sdelay $0x1  }
0xdf: {  	v2 =	vadd.f32 v3, v2;
	v3 =	vld [tilespmem:$0x1FFD0];
	_ =	sdelay $0x1  }
0xe0: {  	v45 =	vld [tilespmem:$0x1FFE0]  }
0xe1: {  	v48 =	vld [tilespmem:$0x1FFF0]  }
0xe2: {  	v5 =	vld.idx.msk [tilespmem:v43+s19+$0x0], $0xffff;
	_ =	sdelay $0x1  }
0xe3: {  	v4 =	vld.idx.msk [tilespmem:v44+s19+$0x0], $0xffff;
	_ =	sdelay $0x1  }
0xe4: {  	v3 =	vld.idx.msk [tilespmem:v3+s19+$0x0], $0xffff  }
0xe5: {  	v2 =	vadd.f32 v5, v2  }
0xe6: {  	v46 =	vand.u32 $0x1FF8, v13;
	v5 =	vld.idx.msk [tilespmem:v45+s19+$0x0], $0xffff  }
0xe7: {  	v47 =	vor.u32 v1, v46;
	v2 =	vadd.f32 v4, v2  }
0xe8: {  	v6 =	vld.idx.msk [tilespmem:v48+s19+$0x0], $0xffff  }
0xe9: {  	v2 =	vadd.f32 v3, v2  }
0xea: {  	v3 =	vld.idx.msk [tilespmem:v8+s19+$0x0], $0xffff  }
0xeb: {  	v2 =	vadd.f32 v5, v2  }
0xec: {  	v4 =	vld.idx.msk [tilespmem:v47+s19+$0x0], $0xffff  }
0xed: {  	v2 =	vadd.f32 v6, v2  }
0xee: {  	v49 =	vld.idx.msk [tilespmem:v10+s19+$0x0], $0xffff  }
0xef: {  	v2 =	vadd.f32 v3, v2  }
0xf0: {  	v3 =	vld.idx.msk [tilespmem:v11+s19+$0x0], $0xffff  }
0xf1: {  	v2 =	vadd.f32 v4, v2  }
0xf2: {  	v50 =	vld.idx.msk [tilespmem:v12+s19+$0x0], $0xffff  }
0xf3: {  	v2 =	vadd.f32 v49, v2  }
0xf4: {  	v51 =	vld.idx.msk [tilespmem:v14+s19+$0x0], $0xffff  }
0xf5: {  	v2 =	vadd.f32 v3, v2  }
0xf6: {  	v52 =	vand.u32 $0x1FF8, v18;
	v3 =	vld.idx.msk [tilespmem:v15+s19+$0x0], $0xffff  }
0xf7: {  	v53 =	vor.u32 v1, v52;
	v2 =	vadd.f32 v50, v2  }
0xf8: {  	v54 =	vld.idx.msk [tilespmem:v16+s19+$0x0], $0xffff  }
0xf9: {  	v2 =	vadd.f32 v51, v2  }
0xfa: {  	v55 =	vld.idx.msk [tilespmem:v17+s19+$0x0], $0xffff  }
0xfb: {  	v2 =	vadd.f32 v3, v2  }
0xfc: {  	v3 =	vld.idx.msk [tilespmem:v53+s19+$0x0], $0xffff  }
0xfd: {  	v2 =	vadd.f32 v54, v2  }
0xfe: {  	v56 =	vld.idx.msk [tilespmem:v19+s19+$0x0], $0xffff  }
0xff: {  	v2 =	vadd.f32 v55, v2  }
0x100: {  	v57 =	vld.idx.msk [tilespmem:v20+s19+$0x0], $0xffff  }
0x101: {  	v2 =	vadd.f32 v3, v2  }
0x102: {  	v3 =	vld.idx.msk [tilespmem:v21+s19+$0x0], $0xffff  }
0x103: {  	v2 =	vadd.f32 v56, v2  }
0x104: {  	v58 =	vld.idx.msk [tilespmem:v23+s19+$0x0], $0xffff  }
0x105: {  	v2 =	vadd.f32 v57, v2  }
0x106: {  	v60 =	vand.u32 $0x1FF8, v27;
	v59 =	vld.idx.msk [tilespmem:v24+s19+$0x0], $0xffff  }
0x107: {  	v2 =	vadd.f32 v3, v2;
	v3 =	vor.u32 v1, v60  }
0x108: {  	v61 =	vld.idx.msk [tilespmem:v25+s19+$0x0], $0xffff  }
0x109: {  	v2 =	vadd.f32 v58, v2  }
0x10a: {  	v62 =	vld.idx.msk [tilespmem:v26+s19+$0x0], $0xffff  }
0x10b: {  	v2 =	vadd.f32 v59, v2  }
0x10c: {  	v3 =	vld.idx.msk [tilespmem:v3+s19+$0x0], $0xffff  }
0x10d: {  	v2 =	vadd.f32 v61, v2  }
0x10e: {  	v63 =	vld.idx.msk [tilespmem:v28+s19+$0x0], $0xffff  }
0x10f: {  	v2 =	vadd.f32 v62, v2;
	_ =	sdelay $0x1  }
0x110: {  	v2 =	vadd.f32 v3, v2;
	_ =	sdelay $0x1  }
0x111: {  	v2 =	vadd.f32 v63, v2;
	_ =	sdelay $0x1  }
0x112: {  	v2 =	vsub.f32 $0.0e+00, v2;
	_ =	sdelay $0x1  }
0x113: {  	v2 =	vmul.f32 $1.442695020e+00, v2;
	_ =	sdelay $0x1  }
0x114: {  	(erf) = vpow2.f32 v2;
	_ =	sdelay $0x8  }
0x115: {  	v2 =	vpop (erf)  }
0x116: {  	v2 =	vadd.f32 $1.000000000e+00, v2;
	_ =	sdelay $0x1  }
0x117: {  	(erf) = vrcp.f32 v2;
	_ =	sdelay $0x3  }
0x118: {  	s31 =	sshll.u32 s23, $0x4;
	s23 =	sadd.s32 $0x1, s23  }
0x119: {  	p0 =	sne.s32 s23, $0x8  }
.Ltmp3:
0x11a: {  	_ = 	snop;
	(pc) =	sbr.rel @p0 .LBB2_6-.Ltmp3, $3  }
0x11b: {  	_ =	sdelay $0x1  }
0x11c: {  	s24 =	sand.u32 $0x3FFFFFF0, s31;
	v2 =	vpop (erf)  }
0x11d: {  	[tilespmem:s24+$0xEA00] =	vst v2  }
0x11e: {  	[bflag:$0x0] =	sbarrier.arrive $0xFFFF;
	s22 =	simm.s32 $0x0  }
0x11f: {  	[hbm4b:s6+s22] =	stream.linear.scatter [tilespmem:s20], [sflag:$0x3], $0x80, $0x38;
	[tilespmem:$0xEA80] =	vst v63  }
0x120: {  	_ =	swait.ge [sflag:s14], $0x80  }
0x121: {  	[sflag:s14] =	ssyncset.done $0x0  }
0x122: {  	[sflag:s14] =	ssyncadd.s32 $0xFFFFFF80  }
0x123: {  	[tilespmem:s22], [sflag:$0x3] =	stream.linear.gather [hbm4b:s7+s22], $0xD00, $0x38;
	[tilespmem:$0xEA80] =	vst v63  }
0x124: {  	s31 =	simm.s32 $0xD00;
	_ =	swait.ge [sflag:s14], $0xD00  }
0x125: {  	s24 =	simm.s32 $0x0;
	s25 =	simm.s32 $0xDD00;
	[sflag:s14] =	ssyncset.done $0x0  }
0x126: {  	s23 =	simm.s32 $0x1500;
	s22 =	simm.s32 $0x200;
	[sflag:s14] =	ssyncadd.s32 $0xFFFFF300  }
0x127: {  	[tilespmem:s31], [sflag:$0x1] =	stream.indirect.gather [hbm4b:s3+s15], $0x10, s24, s15, $0xb8;
	[tilespmem:$0xEA80] =	vst v63  }
.LBB2_10:
0x128: {  	[tilespmem:s25], [sflag:$0x2] =	stream.indirect.gather [hbm4b:s4+s15], $0x1, s24, s15, $0xb8;
	[tilespmem:$0xEA80] =	vst v63  }
0x129: {  	s24 =	smov.u32 s22;
	p0 =	sne.s32 s22, $0x3200  }
.Ltmp4:
0x12a: {  	s22 =	sadd.s32 $0x200, s22;
	(pc) =	sbr.rel @p0 .LBB2_10-.Ltmp4, $4  }
0x12b: {  	_ = 	snop  }
0x12c: {  	s24 =	sshra.s32 s24, $0x2  }
0x12d: {  	[tilespmem:s23], [sflag:$0x1] =	stream.indirect.gather [hbm4b:s3+s15], $0x10, s24, s15, $0xb8;
	[tilespmem:$0xEA80] =	vst v63  }
0x12e: {  	s25 =	sadd.s32 $0xDD00, s24;
	s23 =	sadd.s32 $0x800, s23  }
0x12f: {  	[tilespmem:s25], [sflag:$0x2] =	stream.indirect.gather [hbm4b:s4+s15], $0x1, s24, s15, $0xb8;
	[tilespmem:$0xEA80] =	vst v63  }
0x130: {  	_ =	swait.ge [sflag:s16], $0x800  }
0x131: {  	[sflag:s16] =	ssyncset.done $0x0  }
0x132: {  	[sflag:s16] =	ssyncadd.s32 $0xFFFFF800  }
0x133: {  	_ =	swait.ge [sflag:s17], $0x80  }
0x134: {  	s23 =	simm.s32 $0x19;
	[sflag:s17] =	ssyncset.done $0x0  }
.LBB2_12:
0x135: {  	p0 =	sne.s32 s23, $0x1;
	s23 =	sadd.s32 $0xFFFFFFFF, s23;
	[sflag:s17] =	ssyncadd.s32 $0xFFFFFF80  }
.Ltmp5:
0x136: {  	_ =	swait.ge [sflag:s16], $0x800;
	(pc) =	sbr.rel @p0 .LBB2_12-.Ltmp5, $4  }
0x137: {  	[sflag:s16] =	ssyncset.done $0x0  }
0x138: {  	[sflag:s16] =	ssyncadd.s32 $0xFFFFF800  }
0x139: {  	_ =	swait.ge [sflag:s17], $0x80  }
0x13a: {  	s22 =	simm.s32 $0x0;
	[sflag:s17] =	ssyncset.done $0x0  }
0x13b: {  	[sflag:s17] =	ssyncadd.s32 $0xFFFFFF80;
	s23 =	simm.s32 $0x0  }
.LBB2_14:
0x13c: {  	s24 =	smul.u32 $0x1A0, s23;
	_ =	sdelay $0x1  }
0x13d: {  	v9 =	vadd.s32 s24, v0;
	s25 =	sor.u32 $0x1, s24  }
0x13e: {  	v22 =	vimm.f32 $0.0e+00;
	s26 =	sor.u32 $0x2, s24;
	s30 =	sor.u32 $0x3, s24;
	v2 =	vadd.s32 s25, v0;
	v47 =	vshll.u32 v9, $0x4  }
0x13f: {  	s29 =	sor.u32 $0x7, s24;
	v3 =	vadd.s32 s26, v0;
	[tilespmem:$0x1FF40] =	vst v2;
	v46 =	vshll.u32 v2, $0x4;
	v2 =	vadd.s32 s30, v0  }
0x140: {  	s31 =	sor.u32 $0x4, s24;
	v8 =	vadd.s32 s29, v0;
	[tilespmem:$0x1FF60] =	vst v2;
	v42 =	vshll.u32 v2, $0x4;
	v2 =	vmov s22  }
0x141: {  	s26 =	sor.u32 $0x5, s24;
	[tilespmem:$0x1FF50] =	vst v3;
	v44 =	vshll.u32 v3, $0x4;
	v3 =	vadd.s32 s31, v0;
	v51 =	vand.u32 $0x8, v2  }
0x142: {  	s28 =	sor.u32 $0x6, s24;
	v4 =	vadd.s32 s26, v0;
	v50 =	vand.u32 $0x7, v2;
	v2 =	vor.u32 v47, v51  }
0x143: {  	[tilespmem:$0x1FF70] =	vst v3;
	v40 =	vshll.u32 v3, $0x4;
	v3 =	vadd.s32 s28, v0;
	v2 =	vor.u32 v50, v2  }
0x144: {  	s29 =	sor.u32 $0xC, s24;
	v39 =	vshll.u32 v8, $0x4;
	[tilespmem:$0x1FF90] =	vst v3;
	v41 =	vshll.u32 v3, $0x4;
	v3 =	vor.u32 v46, v51  }
0x145: {  	s30 =	sor.u32 $0x8, s24;
	s31 =	sor.u32 $0x9, s24;
	v14 =	vadd.s32 s29, v0;
	v43 =	vshll.u32 v4, $0x4;
	v3 =	vor.u32 v50, v3  }
0x146: {  	s26 =	sor.u32 $0xA, s24;
	[tilespmem:$0x1FF80] =	vst v4;
	v13 =	vadd.s32 s30, v0;
	v10 =	vadd.s32 s31, v0;
	v4 =	vor.u32 v44, v51  }
0x147: {  	v11 =	vadd.s32 s26, v0;
	v33 =	vshll.u32 v14, $0x4;
	v4 =	vor.u32 v50, v4  }
0x148: {  	s28 =	sor.u32 $0xB, s24;
	v37 =	vshll.u32 v13, $0x4;
	v36 =	vshll.u32 v10, $0x4;
	v16 =	vor.u32 v42, v51;
	v2 =	vld.idx.msk [tilespmem:v2+s18+$0x0], $0xffff  }
0x149: {  	s30 =	sor.u32 $0xD, s24;
	s26 =	sor.u32 $0xF, s24;
	v12 =	vadd.s32 s28, v0;
	v35 =	vshll.u32 v11, $0x4;
	v19 =	vor.u32 v50, v16  }
0x14a: {  	v15 =	vadd.s32 s30, v0;
	v17 =	vadd.s32 s26, v0;
	v18 =	vor.u32 v40, v51;
	v3 =	vld.idx.msk [tilespmem:v3+s18+$0x0], $0xffff  }
0x14b: {  	v34 =	vshll.u32 v12, $0x4;
	v31 =	vshll.u32 v15, $0x4;
	v20 =	vor.u32 v50, v18  }
0x14c: {  	v29 =	vshll.u32 v17, $0x4;
	v21 =	vor.u32 v43, v51;
	v27 =	vor.u32 v37, v51;
	v4 =	vld.idx.msk [tilespmem:v4+s18+$0x0], $0xffff  }
0x14d: {  	v28 =	vor.u32 v35, v51;
	v21 =	vor.u32 v50, v21;
	v23 =	vmul.f32 v2, v2  }
0x14e: {  	v48 =	vor.u32 v33, v51;
	v24 =	vld.idx.msk [tilespmem:v19+s18+$0x0], $0xffff;
	v19 =	vor.u32 v41, v51;
	v2 =	vadd.f32 $0.0e+00, v2  }
0x14f: {  	s31 =	sor.u32 $0xE, s24;
	v25 =	vor.u32 v50, v19;
	v19 =	vadd.f32 v23, v22;
	v23 =	vmul.f32 v3, v3  }
0x150: {  	v16 =	vadd.s32 s31, v0;
	v26 =	vld.idx.msk [tilespmem:v20+s18+$0x0], $0xffff;
	v20 =	vor.u32 v39, v51;
	v2 =	vadd.f32 v3, v2  }
0x151: {  	s28 =	sor.u32 $0x10, s24;
	v3 =	vor.u32 v50, v20;
	v20 =	vadd.f32 v23, v19;
	v23 =	vmul.f32 v4, v4  }
0x152: {  	v18 =	vadd.s32 s28, v0;
	v49 =	vor.u32 v31, v51;
	v21 =	vld.idx.msk [tilespmem:v21+s18+$0x0], $0xffff;
	v2 =	vadd.f32 v4, v2  }
0x153: {  	v4 =	vor.u32 v50, v27;
	v20 =	vadd.f32 v23, v20;
	v23 =	vmul.f32 v24, v24  }
0x154: {  	v30 =	vshll.u32 v16, $0x4;
	v25 =	vld.idx.msk [tilespmem:v25+s18+$0x0], $0xffff;
	v27 =	vor.u32 v36, v51;
	v2 =	vadd.f32 v24, v2  }
0x155: {  	v24 =	vor.u32 v50, v27;
	v27 =	vmul.f32 v26, v26;
	v23 =	vadd.f32 v23, v20  }
0x156: {  	v32 =	vshll.u32 v18, $0x4;
	v52 =	vor.u32 v30, v51;
	v3 =	vld.idx.msk [tilespmem:v3+s18+$0x0], $0xffff;
	v2 =	vadd.f32 v26, v2  }
0x157: {  	v26 =	vor.u32 v50, v28;
	v23 =	vadd.f32 v27, v23;
	v27 =	vmul.f32 v21, v21  }
0x158: {  	v61 =	vor.u32 v32, v51;
	v28 =	vor.u32 v34, v51;
	v4 =	vld.idx.msk [tilespmem:v4+s18+$0x0], $0xffff;
	v2 =	vadd.f32 v21, v2  }
0x159: {  	s29 =	sor.u32 $0x11, s24;
	v28 =	vor.u32 v50, v28;
	v23 =	vadd.f32 v27, v23;
	v27 =	vmul.f32 v25, v25  }
0x15a: {  	v56 =	vor.u32 v50, v61;
	v19 =	vadd.s32 s29, v0;
	v24 =	vld.idx.msk [tilespmem:v24+s18+$0x0], $0xffff;
	v2 =	vadd.f32 v25, v2  }
0x15b: {  	s30 =	sor.u32 $0x12, s24;
	v25 =	vor.u32 v50, v48;
	v23 =	vadd.f32 v27, v23;
	v27 =	vmul.f32 v3, v3  }
0x15c: {  	v38 =	vshll.u32 v19, $0x4;
	v20 =	vadd.s32 s30, v0;
	v26 =	vld.idx.msk [tilespmem:v26+s18+$0x0], $0xffff;
	v2 =	vadd.f32 v3, v2  }
0x15d: {  	s31 =	sor.u32 $0x13, s24;
	v3 =	vor.u32 v50, v49;
	v59 =	vmul.f32 v4, v4;
	v27 =	vadd.f32 v27, v23  }
0x15e: {  	v45 =	vshll.u32 v20, $0x4;
	v21 =	vadd.s32 s31, v0;
	v28 =	vld.idx.msk [tilespmem:v28+s18+$0x0], $0xffff;
	v2 =	vadd.f32 v4, v2  }
0x15f: {  	v4 =	vor.u32 v50, v52;
	v60 =	vmul.f32 v24, v24;
	v27 =	vadd.f32 v59, v27  }
0x160: {  	v62 =	vor.u32 v45, v51;
	v54 =	vld.idx.msk [tilespmem:v25+s18+$0x0], $0xffff;
	v25 =	vor.u32 v29, v51;
	v2 =	vadd.f32 v24, v2  }
0x161: {  	s26 =	sor.u32 $0x14, s24;
	v55 =	vor.u32 v50, v25;
	v25 =	vadd.f32 v60, v27;
	v27 =	vmul.f32 v26, v26  }
0x162: {  	s28 =	sor.u32 $0x15, s24;
	v48 =	vshll.u32 v21, $0x4;
	v23 =	vadd.s32 s26, v0;
	v3 =	vld.idx.msk [tilespmem:v3+s18+$0x0], $0xffff;
	v2 =	vadd.f32 v26, v2  }
0x163: {  	v58 =	vld.idx.msk [tilespmem:v56+s18+$0x0], $0xffff;
	v24 =	vadd.s32 s28, v0;
	v26 =	vadd.f32 v27, v25;
	v27 =	vmul.f32 v28, v28  }
0x164: {  	v49 =	vshll.u32 v23, $0x4;
	v52 =	vshll.u32 v24, $0x4;
	v4 =	vld.idx.msk [tilespmem:v4+s18+$0x0], $0xffff;
	v2 =	vadd.f32 v28, v2  }
0x165: {  	s29 =	sor.u32 $0x16, s24;
	v28 =	vor.u32 v38, v51;
	v26 =	vadd.f32 v27, v26;
	v27 =	vmul.f32 v54, v54  }
0x166: {  	v25 =	vadd.s32 s29, v0;
	v28 =	vor.u32 v50, v28;
	v55 =	vld.idx.msk [tilespmem:v55+s18+$0x0], $0xffff;
	v2 =	vadd.f32 v54, v2  }
0x167: {  	v53 =	vshll.u32 v25, $0x4;
	v57 =	vmul.f32 v3, v3;
	v27 =	vadd.f32 v27, v26  }
0x168: {  	v54 =	vor.u32 v50, v62;
	v62 =	vmul.f32 v58, v58;
	v2 =	vadd.f32 v3, v2  }
0x169: {  	s30 =	sor.u32 $0x17, s24;
	v3 =	vor.u32 v48, v51;
	v60 =	vmul.f32 v4, v4;
	v63 =	vadd.f32 v57, v27  }
0x16a: {  	v26 =	vadd.s32 s30, v0;
	v3 =	vor.u32 v50, v3;
	v2 =	vadd.f32 v4, v2  }
0x16b: {  	v4 =	vld.idx.msk [tilespmem:v28+s18+$0x0], $0xffff;
	v28 =	vor.u32 v49, v51;
	v57 =	vmul.f32 v55, v55;
	v56 =	vadd.f32 v60, v63  }
0x16c: {  	s31 =	sor.u32 $0x18, s24;
	v63 =	vor.u32 v50, v28;
	v28 =	vor.u32 v52, v51;
	v2 =	vadd.f32 v55, v2  }
0x16d: {  	v27 =	vadd.s32 s31, v0;
	v60 =	vld.idx.msk [tilespmem:v54+s18+$0x0], $0xffff;
	v5 =	vor.u32 v50, v28;
	v61 =	vadd.f32 v57, v56  }
0x16e: {  	v54 =	vshll.u32 v27, $0x4;
	v2 =	vadd.f32 v58, v2;
	v58 =	vor.u32 v53, v51  }
0x16f: {  	s24 =	sor.u32 $0x19, s24;
	v56 =	vshll.u32 v26, $0x4;
	v59 =	vld.idx.msk [tilespmem:v3+s18+$0x0], $0xffff;
	v6 =	vadd.f32 v62, v61;
	v62 =	vor.u32 v50, v58  }
0x170: {  	v28 =	vadd.s32 s24, v0;
	v3 =	vmul.f32 v4, v4;
	v7 =	vor.u32 v56, v51  }
0x171: {  	v55 =	vshll.u32 v28, $0x4;
	v61 =	vadd.f32 v4, v2;
	v57 =	vld.idx.msk [tilespmem:v63+s18+$0x0], $0xffff;
	v63 =	vor.u32 v50, v7  }
0x172: {  	s25 =	simm.s32 $0x2;
	s24 =	simm.s32 $0x1;
	v4 =	vor.u32 v54, v51;
	v2 =	vadd.f32 v3, v6;
	v3 =	vmul.f32 v60, v60;
	v58 =	vld.idx.msk [tilespmem:v5+s18+$0x0], $0xffff  }
.LBB2_15:
0x173: {  	p0 =	sne.s32 s25, $0xF;
	v5 =	vmov s24;
	v6 =	vadd.f32 v60, v61;
	v4 =	vor.u32 v50, v4;
	s24 =	smov.u32 s25  }
0x174: {  	v60 =	vor.u32 v55, v51;
	v2 =	vadd.f32 v3, v2;
	v3 =	vmul.f32 v59, v59;
	v7 =	vld.idx.msk [tilespmem:v62+s18+$0x0], $0xffff  }
0x175: {  	v51 =	vand.u32 $0x8, v5;
	v60 =	vor.u32 v50, v60;
	v50 =	vand.u32 $0x7, v5  }
0x176: {  	v5 =	vor.u32 v47, v51;
	v2 =	vadd.f32 v3, v2;
	v3 =	vmul.f32 v57, v57;
	v61 =	vld.idx.msk [tilespmem:v63+s18+$0x0], $0xffff  }
0x177: {  	v6 =	vadd.f32 v59, v6;
	v5 =	vor.u32 v50, v5  }
0x178: {  	v59 =	vor.u32 v46, v51;
	v2 =	vadd.f32 v3, v2;
	v3 =	vmul.f32 v58, v58;
	v4 =	vld.idx.msk [tilespmem:v4+s18+$0x0], $0xffff  }
0x179: {  	v59 =	vor.u32 v50, v59;
	v6 =	vadd.f32 v57, v6  }
0x17a: {  	v57 =	vor.u32 v44, v51;
	v2 =	vadd.f32 v3, v2;
	v3 =	vmul.f32 v7, v7;
	v60 =	vld.idx.msk [tilespmem:v60+s18+$0x0], $0xffff  }
0x17b: {  	v57 =	vor.u32 v50, v57;
	v6 =	vadd.f32 v58, v6  }
0x17c: {  	v58 =	vor.u32 v42, v51;
	v5 =	vld.idx.msk [tilespmem:v5+s18+$0x0], $0xffff;
	v2 =	vadd.f32 v3, v2;
	v3 =	vmul.f32 v61, v61  }
0x17d: {  	v58 =	vor.u32 v50, v58;
	v6 =	vadd.f32 v7, v6  }
0x17e: {  	v7 =	vld.idx.msk [tilespmem:v59+s18+$0x0], $0xffff;
	v59 =	vor.u32 v40, v51;
	v2 =	vadd.f32 v3, v2;
	v3 =	vmul.f32 v4, v4  }
0x17f: {  	v6 =	vadd.f32 v61, v6;
	v59 =	vor.u32 v50, v59  }
0x180: {  	v61 =	vor.u32 v43, v51;
	v57 =	vld.idx.msk [tilespmem:v57+s18+$0x0], $0xffff;
	v2 =	vadd.f32 v3, v2;
	v3 =	vmul.f32 v60, v60  }
0x181: {  	v61 =	vor.u32 v50, v61;
	v4 =	vadd.f32 v4, v6  }
0x182: {  	v62 =	vor.u32 v41, v51;
	v6 =	vmul.f32 v5, v5;
	v58 =	vld.idx.msk [tilespmem:v58+s18+$0x0], $0xffff;
	v2 =	vadd.f32 v3, v2  }
0x183: {  	v4 =	vadd.f32 v60, v4;
	v3 =	vadd.f32 $0.0e+00, v5;
	v5 =	vor.u32 v50, v62  }
0x184: {  	v60 =	vor.u32 v39, v51;
	v2 =	vadd.f32 v6, v2;
	v6 =	vmul.f32 v7, v7;
	v59 =	vld.idx.msk [tilespmem:v59+s18+$0x0], $0xffff  }
0x185: {  	v4 =	vmul.f32 v4, v4;
	v3 =	vadd.f32 v7, v3;
	v7 =	vor.u32 v50, v60  }
0x186: {  	v2 =	vadd.f32 v6, v2;
	v6 =	vmul.f32 v57, v57;
	v60 =	vld.idx.msk [tilespmem:v61+s18+$0x0], $0xffff;
	v61 =	vor.u32 v37, v51  }
0x187: {  	v22 =	vadd.f32 v4, v22;
	v3 =	vadd.f32 v57, v3;
	v57 =	vor.u32 v50, v61  }
0x188: {  	v4 =	vmul.f32 v58, v58;
	v2 =	vadd.f32 v6, v2;
	v5 =	vld.idx.msk [tilespmem:v5+s18+$0x0], $0xffff;
	v6 =	vor.u32 v36, v51  }
0x189: {  	v3 =	vadd.f32 v58, v3;
	v6 =	vor.u32 v50, v6  }
0x18a: {  	v58 =	vor.u32 v35, v51;
	v2 =	vadd.f32 v4, v2;
	v4 =	vmul.f32 v59, v59;
	v7 =	vld.idx.msk [tilespmem:v7+s18+$0x0], $0xffff  }
0x18b: {  	v58 =	vor.u32 v50, v58;
	v3 =	vadd.f32 v59, v3  }
0x18c: {  	v59 =	vor.u32 v34, v51;
	v2 =	vadd.f32 v4, v2;
	v4 =	vmul.f32 v60, v60;
	v57 =	vld.idx.msk [tilespmem:v57+s18+$0x0], $0xffff  }
0x18d: {  	v59 =	vor.u32 v50, v59;
	v3 =	vadd.f32 v60, v3  }
0x18e: {  	v60 =	vor.u32 v33, v51;
	v2 =	vadd.f32 v4, v2;
	v4 =	vmul.f32 v5, v5;
	v6 =	vld.idx.msk [tilespmem:v6+s18+$0x0], $0xffff  }
0x18f: {  	v3 =	vadd.f32 v5, v3;
	v5 =	vor.u32 v50, v60  }
0x190: {  	v60 =	vor.u32 v31, v51;
	v2 =	vadd.f32 v4, v2;
	v4 =	vmul.f32 v7, v7;
	v58 =	vld.idx.msk [tilespmem:v58+s18+$0x0], $0xffff  }
0x191: {  	v3 =	vadd.f32 v7, v3;
	v7 =	vor.u32 v50, v60  }
0x192: {  	v60 =	vor.u32 v30, v51;
	v2 =	vadd.f32 v4, v2;
	v4 =	vmul.f32 v57, v57;
	v59 =	vld.idx.msk [tilespmem:v59+s18+$0x0], $0xffff  }
0x193: {  	v3 =	vadd.f32 v57, v3;
	v57 =	vor.u32 v50, v60  }
0x194: {  	v60 =	vor.u32 v29, v51;
	v2 =	vadd.f32 v4, v2;
	v4 =	vmul.f32 v6, v6;
	v5 =	vld.idx.msk [tilespmem:v5+s18+$0x0], $0xffff  }
0x195: {  	v3 =	vadd.f32 v6, v3;
	v6 =	vor.u32 v50, v60  }
0x196: {  	v60 =	vor.u32 v32, v51;
	v2 =	vadd.f32 v4, v2;
	v4 =	vmul.f32 v58, v58;
	v7 =	vld.idx.msk [tilespmem:v7+s18+$0x0], $0xffff  }
0x197: {  	v3 =	vadd.f32 v58, v3;
	v58 =	vor.u32 v50, v60  }
0x198: {  	v60 =	vor.u32 v38, v51;
	v2 =	vadd.f32 v4, v2;
	v4 =	vmul.f32 v59, v59;
	v57 =	vld.idx.msk [tilespmem:v57+s18+$0x0], $0xffff  }
0x199: {  	v3 =	vadd.f32 v59, v3;
	v59 =	vor.u32 v50, v60  }
0x19a: {  	v60 =	vor.u32 v45, v51;
	v2 =	vadd.f32 v4, v2;
	v4 =	vmul.f32 v5, v5;
	v6 =	vld.idx.msk [tilespmem:v6+s18+$0x0], $0xffff  }
0x19b: {  	v3 =	vadd.f32 v5, v3;
	v5 =	vor.u32 v50, v60  }
0x19c: {  	v60 =	vor.u32 v48, v51;
	v2 =	vadd.f32 v4, v2;
	v4 =	vmul.f32 v7, v7;
	v58 =	vld.idx.msk [tilespmem:v58+s18+$0x0], $0xffff  }
0x19d: {  	v3 =	vadd.f32 v7, v3;
	v7 =	vor.u32 v50, v60  }
0x19e: {  	v2 =	vadd.f32 v4, v2;
	v4 =	vmul.f32 v57, v57;
	v61 =	vld.idx.msk [tilespmem:v59+s18+$0x0], $0xffff;
	v59 =	vor.u32 v49, v51  }
0x19f: {  	v3 =	vadd.f32 v57, v3;
	v57 =	vor.u32 v50, v59  }
0x1a0: {  	v2 =	vadd.f32 v4, v2;
	v4 =	vmul.f32 v6, v6;
	v60 =	vld.idx.msk [tilespmem:v5+s18+$0x0], $0xffff;
	v5 =	vor.u32 v52, v51  }
0x1a1: {  	v3 =	vadd.f32 v6, v3;
	v5 =	vor.u32 v50, v5  }
.Ltmp6:
0x1a2: {  	v6 =	vor.u32 v53, v51;
	v2 =	vadd.f32 v4, v2;
	v4 =	vmul.f32 v58, v58;
	v59 =	vld.idx.msk [tilespmem:v7+s18+$0x0], $0xffff;
	(pc) =	sbr.rel @p0 .LBB2_15-.Ltmp6, $4  }
0x1a3: {  	v62 =	vor.u32 v50, v6;
	v3 =	vadd.f32 v58, v3  }
0x1a4: {  	v6 =	vor.u32 v56, v51;
	v2 =	vadd.f32 v4, v2;
	v4 =	vmul.f32 v61, v61;
	v57 =	vld.idx.msk [tilespmem:v57+s18+$0x0], $0xffff  }
0x1a5: {  	v63 =	vor.u32 v50, v6;
	v61 =	vadd.f32 v61, v3  }
0x1a6: {  	s25 =	sadd.s32 $0x1, s25;
	v3 =	vmul.f32 v60, v60;
	v2 =	vadd.f32 v4, v2;
	v58 =	vld.idx.msk [tilespmem:v5+s18+$0x0], $0xffff;
	v4 =	vor.u32 v54, v51  }
0x1a7: {  	_ =	sdelay $0x1  }
0x1a8: {  	v4 =	vor.u32 v50, v4;
	v5 =	vor.u32 v55, v51  }
0x1a9: {  	v6 =	vmov s24;
	v2 =	vadd.f32 v3, v2;
	v3 =	vmul.f32 v59, v59  }
0x1aa: {  	v5 =	vor.u32 v50, v5;
	v50 =	vld.idx.msk [tilespmem:v62+s18+$0x0], $0xffff;
	v62 =	vand.u32 $0x8, v6;
	v51 =	vand.u32 $0x7, v6  }
0x1ab: {  	v6 =	vmul.f32 v57, v57;
	v2 =	vadd.f32 v3, v2;
	v3 =	vor.u32 v47, v62  }
0x1ac: {  	v47 =	vld.idx.msk [tilespmem:v63+s18+$0x0], $0xffff;
	v3 =	vor.u32 v51, v3  }
0x1ad: {  	v63 =	vor.u32 v46, v62;
	v7 =	vmul.f32 v58, v58;
	v2 =	vadd.f32 v6, v2  }
0x1ae: {  	v46 =	vld.idx.msk [tilespmem:v4+s18+$0x0], $0xffff;
	v4 =	vor.u32 v51, v63  }
0x1af: {  	v6 =	vor.u32 v44, v62;
	v63 =	vmul.f32 v50, v50;
	v2 =	vadd.f32 v7, v2  }
0x1b0: {  	v44 =	vld.idx.msk [tilespmem:v5+s18+$0x0], $0xffff;
	v5 =	vor.u32 v51, v6  }
0x1b1: {  	v2 =	vadd.f32 v63, v2;
	v3 =	vld.idx.msk [tilespmem:v3+s18+$0x0], $0xffff;
	v63 =	vor.u32 v42, v62;
	v42 =	vmul.f32 v47, v47  }
0x1b2: {  	v6 =	vor.u32 v51, v63  }
0x1b3: {  	v7 =	vor.u32 v40, v62;
	v4 =	vld.idx.msk [tilespmem:v4+s18+$0x0], $0xffff;
	v63 =	vmul.f32 v46, v46;
	v2 =	vadd.f32 v42, v2  }
0x1b4: {  	v7 =	vor.u32 v51, v7  }
0x1b5: {  	v5 =	vld.idx.msk [tilespmem:v5+s18+$0x0], $0xffff;
	v42 =	vmul.f32 v44, v44;
	v2 =	vadd.f32 v63, v2;
	v63 =	vor.u32 v43, v62  }
0x1b6: {  	v40 =	vor.u32 v51, v63;
	v63 =	vadd.f32 $0.0e+00, v3  }
0x1b7: {  	v41 =	vor.u32 v41, v62;
	v3 =	vmul.f32 v3, v3;
	v2 =	vadd.f32 v42, v2;
	v6 =	vld.idx.msk [tilespmem:v6+s18+$0x0], $0xffff  }
0x1b8: {  	v41 =	vor.u32 v51, v41;
	v63 =	vadd.f32 v4, v63  }
0x1b9: {  	v39 =	vor.u32 v39, v62;
	v2 =	vadd.f32 v3, v2;
	v3 =	vmul.f32 v4, v4;
	v4 =	vld.idx.msk [tilespmem:v7+s18+$0x0], $0xffff  }
0x1ba: {  	v7 =	vor.u32 v51, v39;
	v43 =	vadd.f32 v5, v63  }
0x1bb: {  	v37 =	vor.u32 v37, v62;
	v2 =	vadd.f32 v3, v2;
	v3 =	vmul.f32 v5, v5;
	v63 =	vld.idx.msk [tilespmem:v40+s18+$0x0], $0xffff  }
0x1bc: {  	v37 =	vor.u32 v51, v37;
	v39 =	vadd.f32 v6, v43  }
0x1bd: {  	v36 =	vor.u32 v36, v62;
	v2 =	vadd.f32 v3, v2;
	v3 =	vmul.f32 v6, v6;
	v6 =	vld.idx.msk [tilespmem:v41+s18+$0x0], $0xffff  }
0x1be: {  	v36 =	vor.u32 v51, v36;
	v39 =	vadd.f32 v4, v39  }
0x1bf: {  	v42 =	vor.u32 v35, v62;
	v41 =	vld.idx.msk [tilespmem:v7+s18+$0x0], $0xffff;
	v2 =	vadd.f32 v3, v2;
	v3 =	vmul.f32 v4, v4  }
0x1c0: {  	v7 =	vor.u32 v51, v42;
	v43 =	vadd.f32 v63, v39  }
0x1c1: {  	v34 =	vor.u32 v34, v62;
	v2 =	vadd.f32 v3, v2;
	v3 =	vmul.f32 v63, v63;
	v63 =	vld.idx.msk [tilespmem:v37+s18+$0x0], $0xffff  }
0x1c2: {  	v34 =	vor.u32 v51, v34;
	v35 =	vadd.f32 v6, v43  }
0x1c3: {  	v33 =	vor.u32 v33, v62;
	v37 =	vld.idx.msk [tilespmem:v36+s18+$0x0], $0xffff;
	v2 =	vadd.f32 v3, v2;
	v3 =	vmul.f32 v6, v6  }
0x1c4: {  	v33 =	vor.u32 v51, v33;
	v35 =	vadd.f32 v41, v35  }
0x1c5: {  	v40 =	vor.u32 v31, v62;
	v39 =	vld.idx.msk [tilespmem:v7+s18+$0x0], $0xffff;
	v2 =	vadd.f32 v3, v2;
	v3 =	vmul.f32 v41, v41  }
0x1c6: {  	v7 =	vor.u32 v51, v40;
	v41 =	vadd.f32 v63, v35  }
0x1c7: {  	v30 =	vor.u32 v30, v62;
	v42 =	vld.idx.msk [tilespmem:v34+s18+$0x0], $0xffff;
	v2 =	vadd.f32 v3, v2;
	v3 =	vmul.f32 v63, v63  }
0x1c8: {  	v30 =	vor.u32 v51, v30;
	v31 =	vadd.f32 v37, v41  }
0x1c9: {  	v29 =	vor.u32 v29, v62;
	v43 =	vld.idx.msk [tilespmem:v33+s18+$0x0], $0xffff;
	v2 =	vadd.f32 v3, v2;
	v3 =	vmul.f32 v37, v37  }
0x1ca: {  	v29 =	vor.u32 v51, v29;
	v31 =	vadd.f32 v39, v31  }
0x1cb: {  	v33 =	vor.u32 v32, v62;
	v63 =	vld.idx.msk [tilespmem:v7+s18+$0x0], $0xffff;
	v2 =	vadd.f32 v3, v2;
	v3 =	vmul.f32 v39, v39  }
0x1cc: {  	v7 =	vor.u32 v51, v33;
	v31 =	vadd.f32 v42, v31  }
0x1cd: {  	v34 =	vld.idx.msk [tilespmem:v30+s18+$0x0], $0xffff;
	v35 =	vor.u32 v38, v62;
	v2 =	vadd.f32 v3, v2;
	v3 =	vmul.f32 v42, v42  }
0x1ce: {  	v30 =	vor.u32 v51, v35;
	v31 =	vadd.f32 v43, v31  }
0x1cf: {  	v36 =	vld.idx.msk [tilespmem:v29+s18+$0x0], $0xffff;
	v37 =	vor.u32 v45, v62;
	v2 =	vadd.f32 v3, v2;
	v3 =	vmul.f32 v43, v43  }
0x1d0: {  	v29 =	vor.u32 v51, v37;
	v31 =	vadd.f32 v63, v31  }
0x1d1: {  	v39 =	vor.u32 v48, v62;
	v38 =	vld.idx.msk [tilespmem:v7+s18+$0x0], $0xffff;
	v2 =	vadd.f32 v3, v2;
	v3 =	vmul.f32 v63, v63  }
0x1d2: {  	v7 =	vor.u32 v51, v39;
	v31 =	vadd.f32 v34, v31  }
0x1d3: {  	v41 =	vor.u32 v49, v62;
	v40 =	vld.idx.msk [tilespmem:v30+s18+$0x0], $0xffff;
	v2 =	vadd.f32 v3, v2;
	v3 =	vmul.f32 v34, v34  }
0x1d4: {  	v30 =	vor.u32 v51, v41;
	v31 =	vadd.f32 v36, v31  }
0x1d5: {  	v42 =	vld.idx.msk [tilespmem:v29+s18+$0x0], $0xffff;
	v43 =	vor.u32 v52, v62;
	v2 =	vadd.f32 v3, v2;
	v3 =	vmul.f32 v36, v36  }
0x1d6: {  	v45 =	vadd.f32 v60, v61;
	v29 =	vor.u32 v51, v43;
	v31 =	vadd.f32 v38, v31  }
0x1d7: {  	v49 =	vor.u32 v53, v62;
	v48 =	vld.idx.msk [tilespmem:v7+s18+$0x0], $0xffff;
	v2 =	vadd.f32 v3, v2;
	v3 =	vmul.f32 v38, v38  }
0x1d8: {  	v32 =	vadd.f32 v59, v45;
	v7 =	vor.u32 v51, v49;
	v31 =	vadd.f32 v40, v31  }
0x1d9: {  	v53 =	vor.u32 v56, v62;
	v52 =	vld.idx.msk [tilespmem:v30+s18+$0x0], $0xffff;
	v2 =	vadd.f32 v3, v2;
	v3 =	vmul.f32 v40, v40  }
0x1da: {  	v32 =	vadd.f32 v57, v32;
	v30 =	vor.u32 v51, v53;
	v31 =	vadd.f32 v42, v31  }
0x1db: {  	v57 =	vor.u32 v54, v62;
	v56 =	vld.idx.msk [tilespmem:v29+s18+$0x0], $0xffff;
	v2 =	vadd.f32 v3, v2;
	v3 =	vmul.f32 v42, v42  }
0x1dc: {  	v29 =	vor.u32 v51, v57;
	v31 =	vadd.f32 v48, v31  }
0x1dd: {  	v32 =	vadd.f32 v58, v32;
	v7 =	vld.idx.msk [tilespmem:v7+s18+$0x0], $0xffff;
	v2 =	vadd.f32 v3, v2;
	v3 =	vor.u32 v55, v62  }
0x1de: {  	v4 =	vmul.f32 v48, v48;
	v3 =	vor.u32 v51, v3;
	v31 =	vadd.f32 v52, v31  }
0x1df: {  	v32 =	vadd.f32 v50, v32;
	v59 =	vld.idx.msk [tilespmem:v30+s18+$0x0], $0xffff  }
0x1e0: {  	v58 =	vmul.f32 v52, v52;
	v2 =	vadd.f32 v4, v2;
	v60 =	vadd.f32 v56, v31  }
0x1e1: {  	v61 =	vadd.f32 v47, v32;
	v63 =	vld.idx.msk [tilespmem:v29+s18+$0x0], $0xffff  }
0x1e2: {  	v62 =	vmul.f32 v56, v56;
	v2 =	vadd.f32 v58, v2;
	v33 =	vadd.f32 v7, v60  }
0x1e3: {  	v34 =	vadd.f32 v46, v61;
	v3 =	vld.idx.msk [tilespmem:v3+s18+$0x0], $0xffff  }
0x1e4: {  	v35 =	vmul.f32 v7, v7;
	v2 =	vadd.f32 v62, v2;
	v36 =	vadd.f32 v59, v33  }
0x1e5: {  	v37 =	vadd.f32 v44, v34  }
0x1e6: {  	v38 =	vmul.f32 v59, v59;
	v2 =	vadd.f32 v35, v2;
	v39 =	vadd.f32 v63, v36  }
0x1e7: {  	v40 =	vmul.f32 v37, v37  }
0x1e8: {  	v6 =	vmul.f32 v63, v63;
	v2 =	vadd.f32 v38, v2;
	v5 =	vadd.f32 v3, v39  }
0x1e9: {  	v4 =	vadd.f32 v40, v22  }
0x1ea: {  	v3 =	vmul.f32 v3, v3;
	v2 =	vadd.f32 v6, v2;
	v5 =	vmul.f32 v5, v5;
	_ =	sdelay $0x1  }
0x1eb: {  	v2 =	vadd.f32 v3, v2;
	v3 =	vadd.f32 v5, v4;
	_ =	sdelay $0x1  }
0x1ec: {  	v41 =	vand.u32 $0x1FF8, v9;
	v2 =	vsub.f32 v3, v2;
	v3 =	vld [tilespmem:$0x1FF40]  }
0x1ed: {  	v7 =	vor.u32 v1, v41;
	_ =	sdelay $0x4  }
0x1ee: {  	v42 =	vld.idx.msk [tilespmem:v7+s19+$0x0], $0xffff;
	_ =	sdelay $0x1  }
0x1ef: {  	v3 =	vld.idx.msk [tilespmem:v3+s19+$0x0], $0xffff  }
0x1f0: {  	v43 =	vld [tilespmem:$0x1FF50];
	v2 =	vmul.f32 $5.000000000e-01, v2;
	_ =	sdelay $0x1  }
0x1f1: {  	v44 =	vld [tilespmem:$0x1FF60];
	v2 =	vadd.f32 v42, v2;
	_ =	sdelay $0x1  }
0x1f2: {  	v2 =	vadd.f32 v3, v2;
	v3 =	vld [tilespmem:$0x1FF70];
	_ =	sdelay $0x1  }
0x1f3: {  	v45 =	vld [tilespmem:$0x1FF80]  }
0x1f4: {  	v48 =	vld [tilespmem:$0x1FF90]  }
0x1f5: {  	v5 =	vld.idx.msk [tilespmem:v43+s19+$0x0], $0xffff;
	_ =	sdelay $0x1  }
0x1f6: {  	v4 =	vld.idx.msk [tilespmem:v44+s19+$0x0], $0xffff;
	_ =	sdelay $0x1  }
0x1f7: {  	v3 =	vld.idx.msk [tilespmem:v3+s19+$0x0], $0xffff  }
0x1f8: {  	v2 =	vadd.f32 v5, v2  }
0x1f9: {  	v46 =	vand.u32 $0x1FF8, v13;
	v5 =	vld.idx.msk [tilespmem:v45+s19+$0x0], $0xffff  }
0x1fa: {  	v47 =	vor.u32 v1, v46;
	v2 =	vadd.f32 v4, v2  }
0x1fb: {  	v6 =	vld.idx.msk [tilespmem:v48+s19+$0x0], $0xffff  }
0x1fc: {  	v2 =	vadd.f32 v3, v2  }
0x1fd: {  	v3 =	vld.idx.msk [tilespmem:v8+s19+$0x0], $0xffff  }
0x1fe: {  	v2 =	vadd.f32 v5, v2  }
0x1ff: {  	v4 =	vld.idx.msk [tilespmem:v47+s19+$0x0], $0xffff  }
0x200: {  	v2 =	vadd.f32 v6, v2  }
0x201: {  	v49 =	vld.idx.msk [tilespmem:v10+s19+$0x0], $0xffff  }
0x202: {  	v2 =	vadd.f32 v3, v2  }
0x203: {  	v3 =	vld.idx.msk [tilespmem:v11+s19+$0x0], $0xffff  }
0x204: {  	v2 =	vadd.f32 v4, v2  }
0x205: {  	v50 =	vld.idx.msk [tilespmem:v12+s19+$0x0], $0xffff  }
0x206: {  	v2 =	vadd.f32 v49, v2  }
0x207: {  	v51 =	vld.idx.msk [tilespmem:v14+s19+$0x0], $0xffff  }
0x208: {  	v2 =	vadd.f32 v3, v2  }
0x209: {  	v52 =	vand.u32 $0x1FF8, v18;
	v3 =	vld.idx.msk [tilespmem:v15+s19+$0x0], $0xffff  }
0x20a: {  	v53 =	vor.u32 v1, v52;
	v2 =	vadd.f32 v50, v2  }
0x20b: {  	v54 =	vld.idx.msk [tilespmem:v16+s19+$0x0], $0xffff  }
0x20c: {  	v2 =	vadd.f32 v51, v2  }
0x20d: {  	v55 =	vld.idx.msk [tilespmem:v17+s19+$0x0], $0xffff  }
0x20e: {  	v2 =	vadd.f32 v3, v2  }
0x20f: {  	v3 =	vld.idx.msk [tilespmem:v53+s19+$0x0], $0xffff  }
0x210: {  	v2 =	vadd.f32 v54, v2  }
0x211: {  	v56 =	vld.idx.msk [tilespmem:v19+s19+$0x0], $0xffff  }
0x212: {  	v2 =	vadd.f32 v55, v2  }
0x213: {  	v57 =	vld.idx.msk [tilespmem:v20+s19+$0x0], $0xffff  }
0x214: {  	v2 =	vadd.f32 v3, v2  }
0x215: {  	v3 =	vld.idx.msk [tilespmem:v21+s19+$0x0], $0xffff  }
0x216: {  	v2 =	vadd.f32 v56, v2  }
0x217: {  	v58 =	vld.idx.msk [tilespmem:v23+s19+$0x0], $0xffff  }
0x218: {  	v2 =	vadd.f32 v57, v2  }
0x219: {  	v60 =	vand.u32 $0x1FF8, v27;
	v59 =	vld.idx.msk [tilespmem:v24+s19+$0x0], $0xffff  }
0x21a: {  	v2 =	vadd.f32 v3, v2;
	v3 =	vor.u32 v1, v60  }
0x21b: {  	v61 =	vld.idx.msk [tilespmem:v25+s19+$0x0], $0xffff  }
0x21c: {  	v2 =	vadd.f32 v58, v2  }
0x21d: {  	v62 =	vld.idx.msk [tilespmem:v26+s19+$0x0], $0xffff  }
0x21e: {  	v2 =	vadd.f32 v59, v2  }
0x21f: {  	v3 =	vld.idx.msk [tilespmem:v3+s19+$0x0], $0xffff  }
0x220: {  	v2 =	vadd.f32 v61, v2  }
0x221: {  	v63 =	vld.idx.msk [tilespmem:v28+s19+$0x0], $0xffff  }
0x222: {  	v2 =	vadd.f32 v62, v2;
	_ =	sdelay $0x1  }
0x223: {  	v2 =	vadd.f32 v3, v2;
	_ =	sdelay $0x1  }
0x224: {  	v2 =	vadd.f32 v63, v2;
	_ =	sdelay $0x1  }
0x225: {  	v2 =	vsub.f32 $0.0e+00, v2;
	_ =	sdelay $0x1  }
0x226: {  	v2 =	vmul.f32 $1.442695020e+00, v2;
	_ =	sdelay $0x1  }
0x227: {  	(erf) = vpow2.f32 v2;
	_ =	sdelay $0x8  }
0x228: {  	v2 =	vpop (erf)  }
0x229: {  	v2 =	vadd.f32 $1.000000000e+00, v2;
	_ =	sdelay $0x1  }
0x22a: {  	(erf) = vrcp.f32 v2;
	_ =	sdelay $0x3  }
0x22b: {  	s31 =	sshll.u32 s23, $0x4;
	s23 =	sadd.s32 $0x1, s23  }
0x22c: {  	p0 =	sne.s32 s23, $0x8  }
.Ltmp7:
0x22d: {  	_ = 	snop;
	(pc) =	sbr.rel @p0 .LBB2_14-.Ltmp7, $3  }
0x22e: {  	_ =	sdelay $0x1  }
0x22f: {  	s24 =	sand.u32 $0x3FFFFFF0, s31;
	v2 =	vpop (erf)  }
0x230: {  	[tilespmem:s24+$0xEA00] =	vst v2  }
0x231: {  	[bflag:$0x0] =	sbarrier.arrive $0xFFFF;
	s22 =	simm.s32 $0x0  }
0x232: {  	[hbm4b:s8+s22] =	stream.linear.scatter [tilespmem:s20], [sflag:$0x3], $0x80, $0x38;
	[tilespmem:$0xEA80] =	vst v63  }
0x233: {  	_ =	swait.ge [sflag:s14], $0x80  }
0x234: {  	[sflag:s14] =	ssyncset.done $0x0  }
0x235: {  	[sflag:s14] =	ssyncadd.s32 $0xFFFFFF80  }
0x236: {  	[tilespmem:s22], [sflag:$0x3] =	stream.linear.gather [hbm4b:s9+s22], $0xD00, $0x38;
	[tilespmem:$0xEA80] =	vst v63  }
0x237: {  	s31 =	simm.s32 $0xD00;
	_ =	swait.ge [sflag:s14], $0xD00  }
0x238: {  	s24 =	simm.s32 $0x0;
	s25 =	simm.s32 $0xDD00;
	[sflag:s14] =	ssyncset.done $0x0  }
0x239: {  	s23 =	simm.s32 $0x1500;
	s22 =	simm.s32 $0x200;
	[sflag:s14] =	ssyncadd.s32 $0xFFFFF300  }
0x23a: {  	[tilespmem:s31], [sflag:$0x1] =	stream.indirect.gather [hbm4b:s3+s15], $0x10, s24, s15, $0xb8;
	[tilespmem:$0xEA80] =	vst v63  }
.LBB2_18:
0x23b: {  	[tilespmem:s25], [sflag:$0x2] =	stream.indirect.gather [hbm4b:s4+s15], $0x1, s24, s15, $0xb8;
	[tilespmem:$0xEA80] =	vst v63  }
0x23c: {  	s24 =	smov.u32 s22;
	p0 =	sne.s32 s22, $0x3200  }
.Ltmp8:
0x23d: {  	s22 =	sadd.s32 $0x200, s22;
	(pc) =	sbr.rel @p0 .LBB2_18-.Ltmp8, $4  }
0x23e: {  	_ = 	snop  }
0x23f: {  	s24 =	sshra.s32 s24, $0x2  }
0x240: {  	[tilespmem:s23], [sflag:$0x1] =	stream.indirect.gather [hbm4b:s3+s15], $0x10, s24, s15, $0xb8;
	[tilespmem:$0xEA80] =	vst v63  }
0x241: {  	s25 =	sadd.s32 $0xDD00, s24;
	s23 =	sadd.s32 $0x800, s23  }
0x242: {  	[tilespmem:s25], [sflag:$0x2] =	stream.indirect.gather [hbm4b:s4+s15], $0x1, s24, s15, $0xb8;
	[tilespmem:$0xEA80] =	vst v63  }
0x243: {  	_ =	swait.ge [sflag:s16], $0x800  }
0x244: {  	[sflag:s16] =	ssyncset.done $0x0  }
0x245: {  	[sflag:s16] =	ssyncadd.s32 $0xFFFFF800  }
0x246: {  	_ =	swait.ge [sflag:s17], $0x80  }
0x247: {  	s23 =	simm.s32 $0x19;
	[sflag:s17] =	ssyncset.done $0x0  }
.LBB2_20:
0x248: {  	p0 =	sne.s32 s23, $0x1;
	s23 =	sadd.s32 $0xFFFFFFFF, s23;
	[sflag:s17] =	ssyncadd.s32 $0xFFFFFF80  }
.Ltmp9:
0x249: {  	_ =	swait.ge [sflag:s16], $0x800;
	(pc) =	sbr.rel @p0 .LBB2_20-.Ltmp9, $4  }
0x24a: {  	[sflag:s16] =	ssyncset.done $0x0  }
0x24b: {  	[sflag:s16] =	ssyncadd.s32 $0xFFFFF800  }
0x24c: {  	_ =	swait.ge [sflag:s17], $0x80  }
0x24d: {  	s22 =	simm.s32 $0x0;
	[sflag:s17] =	ssyncset.done $0x0  }
0x24e: {  	[sflag:s17] =	ssyncadd.s32 $0xFFFFFF80;
	s23 =	simm.s32 $0x0  }
.LBB2_22:
0x24f: {  	s24 =	smul.u32 $0x1A0, s23;
	_ =	sdelay $0x1  }
0x250: {  	v9 =	vadd.s32 s24, v0;
	s25 =	sor.u32 $0x1, s24  }
0x251: {  	v22 =	vimm.f32 $0.0e+00;
	s26 =	sor.u32 $0x2, s24;
	s30 =	sor.u32 $0x3, s24;
	v2 =	vadd.s32 s25, v0;
	v47 =	vshll.u32 v9, $0x4  }
0x252: {  	s29 =	sor.u32 $0x7, s24;
	v3 =	vadd.s32 s26, v0;
	[tilespmem:$0x1FEE0] =	vst v2;
	v46 =	vshll.u32 v2, $0x4;
	v2 =	vadd.s32 s30, v0  }
0x253: {  	s31 =	sor.u32 $0x4, s24;
	v8 =	vadd.s32 s29, v0;
	[tilespmem:$0x1FF00] =	vst v2;
	v42 =	vshll.u32 v2, $0x4;
	v2 =	vmov s22  }
0x254: {  	s26 =	sor.u32 $0x5, s24;
	[tilespmem:$0x1FEF0] =	vst v3;
	v44 =	vshll.u32 v3, $0x4;
	v3 =	vadd.s32 s31, v0;
	v51 =	vand.u32 $0x8, v2  }
0x255: {  	s28 =	sor.u32 $0x6, s24;
	v4 =	vadd.s32 s26, v0;
	v50 =	vand.u32 $0x7, v2;
	v2 =	vor.u32 v47, v51  }
0x256: {  	[tilespmem:$0x1FF10] =	vst v3;
	v40 =	vshll.u32 v3, $0x4;
	v3 =	vadd.s32 s28, v0;
	v2 =	vor.u32 v50, v2  }
0x257: {  	s29 =	sor.u32 $0xC, s24;
	v39 =	vshll.u32 v8, $0x4;
	[tilespmem:$0x1FF30] =	vst v3;
	v41 =	vshll.u32 v3, $0x4;
	v3 =	vor.u32 v46, v51  }
0x258: {  	s30 =	sor.u32 $0x8, s24;
	s31 =	sor.u32 $0x9, s24;
	v14 =	vadd.s32 s29, v0;
	v43 =	vshll.u32 v4, $0x4;
	v3 =	vor.u32 v50, v3  }
0x259: {  	s26 =	sor.u32 $0xA, s24;
	[tilespmem:$0x1FF20] =	vst v4;
	v13 =	vadd.s32 s30, v0;
	v10 =	vadd.s32 s31, v0;
	v4 =	vor.u32 v44, v51  }
0x25a: {  	v11 =	vadd.s32 s26, v0;
	v33 =	vshll.u32 v14, $0x4;
	v4 =	vor.u32 v50, v4  }
0x25b: {  	s28 =	sor.u32 $0xB, s24;
	v37 =	vshll.u32 v13, $0x4;
	v36 =	vshll.u32 v10, $0x4;
	v16 =	vor.u32 v42, v51;
	v2 =	vld.idx.msk [tilespmem:v2+s18+$0x0], $0xffff  }
0x25c: {  	s30 =	sor.u32 $0xD, s24;
	s26 =	sor.u32 $0xF, s24;
	v12 =	vadd.s32 s28, v0;
	v35 =	vshll.u32 v11, $0x4;
	v19 =	vor.u32 v50, v16  }
0x25d: {  	v15 =	vadd.s32 s30, v0;
	v17 =	vadd.s32 s26, v0;
	v18 =	vor.u32 v40, v51;
	v3 =	vld.idx.msk [tilespmem:v3+s18+$0x0], $0xffff  }
0x25e: {  	v34 =	vshll.u32 v12, $0x4;
	v31 =	vshll.u32 v15, $0x4;
	v20 =	vor.u32 v50, v18  }
0x25f: {  	v29 =	vshll.u32 v17, $0x4;
	v21 =	vor.u32 v43, v51;
	v27 =	vor.u32 v37, v51;
	v4 =	vld.idx.msk [tilespmem:v4+s18+$0x0], $0xffff  }
0x260: {  	v28 =	vor.u32 v35, v51;
	v21 =	vor.u32 v50, v21;
	v23 =	vmul.f32 v2, v2  }
0x261: {  	v48 =	vor.u32 v33, v51;
	v24 =	vld.idx.msk [tilespmem:v19+s18+$0x0], $0xffff;
	v19 =	vor.u32 v41, v51;
	v2 =	vadd.f32 $0.0e+00, v2  }
0x262: {  	s31 =	sor.u32 $0xE, s24;
	v25 =	vor.u32 v50, v19;
	v19 =	vadd.f32 v23, v22;
	v23 =	vmul.f32 v3, v3  }
0x263: {  	v16 =	vadd.s32 s31, v0;
	v26 =	vld.idx.msk [tilespmem:v20+s18+$0x0], $0xffff;
	v20 =	vor.u32 v39, v51;
	v2 =	vadd.f32 v3, v2  }
0x264: {  	s28 =	sor.u32 $0x10, s24;
	v3 =	vor.u32 v50, v20;
	v20 =	vadd.f32 v23, v19;
	v23 =	vmul.f32 v4, v4  }
0x265: {  	v18 =	vadd.s32 s28, v0;
	v49 =	vor.u32 v31, v51;
	v21 =	vld.idx.msk [tilespmem:v21+s18+$0x0], $0xffff;
	v2 =	vadd.f32 v4, v2  }
0x266: {  	v4 =	vor.u32 v50, v27;
	v20 =	vadd.f32 v23, v20;
	v23 =	vmul.f32 v24, v24  }
0x267: {  	v30 =	vshll.u32 v16, $0x4;
	v25 =	vld.idx.msk [tilespmem:v25+s18+$0x0], $0xffff;
	v27 =	vor.u32 v36, v51;
	v2 =	vadd.f32 v24, v2  }
0x268: {  	v24 =	vor.u32 v50, v27;
	v27 =	vmul.f32 v26, v26;
	v23 =	vadd.f32 v23, v20  }
0x269: {  	v32 =	vshll.u32 v18, $0x4;
	v52 =	vor.u32 v30, v51;
	v3 =	vld.idx.msk [tilespmem:v3+s18+$0x0], $0xffff;
	v2 =	vadd.f32 v26, v2  }
0x26a: {  	v26 =	vor.u32 v50, v28;
	v23 =	vadd.f32 v27, v23;
	v27 =	vmul.f32 v21, v21  }
0x26b: {  	v61 =	vor.u32 v32, v51;
	v28 =	vor.u32 v34, v51;
	v4 =	vld.idx.msk [tilespmem:v4+s18+$0x0], $0xffff;
	v2 =	vadd.f32 v21, v2  }
0x26c: {  	s29 =	sor.u32 $0x11, s24;
	v28 =	vor.u32 v50, v28;
	v23 =	vadd.f32 v27, v23;
	v27 =	vmul.f32 v25, v25  }
0x26d: {  	v56 =	vor.u32 v50, v61;
	v19 =	vadd.s32 s29, v0;
	v24 =	vld.idx.msk [tilespmem:v24+s18+$0x0], $0xffff;
	v2 =	vadd.f32 v25, v2  }
0x26e: {  	s30 =	sor.u32 $0x12, s24;
	v25 =	vor.u32 v50, v48;
	v23 =	vadd.f32 v27, v23;
	v27 =	vmul.f32 v3, v3  }
0x26f: {  	v38 =	vshll.u32 v19, $0x4;
	v20 =	vadd.s32 s30, v0;
	v26 =	vld.idx.msk [tilespmem:v26+s18+$0x0], $0xffff;
	v2 =	vadd.f32 v3, v2  }
0x270: {  	s31 =	sor.u32 $0x13, s24;
	v3 =	vor.u32 v50, v49;
	v59 =	vmul.f32 v4, v4;
	v27 =	vadd.f32 v27, v23  }
0x271: {  	v45 =	vshll.u32 v20, $0x4;
	v21 =	vadd.s32 s31, v0;
	v28 =	vld.idx.msk [tilespmem:v28+s18+$0x0], $0xffff;
	v2 =	vadd.f32 v4, v2  }
0x272: {  	v4 =	vor.u32 v50, v52;
	v60 =	vmul.f32 v24, v24;
	v27 =	vadd.f32 v59, v27  }
0x273: {  	v62 =	vor.u32 v45, v51;
	v54 =	vld.idx.msk [tilespmem:v25+s18+$0x0], $0xffff;
	v25 =	vor.u32 v29, v51;
	v2 =	vadd.f32 v24, v2  }
0x274: {  	s26 =	sor.u32 $0x14, s24;
	v55 =	vor.u32 v50, v25;
	v25 =	vadd.f32 v60, v27;
	v27 =	vmul.f32 v26, v26  }
0x275: {  	s28 =	sor.u32 $0x15, s24;
	v48 =	vshll.u32 v21, $0x4;
	v23 =	vadd.s32 s26, v0;
	v3 =	vld.idx.msk [tilespmem:v3+s18+$0x0], $0xffff;
	v2 =	vadd.f32 v26, v2  }
0x276: {  	v58 =	vld.idx.msk [tilespmem:v56+s18+$0x0], $0xffff;
	v24 =	vadd.s32 s28, v0;
	v26 =	vadd.f32 v27, v25;
	v27 =	vmul.f32 v28, v28  }
0x277: {  	v49 =	vshll.u32 v23, $0x4;
	v52 =	vshll.u32 v24, $0x4;
	v4 =	vld.idx.msk [tilespmem:v4+s18+$0x0], $0xffff;
	v2 =	vadd.f32 v28, v2  }
0x278: {  	s29 =	sor.u32 $0x16, s24;
	v28 =	vor.u32 v38, v51;
	v26 =	vadd.f32 v27, v26;
	v27 =	vmul.f32 v54, v54  }
0x279: {  	v25 =	vadd.s32 s29, v0;
	v28 =	vor.u32 v50, v28;
	v55 =	vld.idx.msk [tilespmem:v55+s18+$0x0], $0xffff;
	v2 =	vadd.f32 v54, v2  }
0x27a: {  	v53 =	vshll.u32 v25, $0x4;
	v57 =	vmul.f32 v3, v3;
	v27 =	vadd.f32 v27, v26  }
0x27b: {  	v54 =	vor.u32 v50, v62;
	v62 =	vmul.f32 v58, v58;
	v2 =	vadd.f32 v3, v2  }
0x27c: {  	s30 =	sor.u32 $0x17, s24;
	v3 =	vor.u32 v48, v51;
	v60 =	vmul.f32 v4, v4;
	v63 =	vadd.f32 v57, v27  }
0x27d: {  	v26 =	vadd.s32 s30, v0;
	v3 =	vor.u32 v50, v3;
	v2 =	vadd.f32 v4, v2  }
0x27e: {  	v4 =	vld.idx.msk [tilespmem:v28+s18+$0x0], $0xffff;
	v28 =	vor.u32 v49, v51;
	v57 =	vmul.f32 v55, v55;
	v56 =	vadd.f32 v60, v63  }
0x27f: {  	s31 =	sor.u32 $0x18, s24;
	v63 =	vor.u32 v50, v28;
	v28 =	vor.u32 v52, v51;
	v2 =	vadd.f32 v55, v2  }
0x280: {  	v27 =	vadd.s32 s31, v0;
	v60 =	vld.idx.msk [tilespmem:v54+s18+$0x0], $0xffff;
	v5 =	vor.u32 v50, v28;
	v61 =	vadd.f32 v57, v56  }
0x281: {  	v54 =	vshll.u32 v27, $0x4;
	v2 =	vadd.f32 v58, v2;
	v58 =	vor.u32 v53, v51  }
0x282: {  	s24 =	sor.u32 $0x19, s24;
	v56 =	vshll.u32 v26, $0x4;
	v59 =	vld.idx.msk [tilespmem:v3+s18+$0x0], $0xffff;
	v6 =	vadd.f32 v62, v61;
	v62 =	vor.u32 v50, v58  }
0x283: {  	v28 =	vadd.s32 s24, v0;
	v3 =	vmul.f32 v4, v4;
	v7 =	vor.u32 v56, v51  }
0x284: {  	v55 =	vshll.u32 v28, $0x4;
	v61 =	vadd.f32 v4, v2;
	v57 =	vld.idx.msk [tilespmem:v63+s18+$0x0], $0xffff;
	v63 =	vor.u32 v50, v7  }
0x285: {  	s25 =	simm.s32 $0x2;
	s24 =	simm.s32 $0x1;
	v4 =	vor.u32 v54, v51;
	v2 =	vadd.f32 v3, v6;
	v3 =	vmul.f32 v60, v60;
	v58 =	vld.idx.msk [tilespmem:v5+s18+$0x0], $0xffff  }
.LBB2_23:
0x286: {  	p0 =	sne.s32 s25, $0xF;
	v5 =	vmov s24;
	v6 =	vadd.f32 v60, v61;
	v4 =	vor.u32 v50, v4;
	s24 =	smov.u32 s25  }
0x287: {  	v60 =	vor.u32 v55, v51;
	v2 =	vadd.f32 v3, v2;
	v3 =	vmul.f32 v59, v59;
	v7 =	vld.idx.msk [tilespmem:v62+s18+$0x0], $0xffff  }
0x288: {  	v51 =	vand.u32 $0x8, v5;
	v60 =	vor.u32 v50, v60;
	v50 =	vand.u32 $0x7, v5  }
0x289: {  	v5 =	vor.u32 v47, v51;
	v2 =	vadd.f32 v3, v2;
	v3 =	vmul.f32 v57, v57;
	v61 =	vld.idx.msk [tilespmem:v63+s18+$0x0], $0xffff  }
0x28a: {  	v6 =	vadd.f32 v59, v6;
	v5 =	vor.u32 v50, v5  }
0x28b: {  	v59 =	vor.u32 v46, v51;
	v2 =	vadd.f32 v3, v2;
	v3 =	vmul.f32 v58, v58;
	v4 =	vld.idx.msk [tilespmem:v4+s18+$0x0], $0xffff  }
0x28c: {  	v59 =	vor.u32 v50, v59;
	v6 =	vadd.f32 v57, v6  }
0x28d: {  	v57 =	vor.u32 v44, v51;
	v2 =	vadd.f32 v3, v2;
	v3 =	vmul.f32 v7, v7;
	v60 =	vld.idx.msk [tilespmem:v60+s18+$0x0], $0xffff  }
0x28e: {  	v57 =	vor.u32 v50, v57;
	v6 =	vadd.f32 v58, v6  }
0x28f: {  	v58 =	vor.u32 v42, v51;
	v5 =	vld.idx.msk [tilespmem:v5+s18+$0x0], $0xffff;
	v2 =	vadd.f32 v3, v2;
	v3 =	vmul.f32 v61, v61  }
0x290: {  	v58 =	vor.u32 v50, v58;
	v6 =	vadd.f32 v7, v6  }
0x291: {  	v7 =	vld.idx.msk [tilespmem:v59+s18+$0x0], $0xffff;
	v59 =	vor.u32 v40, v51;
	v2 =	vadd.f32 v3, v2;
	v3 =	vmul.f32 v4, v4  }
0x292: {  	v6 =	vadd.f32 v61, v6;
	v59 =	vor.u32 v50, v59  }
0x293: {  	v61 =	vor.u32 v43, v51;
	v57 =	vld.idx.msk [tilespmem:v57+s18+$0x0], $0xffff;
	v2 =	vadd.f32 v3, v2;
	v3 =	vmul.f32 v60, v60  }
0x294: {  	v61 =	vor.u32 v50, v61;
	v4 =	vadd.f32 v4, v6  }
0x295: {  	v62 =	vor.u32 v41, v51;
	v6 =	vmul.f32 v5, v5;
	v58 =	vld.idx.msk [tilespmem:v58+s18+$0x0], $0xffff;
	v2 =	vadd.f32 v3, v2  }
0x296: {  	v4 =	vadd.f32 v60, v4;
	v3 =	vadd.f32 $0.0e+00, v5;
	v5 =	vor.u32 v50, v62  }
0x297: {  	v60 =	vor.u32 v39, v51;
	v2 =	vadd.f32 v6, v2;
	v6 =	vmul.f32 v7, v7;
	v59 =	vld.idx.msk [tilespmem:v59+s18+$0x0], $0xffff  }
0x298: {  	v4 =	vmul.f32 v4, v4;
	v3 =	vadd.f32 v7, v3;
	v7 =	vor.u32 v50, v60  }
0x299: {  	v2 =	vadd.f32 v6, v2;
	v6 =	vmul.f32 v57, v57;
	v60 =	vld.idx.msk [tilespmem:v61+s18+$0x0], $0xffff;
	v61 =	vor.u32 v37, v51  }
0x29a: {  	v22 =	vadd.f32 v4, v22;
	v3 =	vadd.f32 v57, v3;
	v57 =	vor.u32 v50, v61  }
0x29b: {  	v4 =	vmul.f32 v58, v58;
	v2 =	vadd.f32 v6, v2;
	v5 =	vld.idx.msk [tilespmem:v5+s18+$0x0], $0xffff;
	v6 =	vor.u32 v36, v51  }
0x29c: {  	v3 =	vadd.f32 v58, v3;
	v6 =	vor.u32 v50, v6  }
0x29d: {  	v58 =	vor.u32 v35, v51;
	v2 =	vadd.f32 v4, v2;
	v4 =	vmul.f32 v59, v59;
	v7 =	vld.idx.msk [tilespmem:v7+s18+$0x0], $0xffff  }
0x29e: {  	v58 =	vor.u32 v50, v58;
	v3 =	vadd.f32 v59, v3  }
0x29f: {  	v59 =	vor.u32 v34, v51;
	v2 =	vadd.f32 v4, v2;
	v4 =	vmul.f32 v60, v60;
	v57 =	vld.idx.msk [tilespmem:v57+s18+$0x0], $0xffff  }
0x2a0: {  	v59 =	vor.u32 v50, v59;
	v3 =	vadd.f32 v60, v3  }
0x2a1: {  	v60 =	vor.u32 v33, v51;
	v2 =	vadd.f32 v4, v2;
	v4 =	vmul.f32 v5, v5;
	v6 =	vld.idx.msk [tilespmem:v6+s18+$0x0], $0xffff  }
0x2a2: {  	v3 =	vadd.f32 v5, v3;
	v5 =	vor.u32 v50, v60  }
0x2a3: {  	v60 =	vor.u32 v31, v51;
	v2 =	vadd.f32 v4, v2;
	v4 =	vmul.f32 v7, v7;
	v58 =	vld.idx.msk [tilespmem:v58+s18+$0x0], $0xffff  }
0x2a4: {  	v3 =	vadd.f32 v7, v3;
	v7 =	vor.u32 v50, v60  }
0x2a5: {  	v60 =	vor.u32 v30, v51;
	v2 =	vadd.f32 v4, v2;
	v4 =	vmul.f32 v57, v57;
	v59 =	vld.idx.msk [tilespmem:v59+s18+$0x0], $0xffff  }
0x2a6: {  	v3 =	vadd.f32 v57, v3;
	v57 =	vor.u32 v50, v60  }
0x2a7: {  	v60 =	vor.u32 v29, v51;
	v2 =	vadd.f32 v4, v2;
	v4 =	vmul.f32 v6, v6;
	v5 =	vld.idx.msk [tilespmem:v5+s18+$0x0], $0xffff  }
0x2a8: {  	v3 =	vadd.f32 v6, v3;
	v6 =	vor.u32 v50, v60  }
0x2a9: {  	v60 =	vor.u32 v32, v51;
	v2 =	vadd.f32 v4, v2;
	v4 =	vmul.f32 v58, v58;
	v7 =	vld.idx.msk [tilespmem:v7+s18+$0x0], $0xffff  }
0x2aa: {  	v3 =	vadd.f32 v58, v3;
	v58 =	vor.u32 v50, v60  }
0x2ab: {  	v60 =	vor.u32 v38, v51;
	v2 =	vadd.f32 v4, v2;
	v4 =	vmul.f32 v59, v59;
	v57 =	vld.idx.msk [tilespmem:v57+s18+$0x0], $0xffff  }
0x2ac: {  	v3 =	vadd.f32 v59, v3;
	v59 =	vor.u32 v50, v60  }
0x2ad: {  	v60 =	vor.u32 v45, v51;
	v2 =	vadd.f32 v4, v2;
	v4 =	vmul.f32 v5, v5;
	v6 =	vld.idx.msk [tilespmem:v6+s18+$0x0], $0xffff  }
0x2ae: {  	v3 =	vadd.f32 v5, v3;
	v5 =	vor.u32 v50, v60  }
0x2af: {  	v60 =	vor.u32 v48, v51;
	v2 =	vadd.f32 v4, v2;
	v4 =	vmul.f32 v7, v7;
	v58 =	vld.idx.msk [tilespmem:v58+s18+$0x0], $0xffff  }
0x2b0: {  	v3 =	vadd.f32 v7, v3;
	v7 =	vor.u32 v50, v60  }
0x2b1: {  	v2 =	vadd.f32 v4, v2;
	v4 =	vmul.f32 v57, v57;
	v61 =	vld.idx.msk [tilespmem:v59+s18+$0x0], $0xffff;
	v59 =	vor.u32 v49, v51  }
0x2b2: {  	v3 =	vadd.f32 v57, v3;
	v57 =	vor.u32 v50, v59  }
0x2b3: {  	v2 =	vadd.f32 v4, v2;
	v4 =	vmul.f32 v6, v6;
	v60 =	vld.idx.msk [tilespmem:v5+s18+$0x0], $0xffff;
	v5 =	vor.u32 v52, v51  }
0x2b4: {  	v3 =	vadd.f32 v6, v3;
	v5 =	vor.u32 v50, v5  }
.Ltmp10:
0x2b5: {  	v6 =	vor.u32 v53, v51;
	v2 =	vadd.f32 v4, v2;
	v4 =	vmul.f32 v58, v58;
	v59 =	vld.idx.msk [tilespmem:v7+s18+$0x0], $0xffff;
	(pc) =	sbr.rel @p0 .LBB2_23-.Ltmp10, $4  }
0x2b6: {  	v62 =	vor.u32 v50, v6;
	v3 =	vadd.f32 v58, v3  }
0x2b7: {  	v6 =	vor.u32 v56, v51;
	v2 =	vadd.f32 v4, v2;
	v4 =	vmul.f32 v61, v61;
	v57 =	vld.idx.msk [tilespmem:v57+s18+$0x0], $0xffff  }
0x2b8: {  	v63 =	vor.u32 v50, v6;
	v61 =	vadd.f32 v61, v3  }
0x2b9: {  	s25 =	sadd.s32 $0x1, s25;
	v3 =	vmul.f32 v60, v60;
	v2 =	vadd.f32 v4, v2;
	v58 =	vld.idx.msk [tilespmem:v5+s18+$0x0], $0xffff;
	v4 =	vor.u32 v54, v51  }
0x2ba: {  	_ =	sdelay $0x1  }
0x2bb: {  	v4 =	vor.u32 v50, v4;
	v5 =	vor.u32 v55, v51  }
0x2bc: {  	v6 =	vmov s24;
	v2 =	vadd.f32 v3, v2;
	v3 =	vmul.f32 v59, v59  }
0x2bd: {  	v5 =	vor.u32 v50, v5;
	v50 =	vld.idx.msk [tilespmem:v62+s18+$0x0], $0xffff;
	v62 =	vand.u32 $0x8, v6;
	v51 =	vand.u32 $0x7, v6  }
0x2be: {  	v6 =	vmul.f32 v57, v57;
	v2 =	vadd.f32 v3, v2;
	v3 =	vor.u32 v47, v62  }
0x2bf: {  	v47 =	vld.idx.msk [tilespmem:v63+s18+$0x0], $0xffff;
	v3 =	vor.u32 v51, v3  }
0x2c0: {  	v63 =	vor.u32 v46, v62;
	v7 =	vmul.f32 v58, v58;
	v2 =	vadd.f32 v6, v2  }
0x2c1: {  	v46 =	vld.idx.msk [tilespmem:v4+s18+$0x0], $0xffff;
	v4 =	vor.u32 v51, v63  }
0x2c2: {  	v6 =	vor.u32 v44, v62;
	v63 =	vmul.f32 v50, v50;
	v2 =	vadd.f32 v7, v2  }
0x2c3: {  	v44 =	vld.idx.msk [tilespmem:v5+s18+$0x0], $0xffff;
	v5 =	vor.u32 v51, v6  }
0x2c4: {  	v2 =	vadd.f32 v63, v2;
	v3 =	vld.idx.msk [tilespmem:v3+s18+$0x0], $0xffff;
	v63 =	vor.u32 v42, v62;
	v42 =	vmul.f32 v47, v47  }
0x2c5: {  	v6 =	vor.u32 v51, v63  }
0x2c6: {  	v7 =	vor.u32 v40, v62;
	v4 =	vld.idx.msk [tilespmem:v4+s18+$0x0], $0xffff;
	v63 =	vmul.f32 v46, v46;
	v2 =	vadd.f32 v42, v2  }
0x2c7: {  	v7 =	vor.u32 v51, v7  }
0x2c8: {  	v5 =	vld.idx.msk [tilespmem:v5+s18+$0x0], $0xffff;
	v42 =	vmul.f32 v44, v44;
	v2 =	vadd.f32 v63, v2;
	v63 =	vor.u32 v43, v62  }
0x2c9: {  	v40 =	vor.u32 v51, v63;
	v63 =	vadd.f32 $0.0e+00, v3  }
0x2ca: {  	v41 =	vor.u32 v41, v62;
	v3 =	vmul.f32 v3, v3;
	v2 =	vadd.f32 v42, v2;
	v6 =	vld.idx.msk [tilespmem:v6+s18+$0x0], $0xffff  }
0x2cb: {  	v41 =	vor.u32 v51, v41;
	v63 =	vadd.f32 v4, v63  }
0x2cc: {  	v39 =	vor.u32 v39, v62;
	v2 =	vadd.f32 v3, v2;
	v3 =	vmul.f32 v4, v4;
	v4 =	vld.idx.msk [tilespmem:v7+s18+$0x0], $0xffff  }
0x2cd: {  	v7 =	vor.u32 v51, v39;
	v43 =	vadd.f32 v5, v63  }
0x2ce: {  	v37 =	vor.u32 v37, v62;
	v2 =	vadd.f32 v3, v2;
	v3 =	vmul.f32 v5, v5;
	v63 =	vld.idx.msk [tilespmem:v40+s18+$0x0], $0xffff  }
0x2cf: {  	v37 =	vor.u32 v51, v37;
	v39 =	vadd.f32 v6, v43  }
0x2d0: {  	v36 =	vor.u32 v36, v62;
	v2 =	vadd.f32 v3, v2;
	v3 =	vmul.f32 v6, v6;
	v6 =	vld.idx.msk [tilespmem:v41+s18+$0x0], $0xffff  }
0x2d1: {  	v36 =	vor.u32 v51, v36;
	v39 =	vadd.f32 v4, v39  }
0x2d2: {  	v42 =	vor.u32 v35, v62;
	v41 =	vld.idx.msk [tilespmem:v7+s18+$0x0], $0xffff;
	v2 =	vadd.f32 v3, v2;
	v3 =	vmul.f32 v4, v4  }
0x2d3: {  	v7 =	vor.u32 v51, v42;
	v43 =	vadd.f32 v63, v39  }
0x2d4: {  	v34 =	vor.u32 v34, v62;
	v2 =	vadd.f32 v3, v2;
	v3 =	vmul.f32 v63, v63;
	v63 =	vld.idx.msk [tilespmem:v37+s18+$0x0], $0xffff  }
0x2d5: {  	v34 =	vor.u32 v51, v34;
	v35 =	vadd.f32 v6, v43  }
0x2d6: {  	v33 =	vor.u32 v33, v62;
	v37 =	vld.idx.msk [tilespmem:v36+s18+$0x0], $0xffff;
	v2 =	vadd.f32 v3, v2;
	v3 =	vmul.f32 v6, v6  }
0x2d7: {  	v33 =	vor.u32 v51, v33;
	v35 =	vadd.f32 v41, v35  }
0x2d8: {  	v40 =	vor.u32 v31, v62;
	v39 =	vld.idx.msk [tilespmem:v7+s18+$0x0], $0xffff;
	v2 =	vadd.f32 v3, v2;
	v3 =	vmul.f32 v41, v41  }
0x2d9: {  	v7 =	vor.u32 v51, v40;
	v41 =	vadd.f32 v63, v35  }
0x2da: {  	v30 =	vor.u32 v30, v62;
	v42 =	vld.idx.msk [tilespmem:v34+s18+$0x0], $0xffff;
	v2 =	vadd.f32 v3, v2;
	v3 =	vmul.f32 v63, v63  }
0x2db: {  	v30 =	vor.u32 v51, v30;
	v31 =	vadd.f32 v37, v41  }
0x2dc: {  	v29 =	vor.u32 v29, v62;
	v43 =	vld.idx.msk [tilespmem:v33+s18+$0x0], $0xffff;
	v2 =	vadd.f32 v3, v2;
	v3 =	vmul.f32 v37, v37  }
0x2dd: {  	v29 =	vor.u32 v51, v29;
	v31 =	vadd.f32 v39, v31  }
0x2de: {  	v33 =	vor.u32 v32, v62;
	v63 =	vld.idx.msk [tilespmem:v7+s18+$0x0], $0xffff;
	v2 =	vadd.f32 v3, v2;
	v3 =	vmul.f32 v39, v39  }
0x2df: {  	v7 =	vor.u32 v51, v33;
	v31 =	vadd.f32 v42, v31  }
0x2e0: {  	v34 =	vld.idx.msk [tilespmem:v30+s18+$0x0], $0xffff;
	v35 =	vor.u32 v38, v62;
	v2 =	vadd.f32 v3, v2;
	v3 =	vmul.f32 v42, v42  }
0x2e1: {  	v30 =	vor.u32 v51, v35;
	v31 =	vadd.f32 v43, v31  }
0x2e2: {  	v36 =	vld.idx.msk [tilespmem:v29+s18+$0x0], $0xffff;
	v37 =	vor.u32 v45, v62;
	v2 =	vadd.f32 v3, v2;
	v3 =	vmul.f32 v43, v43  }
0x2e3: {  	v29 =	vor.u32 v51, v37;
	v31 =	vadd.f32 v63, v31  }
0x2e4: {  	v39 =	vor.u32 v48, v62;
	v38 =	vld.idx.msk [tilespmem:v7+s18+$0x0], $0xffff;
	v2 =	vadd.f32 v3, v2;
	v3 =	vmul.f32 v63, v63  }
0x2e5: {  	v7 =	vor.u32 v51, v39;
	v31 =	vadd.f32 v34, v31  }
0x2e6: {  	v41 =	vor.u32 v49, v62;
	v40 =	vld.idx.msk [tilespmem:v30+s18+$0x0], $0xffff;
	v2 =	vadd.f32 v3, v2;
	v3 =	vmul.f32 v34, v34  }
0x2e7: {  	v30 =	vor.u32 v51, v41;
	v31 =	vadd.f32 v36, v31  }
0x2e8: {  	v42 =	vld.idx.msk [tilespmem:v29+s18+$0x0], $0xffff;
	v43 =	vor.u32 v52, v62;
	v2 =	vadd.f32 v3, v2;
	v3 =	vmul.f32 v36, v36  }
0x2e9: {  	v45 =	vadd.f32 v60, v61;
	v29 =	vor.u32 v51, v43;
	v31 =	vadd.f32 v38, v31  }
0x2ea: {  	v49 =	vor.u32 v53, v62;
	v48 =	vld.idx.msk [tilespmem:v7+s18+$0x0], $0xffff;
	v2 =	vadd.f32 v3, v2;
	v3 =	vmul.f32 v38, v38  }
0x2eb: {  	v32 =	vadd.f32 v59, v45;
	v7 =	vor.u32 v51, v49;
	v31 =	vadd.f32 v40, v31  }
0x2ec: {  	v53 =	vor.u32 v56, v62;
	v52 =	vld.idx.msk [tilespmem:v30+s18+$0x0], $0xffff;
	v2 =	vadd.f32 v3, v2;
	v3 =	vmul.f32 v40, v40  }
0x2ed: {  	v32 =	vadd.f32 v57, v32;
	v30 =	vor.u32 v51, v53;
	v31 =	vadd.f32 v42, v31  }
0x2ee: {  	v57 =	vor.u32 v54, v62;
	v56 =	vld.idx.msk [tilespmem:v29+s18+$0x0], $0xffff;
	v2 =	vadd.f32 v3, v2;
	v3 =	vmul.f32 v42, v42  }
0x2ef: {  	v29 =	vor.u32 v51, v57;
	v31 =	vadd.f32 v48, v31  }
0x2f0: {  	v32 =	vadd.f32 v58, v32;
	v7 =	vld.idx.msk [tilespmem:v7+s18+$0x0], $0xffff;
	v2 =	vadd.f32 v3, v2;
	v3 =	vor.u32 v55, v62  }
0x2f1: {  	v4 =	vmul.f32 v48, v48;
	v3 =	vor.u32 v51, v3;
	v31 =	vadd.f32 v52, v31  }
0x2f2: {  	v32 =	vadd.f32 v50, v32;
	v59 =	vld.idx.msk [tilespmem:v30+s18+$0x0], $0xffff  }
0x2f3: {  	v58 =	vmul.f32 v52, v52;
	v2 =	vadd.f32 v4, v2;
	v60 =	vadd.f32 v56, v31  }
0x2f4: {  	v61 =	vadd.f32 v47, v32;
	v63 =	vld.idx.msk [tilespmem:v29+s18+$0x0], $0xffff  }
0x2f5: {  	v62 =	vmul.f32 v56, v56;
	v2 =	vadd.f32 v58, v2;
	v33 =	vadd.f32 v7, v60  }
0x2f6: {  	v34 =	vadd.f32 v46, v61;
	v3 =	vld.idx.msk [tilespmem:v3+s18+$0x0], $0xffff  }
0x2f7: {  	v35 =	vmul.f32 v7, v7;
	v2 =	vadd.f32 v62, v2;
	v36 =	vadd.f32 v59, v33  }
0x2f8: {  	v37 =	vadd.f32 v44, v34  }
0x2f9: {  	v38 =	vmul.f32 v59, v59;
	v2 =	vadd.f32 v35, v2;
	v39 =	vadd.f32 v63, v36  }
0x2fa: {  	v40 =	vmul.f32 v37, v37  }
0x2fb: {  	v6 =	vmul.f32 v63, v63;
	v2 =	vadd.f32 v38, v2;
	v5 =	vadd.f32 v3, v39  }
0x2fc: {  	v4 =	vadd.f32 v40, v22  }
0x2fd: {  	v3 =	vmul.f32 v3, v3;
	v2 =	vadd.f32 v6, v2;
	v5 =	vmul.f32 v5, v5;
	_ =	sdelay $0x1  }
0x2fe: {  	v2 =	vadd.f32 v3, v2;
	v3 =	vadd.f32 v5, v4;
	_ =	sdelay $0x1  }
0x2ff: {  	v41 =	vand.u32 $0x1FF8, v9;
	v2 =	vsub.f32 v3, v2;
	v3 =	vld [tilespmem:$0x1FEE0]  }
0x300: {  	v7 =	vor.u32 v1, v41;
	_ =	sdelay $0x4  }
0x301: {  	v42 =	vld.idx.msk [tilespmem:v7+s19+$0x0], $0xffff;
	_ =	sdelay $0x1  }
0x302: {  	v3 =	vld.idx.msk [tilespmem:v3+s19+$0x0], $0xffff  }
0x303: {  	v43 =	vld [tilespmem:$0x1FEF0];
	v2 =	vmul.f32 $5.000000000e-01, v2;
	_ =	sdelay $0x1  }
0x304: {  	v44 =	vld [tilespmem:$0x1FF00];
	v2 =	vadd.f32 v42, v2;
	_ =	sdelay $0x1  }
0x305: {  	v2 =	vadd.f32 v3, v2;
	v3 =	vld [tilespmem:$0x1FF10];
	_ =	sdelay $0x1  }
0x306: {  	v45 =	vld [tilespmem:$0x1FF20]  }
0x307: {  	v48 =	vld [tilespmem:$0x1FF30]  }
0x308: {  	v5 =	vld.idx.msk [tilespmem:v43+s19+$0x0], $0xffff;
	_ =	sdelay $0x1  }
0x309: {  	v4 =	vld.idx.msk [tilespmem:v44+s19+$0x0], $0xffff;
	_ =	sdelay $0x1  }
0x30a: {  	v3 =	vld.idx.msk [tilespmem:v3+s19+$0x0], $0xffff  }
0x30b: {  	v2 =	vadd.f32 v5, v2  }
0x30c: {  	v46 =	vand.u32 $0x1FF8, v13;
	v5 =	vld.idx.msk [tilespmem:v45+s19+$0x0], $0xffff  }
0x30d: {  	v47 =	vor.u32 v1, v46;
	v2 =	vadd.f32 v4, v2  }
0x30e: {  	v6 =	vld.idx.msk [tilespmem:v48+s19+$0x0], $0xffff  }
0x30f: {  	v2 =	vadd.f32 v3, v2  }
0x310: {  	v3 =	vld.idx.msk [tilespmem:v8+s19+$0x0], $0xffff  }
0x311: {  	v2 =	vadd.f32 v5, v2  }
0x312: {  	v4 =	vld.idx.msk [tilespmem:v47+s19+$0x0], $0xffff  }
0x313: {  	v2 =	vadd.f32 v6, v2  }
0x314: {  	v49 =	vld.idx.msk [tilespmem:v10+s19+$0x0], $0xffff  }
0x315: {  	v2 =	vadd.f32 v3, v2  }
0x316: {  	v3 =	vld.idx.msk [tilespmem:v11+s19+$0x0], $0xffff  }
0x317: {  	v2 =	vadd.f32 v4, v2  }
0x318: {  	v50 =	vld.idx.msk [tilespmem:v12+s19+$0x0], $0xffff  }
0x319: {  	v2 =	vadd.f32 v49, v2  }
0x31a: {  	v51 =	vld.idx.msk [tilespmem:v14+s19+$0x0], $0xffff  }
0x31b: {  	v2 =	vadd.f32 v3, v2  }
0x31c: {  	v52 =	vand.u32 $0x1FF8, v18;
	v3 =	vld.idx.msk [tilespmem:v15+s19+$0x0], $0xffff  }
0x31d: {  	v53 =	vor.u32 v1, v52;
	v2 =	vadd.f32 v50, v2  }
0x31e: {  	v54 =	vld.idx.msk [tilespmem:v16+s19+$0x0], $0xffff  }
0x31f: {  	v2 =	vadd.f32 v51, v2  }
0x320: {  	v55 =	vld.idx.msk [tilespmem:v17+s19+$0x0], $0xffff  }
0x321: {  	v2 =	vadd.f32 v3, v2  }
0x322: {  	v3 =	vld.idx.msk [tilespmem:v53+s19+$0x0], $0xffff  }
0x323: {  	v2 =	vadd.f32 v54, v2  }
0x324: {  	v56 =	vld.idx.msk [tilespmem:v19+s19+$0x0], $0xffff  }
0x325: {  	v2 =	vadd.f32 v55, v2  }
0x326: {  	v57 =	vld.idx.msk [tilespmem:v20+s19+$0x0], $0xffff  }
0x327: {  	v2 =	vadd.f32 v3, v2  }
0x328: {  	v3 =	vld.idx.msk [tilespmem:v21+s19+$0x0], $0xffff  }
0x329: {  	v2 =	vadd.f32 v56, v2  }
0x32a: {  	v58 =	vld.idx.msk [tilespmem:v23+s19+$0x0], $0xffff  }
0x32b: {  	v2 =	vadd.f32 v57, v2  }
0x32c: {  	v60 =	vand.u32 $0x1FF8, v27;
	v59 =	vld.idx.msk [tilespmem:v24+s19+$0x0], $0xffff  }
0x32d: {  	v2 =	vadd.f32 v3, v2;
	v3 =	vor.u32 v1, v60  }
0x32e: {  	v61 =	vld.idx.msk [tilespmem:v25+s19+$0x0], $0xffff  }
0x32f: {  	v2 =	vadd.f32 v58, v2  }
0x330: {  	v62 =	vld.idx.msk [tilespmem:v26+s19+$0x0], $0xffff  }
0x331: {  	v2 =	vadd.f32 v59, v2  }
0x332: {  	v3 =	vld.idx.msk [tilespmem:v3+s19+$0x0], $0xffff  }
0x333: {  	v2 =	vadd.f32 v61, v2  }
0x334: {  	v63 =	vld.idx.msk [tilespmem:v28+s19+$0x0], $0xffff  }
0x335: {  	v2 =	vadd.f32 v62, v2;
	_ =	sdelay $0x1  }
0x336: {  	v2 =	vadd.f32 v3, v2;
	_ =	sdelay $0x1  }
0x337: {  	v2 =	vadd.f32 v63, v2;
	_ =	sdelay $0x1  }
0x338: {  	v2 =	vsub.f32 $0.0e+00, v2;
	_ =	sdelay $0x1  }
0x339: {  	v2 =	vmul.f32 $1.442695020e+00, v2;
	_ =	sdelay $0x1  }
0x33a: {  	(erf) = vpow2.f32 v2;
	_ =	sdelay $0x8  }
0x33b: {  	v2 =	vpop (erf)  }
0x33c: {  	v2 =	vadd.f32 $1.000000000e+00, v2;
	_ =	sdelay $0x1  }
0x33d: {  	(erf) = vrcp.f32 v2;
	_ =	sdelay $0x3  }
0x33e: {  	s31 =	sshll.u32 s23, $0x4;
	s23 =	sadd.s32 $0x1, s23  }
0x33f: {  	p0 =	sne.s32 s23, $0x8  }
.Ltmp11:
0x340: {  	_ = 	snop;
	(pc) =	sbr.rel @p0 .LBB2_22-.Ltmp11, $3  }
0x341: {  	_ =	sdelay $0x1  }
0x342: {  	s24 =	sand.u32 $0x3FFFFFF0, s31;
	v2 =	vpop (erf)  }
0x343: {  	[tilespmem:s24+$0xEA00] =	vst v2  }
0x344: {  	[bflag:$0x0] =	sbarrier.arrive $0xFFFF;
	s22 =	simm.s32 $0x0  }
0x345: {  	[hbm4b:s10+s22] =	stream.linear.scatter [tilespmem:s20], [sflag:$0x3], $0x80, $0x38;
	[tilespmem:$0xEA80] =	vst v63  }
0x346: {  	_ =	swait.ge [sflag:s14], $0x80  }
0x347: {  	[sflag:s14] =	ssyncset.done $0x0  }
0x348: {  	[sflag:s14] =	ssyncadd.s32 $0xFFFFFF80  }
0x349: {  	[tilespmem:s22], [sflag:$0x3] =	stream.linear.gather [hbm4b:s11+s22], $0xD00, $0x38;
	[tilespmem:$0xEA80] =	vst v63  }
0x34a: {  	s31 =	simm.s32 $0xD00;
	_ =	swait.ge [sflag:s14], $0xD00  }
0x34b: {  	s24 =	simm.s32 $0x0;
	s25 =	simm.s32 $0xDD00;
	[sflag:s14] =	ssyncset.done $0x0  }
0x34c: {  	s23 =	simm.s32 $0x1500;
	s22 =	simm.s32 $0x200;
	[sflag:s14] =	ssyncadd.s32 $0xFFFFF300  }
0x34d: {  	[tilespmem:s31], [sflag:$0x1] =	stream.indirect.gather [hbm4b:s3+s15], $0x10, s24, s15, $0xb8;
	[tilespmem:$0xEA80] =	vst v63  }
.LBB2_26:
0x34e: {  	[tilespmem:s25], [sflag:$0x2] =	stream.indirect.gather [hbm4b:s4+s15], $0x1, s24, s15, $0xb8;
	[tilespmem:$0xEA80] =	vst v63  }
0x34f: {  	s24 =	smov.u32 s22;
	p0 =	sne.s32 s22, $0x3200  }
.Ltmp12:
0x350: {  	s22 =	sadd.s32 $0x200, s22;
	(pc) =	sbr.rel @p0 .LBB2_26-.Ltmp12, $4  }
0x351: {  	_ = 	snop  }
0x352: {  	s24 =	sshra.s32 s24, $0x2  }
0x353: {  	[tilespmem:s23], [sflag:$0x1] =	stream.indirect.gather [hbm4b:s3+s15], $0x10, s24, s15, $0xb8;
	[tilespmem:$0xEA80] =	vst v63  }
0x354: {  	s25 =	sadd.s32 $0xDD00, s24;
	s23 =	sadd.s32 $0x800, s23  }
0x355: {  	[tilespmem:s25], [sflag:$0x2] =	stream.indirect.gather [hbm4b:s4+s15], $0x1, s24, s15, $0xb8;
	[tilespmem:$0xEA80] =	vst v63  }
0x356: {  	_ =	swait.ge [sflag:s16], $0x800  }
0x357: {  	[sflag:s16] =	ssyncset.done $0x0  }
0x358: {  	[sflag:s16] =	ssyncadd.s32 $0xFFFFF800  }
0x359: {  	_ =	swait.ge [sflag:s17], $0x80  }
0x35a: {  	s23 =	simm.s32 $0x19;
	[sflag:s17] =	ssyncset.done $0x0  }
.LBB2_28:
0x35b: {  	p0 =	sne.s32 s23, $0x1;
	s23 =	sadd.s32 $0xFFFFFFFF, s23;
	[sflag:s17] =	ssyncadd.s32 $0xFFFFFF80  }
.Ltmp13:
0x35c: {  	_ =	swait.ge [sflag:s16], $0x800;
	(pc) =	sbr.rel @p0 .LBB2_28-.Ltmp13, $4  }
0x35d: {  	[sflag:s16] =	ssyncset.done $0x0  }
0x35e: {  	[sflag:s16] =	ssyncadd.s32 $0xFFFFF800  }
0x35f: {  	_ =	swait.ge [sflag:s17], $0x80  }
0x360: {  	s22 =	simm.s32 $0x0;
	[sflag:s17] =	ssyncset.done $0x0  }
0x361: {  	[sflag:s17] =	ssyncadd.s32 $0xFFFFFF80;
	s23 =	simm.s32 $0x0  }
.LBB2_30:
0x362: {  	s24 =	smul.u32 $0x1A0, s23;
	_ =	sdelay $0x1  }
0x363: {  	v9 =	vadd.s32 s24, v0;
	s25 =	sor.u32 $0x1, s24  }
0x364: {  	v22 =	vimm.f32 $0.0e+00;
	s26 =	sor.u32 $0x2, s24;
	s30 =	sor.u32 $0x3, s24;
	v2 =	vadd.s32 s25, v0;
	v47 =	vshll.u32 v9, $0x4  }
0x365: {  	s29 =	sor.u32 $0x7, s24;
	v3 =	vadd.s32 s26, v0;
	[tilespmem:$0x1FE80] =	vst v2;
	v46 =	vshll.u32 v2, $0x4;
	v2 =	vadd.s32 s30, v0  }
0x366: {  	s31 =	sor.u32 $0x4, s24;
	v8 =	vadd.s32 s29, v0;
	[tilespmem:$0x1FEA0] =	vst v2;
	v42 =	vshll.u32 v2, $0x4;
	v2 =	vmov s22  }
0x367: {  	s26 =	sor.u32 $0x5, s24;
	[tilespmem:$0x1FE90] =	vst v3;
	v44 =	vshll.u32 v3, $0x4;
	v3 =	vadd.s32 s31, v0;
	v51 =	vand.u32 $0x8, v2  }
0x368: {  	s28 =	sor.u32 $0x6, s24;
	v4 =	vadd.s32 s26, v0;
	v50 =	vand.u32 $0x7, v2;
	v2 =	vor.u32 v47, v51  }
0x369: {  	[tilespmem:$0x1FEB0] =	vst v3;
	v40 =	vshll.u32 v3, $0x4;
	v3 =	vadd.s32 s28, v0;
	v2 =	vor.u32 v50, v2  }
0x36a: {  	s29 =	sor.u32 $0xC, s24;
	v39 =	vshll.u32 v8, $0x4;
	[tilespmem:$0x1FED0] =	vst v3;
	v41 =	vshll.u32 v3, $0x4;
	v3 =	vor.u32 v46, v51  }
0x36b: {  	s30 =	sor.u32 $0x8, s24;
	s31 =	sor.u32 $0x9, s24;
	v14 =	vadd.s32 s29, v0;
	v43 =	vshll.u32 v4, $0x4;
	v3 =	vor.u32 v50, v3  }
0x36c: {  	s26 =	sor.u32 $0xA, s24;
	[tilespmem:$0x1FEC0] =	vst v4;
	v13 =	vadd.s32 s30, v0;
	v10 =	vadd.s32 s31, v0;
	v4 =	vor.u32 v44, v51  }
0x36d: {  	v11 =	vadd.s32 s26, v0;
	v33 =	vshll.u32 v14, $0x4;
	v4 =	vor.u32 v50, v4  }
0x36e: {  	s28 =	sor.u32 $0xB, s24;
	v37 =	vshll.u32 v13, $0x4;
	v36 =	vshll.u32 v10, $0x4;
	v16 =	vor.u32 v42, v51;
	v2 =	vld.idx.msk [tilespmem:v2+s18+$0x0], $0xffff  }
0x36f: {  	s30 =	sor.u32 $0xD, s24;
	s26 =	sor.u32 $0xF, s24;
	v12 =	vadd.s32 s28, v0;
	v35 =	vshll.u32 v11, $0x4;
	v19 =	vor.u32 v50, v16  }
0x370: {  	v15 =	vadd.s32 s30, v0;
	v17 =	vadd.s32 s26, v0;
	v18 =	vor.u32 v40, v51;
	v3 =	vld.idx.msk [tilespmem:v3+s18+$0x0], $0xffff  }
0x371: {  	v34 =	vshll.u32 v12, $0x4;
	v31 =	vshll.u32 v15, $0x4;
	v20 =	vor.u32 v50, v18  }
0x372: {  	v29 =	vshll.u32 v17, $0x4;
	v21 =	vor.u32 v43, v51;
	v27 =	vor.u32 v37, v51;
	v4 =	vld.idx.msk [tilespmem:v4+s18+$0x0], $0xffff  }
0x373: {  	v28 =	vor.u32 v35, v51;
	v21 =	vor.u32 v50, v21;
	v23 =	vmul.f32 v2, v2  }
0x374: {  	v48 =	vor.u32 v33, v51;
	v24 =	vld.idx.msk [tilespmem:v19+s18+$0x0], $0xffff;
	v19 =	vor.u32 v41, v51;
	v2 =	vadd.f32 $0.0e+00, v2  }
0x375: {  	s31 =	sor.u32 $0xE, s24;
	v25 =	vor.u32 v50, v19;
	v19 =	vadd.f32 v23, v22;
	v23 =	vmul.f32 v3, v3  }
0x376: {  	v16 =	vadd.s32 s31, v0;
	v26 =	vld.idx.msk [tilespmem:v20+s18+$0x0], $0xffff;
	v20 =	vor.u32 v39, v51;
	v2 =	vadd.f32 v3, v2  }
0x377: {  	s28 =	sor.u32 $0x10, s24;
	v3 =	vor.u32 v50, v20;
	v20 =	vadd.f32 v23, v19;
	v23 =	vmul.f32 v4, v4  }
0x378: {  	v18 =	vadd.s32 s28, v0;
	v49 =	vor.u32 v31, v51;
	v21 =	vld.idx.msk [tilespmem:v21+s18+$0x0], $0xffff;
	v2 =	vadd.f32 v4, v2  }
0x379: {  	v4 =	vor.u32 v50, v27;
	v20 =	vadd.f32 v23, v20;
	v23 =	vmul.f32 v24, v24  }
0x37a: {  	v30 =	vshll.u32 v16, $0x4;
	v25 =	vld.idx.msk [tilespmem:v25+s18+$0x0], $0xffff;
	v27 =	vor.u32 v36, v51;
	v2 =	vadd.f32 v24, v2  }
0x37b: {  	v24 =	vor.u32 v50, v27;
	v27 =	vmul.f32 v26, v26;
	v23 =	vadd.f32 v23, v20  }
0x37c: {  	v32 =	vshll.u32 v18, $0x4;
	v52 =	vor.u32 v30, v51;
	v3 =	vld.idx.msk [tilespmem:v3+s18+$0x0], $0xffff;
	v2 =	vadd.f32 v26, v2  }
0x37d: {  	v26 =	vor.u32 v50, v28;
	v23 =	vadd.f32 v27, v23;
	v27 =	vmul.f32 v21, v21  }
0x37e: {  	v61 =	vor.u32 v32, v51;
	v28 =	vor.u32 v34, v51;
	v4 =	vld.idx.msk [tilespmem:v4+s18+$0x0], $0xffff;
	v2 =	vadd.f32 v21, v2  }
0x37f: {  	s29 =	sor.u32 $0x11, s24;
	v28 =	vor.u32 v50, v28;
	v23 =	vadd.f32 v27, v23;
	v27 =	vmul.f32 v25, v25  }
0x380: {  	v56 =	vor.u32 v50, v61;
	v19 =	vadd.s32 s29, v0;
	v24 =	vld.idx.msk [tilespmem:v24+s18+$0x0], $0xffff;
	v2 =	vadd.f32 v25, v2  }
0x381: {  	s30 =	sor.u32 $0x12, s24;
	v25 =	vor.u32 v50, v48;
	v23 =	vadd.f32 v27, v23;
	v27 =	vmul.f32 v3, v3  }
0x382: {  	v38 =	vshll.u32 v19, $0x4;
	v20 =	vadd.s32 s30, v0;
	v26 =	vld.idx.msk [tilespmem:v26+s18+$0x0], $0xffff;
	v2 =	vadd.f32 v3, v2  }
0x383: {  	s31 =	sor.u32 $0x13, s24;
	v3 =	vor.u32 v50, v49;
	v59 =	vmul.f32 v4, v4;
	v27 =	vadd.f32 v27, v23  }
0x384: {  	v45 =	vshll.u32 v20, $0x4;
	v21 =	vadd.s32 s31, v0;
	v28 =	vld.idx.msk [tilespmem:v28+s18+$0x0], $0xffff;
	v2 =	vadd.f32 v4, v2  }
0x385: {  	v4 =	vor.u32 v50, v52;
	v60 =	vmul.f32 v24, v24;
	v27 =	vadd.f32 v59, v27  }
0x386: {  	v62 =	vor.u32 v45, v51;
	v54 =	vld.idx.msk [tilespmem:v25+s18+$0x0], $0xffff;
	v25 =	vor.u32 v29, v51;
	v2 =	vadd.f32 v24, v2  }
0x387: {  	s26 =	sor.u32 $0x14, s24;
	v55 =	vor.u32 v50, v25;
	v25 =	vadd.f32 v60, v27;
	v27 =	vmul.f32 v26, v26  }
0x388: {  	s28 =	sor.u32 $0x15, s24;
	v48 =	vshll.u32 v21, $0x4;
	v23 =	vadd.s32 s26, v0;
	v3 =	vld.idx.msk [tilespmem:v3+s18+$0x0], $0xffff;
	v2 =	vadd.f32 v26, v2  }
0x389: {  	v58 =	vld.idx.msk [tilespmem:v56+s18+$0x0], $0xffff;
	v24 =	vadd.s32 s28, v0;
	v26 =	vadd.f32 v27, v25;
	v27 =	vmul.f32 v28, v28  }
0x38a: {  	v49 =	vshll.u32 v23, $0x4;
	v52 =	vshll.u32 v24, $0x4;
	v4 =	vld.idx.msk [tilespmem:v4+s18+$0x0], $0xffff;
	v2 =	vadd.f32 v28, v2  }
0x38b: {  	s29 =	sor.u32 $0x16, s24;
	v28 =	vor.u32 v38, v51;
	v26 =	vadd.f32 v27, v26;
	v27 =	vmul.f32 v54, v54  }
0x38c: {  	v25 =	vadd.s32 s29, v0;
	v28 =	vor.u32 v50, v28;
	v55 =	vld.idx.msk [tilespmem:v55+s18+$0x0], $0xffff;
	v2 =	vadd.f32 v54, v2  }
0x38d: {  	v53 =	vshll.u32 v25, $0x4;
	v57 =	vmul.f32 v3, v3;
	v27 =	vadd.f32 v27, v26  }
0x38e: {  	v54 =	vor.u32 v50, v62;
	v62 =	vmul.f32 v58, v58;
	v2 =	vadd.f32 v3, v2  }
0x38f: {  	s30 =	sor.u32 $0x17, s24;
	v3 =	vor.u32 v48, v51;
	v60 =	vmul.f32 v4, v4;
	v63 =	vadd.f32 v57, v27  }
0x390: {  	v26 =	vadd.s32 s30, v0;
	v3 =	vor.u32 v50, v3;
	v2 =	vadd.f32 v4, v2  }
0x391: {  	v4 =	vld.idx.msk [tilespmem:v28+s18+$0x0], $0xffff;
	v28 =	vor.u32 v49, v51;
	v57 =	vmul.f32 v55, v55;
	v56 =	vadd.f32 v60, v63  }
0x392: {  	s31 =	sor.u32 $0x18, s24;
	v63 =	vor.u32 v50, v28;
	v28 =	vor.u32 v52, v51;
	v2 =	vadd.f32 v55, v2  }
0x393: {  	v27 =	vadd.s32 s31, v0;
	v60 =	vld.idx.msk [tilespmem:v54+s18+$0x0], $0xffff;
	v5 =	vor.u32 v50, v28;
	v61 =	vadd.f32 v57, v56  }
0x394: {  	v54 =	vshll.u32 v27, $0x4;
	v2 =	vadd.f32 v58, v2;
	v58 =	vor.u32 v53, v51  }
0x395: {  	s24 =	sor.u32 $0x19, s24;
	v56 =	vshll.u32 v26, $0x4;
	v59 =	vld.idx.msk [tilespmem:v3+s18+$0x0], $0xffff;
	v6 =	vadd.f32 v62, v61;
	v62 =	vor.u32 v50, v58  }
0x396: {  	v28 =	vadd.s32 s24, v0;
	v3 =	vmul.f32 v4, v4;
	v7 =	vor.u32 v56, v51  }
0x397: {  	v55 =	vshll.u32 v28, $0x4;
	v61 =	vadd.f32 v4, v2;
	v57 =	vld.idx.msk [tilespmem:v63+s18+$0x0], $0xffff;
	v63 =	vor.u32 v50, v7  }
0x398: {  	s25 =	simm.s32 $0x2;
	s24 =	simm.s32 $0x1;
	v4 =	vor.u32 v54, v51;
	v2 =	vadd.f32 v3, v6;
	v3 =	vmul.f32 v60, v60;
	v58 =	vld.idx.msk [tilespmem:v5+s18+$0x0], $0xffff  }
.LBB2_31:
0x399: {  	p0 =	sne.s32 s25, $0xF;
	v5 =	vmov s24;
	v6 =	vadd.f32 v60, v61;
	v4 =	vor.u32 v50, v4;
	s24 =	smov.u32 s25  }
0x39a: {  	v60 =	vor.u32 v55, v51;
	v2 =	vadd.f32 v3, v2;
	v3 =	vmul.f32 v59, v59;
	v7 =	vld.idx.msk [tilespmem:v62+s18+$0x0], $0xffff  }
0x39b: {  	v51 =	vand.u32 $0x8, v5;
	v60 =	vor.u32 v50, v60;
	v50 =	vand.u32 $0x7, v5  }
0x39c: {  	v5 =	vor.u32 v47, v51;
	v2 =	vadd.f32 v3, v2;
	v3 =	vmul.f32 v57, v57;
	v61 =	vld.idx.msk [tilespmem:v63+s18+$0x0], $0xffff  }
0x39d: {  	v6 =	vadd.f32 v59, v6;
	v5 =	vor.u32 v50, v5  }
0x39e: {  	v59 =	vor.u32 v46, v51;
	v2 =	vadd.f32 v3, v2;
	v3 =	vmul.f32 v58, v58;
	v4 =	vld.idx.msk [tilespmem:v4+s18+$0x0], $0xffff  }
0x39f: {  	v59 =	vor.u32 v50, v59;
	v6 =	vadd.f32 v57, v6  }
0x3a0: {  	v57 =	vor.u32 v44, v51;
	v2 =	vadd.f32 v3, v2;
	v3 =	vmul.f32 v7, v7;
	v60 =	vld.idx.msk [tilespmem:v60+s18+$0x0], $0xffff  }
0x3a1: {  	v57 =	vor.u32 v50, v57;
	v6 =	vadd.f32 v58, v6  }
0x3a2: {  	v58 =	vor.u32 v42, v51;
	v5 =	vld.idx.msk [tilespmem:v5+s18+$0x0], $0xffff;
	v2 =	vadd.f32 v3, v2;
	v3 =	vmul.f32 v61, v61  }
0x3a3: {  	v58 =	vor.u32 v50, v58;
	v6 =	vadd.f32 v7, v6  }
0x3a4: {  	v7 =	vld.idx.msk [tilespmem:v59+s18+$0x0], $0xffff;
	v59 =	vor.u32 v40, v51;
	v2 =	vadd.f32 v3, v2;
	v3 =	vmul.f32 v4, v4  }
0x3a5: {  	v6 =	vadd.f32 v61, v6;
	v59 =	vor.u32 v50, v59  }
0x3a6: {  	v61 =	vor.u32 v43, v51;
	v57 =	vld.idx.msk [tilespmem:v57+s18+$0x0], $0xffff;
	v2 =	vadd.f32 v3, v2;
	v3 =	vmul.f32 v60, v60  }
0x3a7: {  	v61 =	vor.u32 v50, v61;
	v4 =	vadd.f32 v4, v6  }
0x3a8: {  	v62 =	vor.u32 v41, v51;
	v6 =	vmul.f32 v5, v5;
	v58 =	vld.idx.msk [tilespmem:v58+s18+$0x0], $0xffff;
	v2 =	vadd.f32 v3, v2  }
0x3a9: {  	v4 =	vadd.f32 v60, v4;
	v3 =	vadd.f32 $0.0e+00, v5;
	v5 =	vor.u32 v50, v62  }
0x3aa: {  	v60 =	vor.u32 v39, v51;
	v2 =	vadd.f32 v6, v2;
	v6 =	vmul.f32 v7, v7;
	v59 =	vld.idx.msk [tilespmem:v59+s18+$0x0], $0xffff  }
0x3ab: {  	v4 =	vmul.f32 v4, v4;
	v3 =	vadd.f32 v7, v3;
	v7 =	vor.u32 v50, v60  }
0x3ac: {  	v2 =	vadd.f32 v6, v2;
	v6 =	vmul.f32 v57, v57;
	v60 =	vld.idx.msk [tilespmem:v61+s18+$0x0], $0xffff;
	v61 =	vor.u32 v37, v51  }
0x3ad: {  	v22 =	vadd.f32 v4, v22;
	v3 =	vadd.f32 v57, v3;
	v57 =	vor.u32 v50, v61  }
0x3ae: {  	v4 =	vmul.f32 v58, v58;
	v2 =	vadd.f32 v6, v2;
	v5 =	vld.idx.msk [tilespmem:v5+s18+$0x0], $0xffff;
	v6 =	vor.u32 v36, v51  }
0x3af: {  	v3 =	vadd.f32 v58, v3;
	v6 =	vor.u32 v50, v6  }
0x3b0: {  	v58 =	vor.u32 v35, v51;
	v2 =	vadd.f32 v4, v2;
	v4 =	vmul.f32 v59, v59;
	v7 =	vld.idx.msk [tilespmem:v7+s18+$0x0], $0xffff  }
0x3b1: {  	v58 =	vor.u32 v50, v58;
	v3 =	vadd.f32 v59, v3  }
0x3b2: {  	v59 =	vor.u32 v34, v51;
	v2 =	vadd.f32 v4, v2;
	v4 =	vmul.f32 v60, v60;
	v57 =	vld.idx.msk [tilespmem:v57+s18+$0x0], $0xffff  }
0x3b3: {  	v59 =	vor.u32 v50, v59;
	v3 =	vadd.f32 v60, v3  }
0x3b4: {  	v60 =	vor.u32 v33, v51;
	v2 =	vadd.f32 v4, v2;
	v4 =	vmul.f32 v5, v5;
	v6 =	vld.idx.msk [tilespmem:v6+s18+$0x0], $0xffff  }
0x3b5: {  	v3 =	vadd.f32 v5, v3;
	v5 =	vor.u32 v50, v60  }
0x3b6: {  	v60 =	vor.u32 v31, v51;
	v2 =	vadd.f32 v4, v2;
	v4 =	vmul.f32 v7, v7;
	v58 =	vld.idx.msk [tilespmem:v58+s18+$0x0], $0xffff  }
0x3b7: {  	v3 =	vadd.f32 v7, v3;
	v7 =	vor.u32 v50, v60  }
0x3b8: {  	v60 =	vor.u32 v30, v51;
	v2 =	vadd.f32 v4, v2;
	v4 =	vmul.f32 v57, v57;
	v59 =	vld.idx.msk [tilespmem:v59+s18+$0x0], $0xffff  }
0x3b9: {  	v3 =	vadd.f32 v57, v3;
	v57 =	vor.u32 v50, v60  }
0x3ba: {  	v60 =	vor.u32 v29, v51;
	v2 =	vadd.f32 v4, v2;
	v4 =	vmul.f32 v6, v6;
	v5 =	vld.idx.msk [tilespmem:v5+s18+$0x0], $0xffff  }
0x3bb: {  	v3 =	vadd.f32 v6, v3;
	v6 =	vor.u32 v50, v60  }
0x3bc: {  	v60 =	vor.u32 v32, v51;
	v2 =	vadd.f32 v4, v2;
	v4 =	vmul.f32 v58, v58;
	v7 =	vld.idx.msk [tilespmem:v7+s18+$0x0], $0xffff  }
0x3bd: {  	v3 =	vadd.f32 v58, v3;
	v58 =	vor.u32 v50, v60  }
0x3be: {  	v60 =	vor.u32 v38, v51;
	v2 =	vadd.f32 v4, v2;
	v4 =	vmul.f32 v59, v59;
	v57 =	vld.idx.msk [tilespmem:v57+s18+$0x0], $0xffff  }
0x3bf: {  	v3 =	vadd.f32 v59, v3;
	v59 =	vor.u32 v50, v60  }
0x3c0: {  	v60 =	vor.u32 v45, v51;
	v2 =	vadd.f32 v4, v2;
	v4 =	vmul.f32 v5, v5;
	v6 =	vld.idx.msk [tilespmem:v6+s18+$0x0], $0xffff  }
0x3c1: {  	v3 =	vadd.f32 v5, v3;
	v5 =	vor.u32 v50, v60  }
0x3c2: {  	v60 =	vor.u32 v48, v51;
	v2 =	vadd.f32 v4, v2;
	v4 =	vmul.f32 v7, v7;
	v58 =	vld.idx.msk [tilespmem:v58+s18+$0x0], $0xffff  }
0x3c3: {  	v3 =	vadd.f32 v7, v3;
	v7 =	vor.u32 v50, v60  }
0x3c4: {  	v2 =	vadd.f32 v4, v2;
	v4 =	vmul.f32 v57, v57;
	v61 =	vld.idx.msk [tilespmem:v59+s18+$0x0], $0xffff;
	v59 =	vor.u32 v49, v51  }
0x3c5: {  	v3 =	vadd.f32 v57, v3;
	v57 =	vor.u32 v50, v59  }
0x3c6: {  	v2 =	vadd.f32 v4, v2;
	v4 =	vmul.f32 v6, v6;
	v60 =	vld.idx.msk [tilespmem:v5+s18+$0x0], $0xffff;
	v5 =	vor.u32 v52, v51  }
0x3c7: {  	v3 =	vadd.f32 v6, v3;
	v5 =	vor.u32 v50, v5  }
.Ltmp14:
0x3c8: {  	v6 =	vor.u32 v53, v51;
	v2 =	vadd.f32 v4, v2;
	v4 =	vmul.f32 v58, v58;
	v59 =	vld.idx.msk [tilespmem:v7+s18+$0x0], $0xffff;
	(pc) =	sbr.rel @p0 .LBB2_31-.Ltmp14, $4  }
0x3c9: {  	v62 =	vor.u32 v50, v6;
	v3 =	vadd.f32 v58, v3  }
0x3ca: {  	v6 =	vor.u32 v56, v51;
	v2 =	vadd.f32 v4, v2;
	v4 =	vmul.f32 v61, v61;
	v57 =	vld.idx.msk [tilespmem:v57+s18+$0x0], $0xffff  }
0x3cb: {  	v63 =	vor.u32 v50, v6;
	v61 =	vadd.f32 v61, v3  }
0x3cc: {  	s25 =	sadd.s32 $0x1, s25;
	v3 =	vmul.f32 v60, v60;
	v2 =	vadd.f32 v4, v2;
	v58 =	vld.idx.msk [tilespmem:v5+s18+$0x0], $0xffff;
	v4 =	vor.u32 v54, v51  }
0x3cd: {  	_ =	sdelay $0x1  }
0x3ce: {  	v4 =	vor.u32 v50, v4;
	v5 =	vor.u32 v55, v51  }
0x3cf: {  	v6 =	vmov s24;
	v2 =	vadd.f32 v3, v2;
	v3 =	vmul.f32 v59, v59  }
0x3d0: {  	v5 =	vor.u32 v50, v5;
	v50 =	vld.idx.msk [tilespmem:v62+s18+$0x0], $0xffff;
	v62 =	vand.u32 $0x8, v6;
	v51 =	vand.u32 $0x7, v6  }
0x3d1: {  	v6 =	vmul.f32 v57, v57;
	v2 =	vadd.f32 v3, v2;
	v3 =	vor.u32 v47, v62  }
0x3d2: {  	v47 =	vld.idx.msk [tilespmem:v63+s18+$0x0], $0xffff;
	v3 =	vor.u32 v51, v3  }
0x3d3: {  	v63 =	vor.u32 v46, v62;
	v7 =	vmul.f32 v58, v58;
	v2 =	vadd.f32 v6, v2  }
0x3d4: {  	v46 =	vld.idx.msk [tilespmem:v4+s18+$0x0], $0xffff;
	v4 =	vor.u32 v51, v63  }
0x3d5: {  	v6 =	vor.u32 v44, v62;
	v63 =	vmul.f32 v50, v50;
	v2 =	vadd.f32 v7, v2  }
0x3d6: {  	v44 =	vld.idx.msk [tilespmem:v5+s18+$0x0], $0xffff;
	v5 =	vor.u32 v51, v6  }
0x3d7: {  	v2 =	vadd.f32 v63, v2;
	v3 =	vld.idx.msk [tilespmem:v3+s18+$0x0], $0xffff;
	v63 =	vor.u32 v42, v62;
	v42 =	vmul.f32 v47, v47  }
0x3d8: {  	v6 =	vor.u32 v51, v63  }
0x3d9: {  	v7 =	vor.u32 v40, v62;
	v4 =	vld.idx.msk [tilespmem:v4+s18+$0x0], $0xffff;
	v63 =	vmul.f32 v46, v46;
	v2 =	vadd.f32 v42, v2  }
0x3da: {  	v7 =	vor.u32 v51, v7  }
0x3db: {  	v5 =	vld.idx.msk [tilespmem:v5+s18+$0x0], $0xffff;
	v42 =	vmul.f32 v44, v44;
	v2 =	vadd.f32 v63, v2;
	v63 =	vor.u32 v43, v62  }
0x3dc: {  	v40 =	vor.u32 v51, v63;
	v63 =	vadd.f32 $0.0e+00, v3  }
0x3dd: {  	v41 =	vor.u32 v41, v62;
	v3 =	vmul.f32 v3, v3;
	v2 =	vadd.f32 v42, v2;
	v6 =	vld.idx.msk [tilespmem:v6+s18+$0x0], $0xffff  }
0x3de: {  	v41 =	vor.u32 v51, v41;
	v63 =	vadd.f32 v4, v63  }
0x3df: {  	v39 =	vor.u32 v39, v62;
	v2 =	vadd.f32 v3, v2;
	v3 =	vmul.f32 v4, v4;
	v4 =	vld.idx.msk [tilespmem:v7+s18+$0x0], $0xffff  }
0x3e0: {  	v7 =	vor.u32 v51, v39;
	v43 =	vadd.f32 v5, v63  }
0x3e1: {  	v37 =	vor.u32 v37, v62;
	v2 =	vadd.f32 v3, v2;
	v3 =	vmul.f32 v5, v5;
	v63 =	vld.idx.msk [tilespmem:v40+s18+$0x0], $0xffff  }
0x3e2: {  	v37 =	vor.u32 v51, v37;
	v39 =	vadd.f32 v6, v43  }
0x3e3: {  	v36 =	vor.u32 v36, v62;
	v2 =	vadd.f32 v3, v2;
	v3 =	vmul.f32 v6, v6;
	v6 =	vld.idx.msk [tilespmem:v41+s18+$0x0], $0xffff  }
0x3e4: {  	v36 =	vor.u32 v51, v36;
	v39 =	vadd.f32 v4, v39  }
0x3e5: {  	v42 =	vor.u32 v35, v62;
	v41 =	vld.idx.msk [tilespmem:v7+s18+$0x0], $0xffff;
	v2 =	vadd.f32 v3, v2;
	v3 =	vmul.f32 v4, v4  }
0x3e6: {  	v7 =	vor.u32 v51, v42;
	v43 =	vadd.f32 v63, v39  }
0x3e7: {  	v34 =	vor.u32 v34, v62;
	v2 =	vadd.f32 v3, v2;
	v3 =	vmul.f32 v63, v63;
	v63 =	vld.idx.msk [tilespmem:v37+s18+$0x0], $0xffff  }
0x3e8: {  	v34 =	vor.u32 v51, v34;
	v35 =	vadd.f32 v6, v43  }
0x3e9: {  	v33 =	vor.u32 v33, v62;
	v37 =	vld.idx.msk [tilespmem:v36+s18+$0x0], $0xffff;
	v2 =	vadd.f32 v3, v2;
	v3 =	vmul.f32 v6, v6  }
0x3ea: {  	v33 =	vor.u32 v51, v33;
	v35 =	vadd.f32 v41, v35  }
0x3eb: {  	v40 =	vor.u32 v31, v62;
	v39 =	vld.idx.msk [tilespmem:v7+s18+$0x0], $0xffff;
	v2 =	vadd.f32 v3, v2;
	v3 =	vmul.f32 v41, v41  }
0x3ec: {  	v7 =	vor.u32 v51, v40;
	v41 =	vadd.f32 v63, v35  }
0x3ed: {  	v30 =	vor.u32 v30, v62;
	v42 =	vld.idx.msk [tilespmem:v34+s18+$0x0], $0xffff;
	v2 =	vadd.f32 v3, v2;
	v3 =	vmul.f32 v63, v63  }
0x3ee: {  	v30 =	vor.u32 v51, v30;
	v31 =	vadd.f32 v37, v41  }
0x3ef: {  	v29 =	vor.u32 v29, v62;
	v43 =	vld.idx.msk [tilespmem:v33+s18+$0x0], $0xffff;
	v2 =	vadd.f32 v3, v2;
	v3 =	vmul.f32 v37, v37  }
0x3f0: {  	v29 =	vor.u32 v51, v29;
	v31 =	vadd.f32 v39, v31  }
0x3f1: {  	v33 =	vor.u32 v32, v62;
	v63 =	vld.idx.msk [tilespmem:v7+s18+$0x0], $0xffff;
	v2 =	vadd.f32 v3, v2;
	v3 =	vmul.f32 v39, v39  }
0x3f2: {  	v7 =	vor.u32 v51, v33;
	v31 =	vadd.f32 v42, v31  }
0x3f3: {  	v34 =	vld.idx.msk [tilespmem:v30+s18+$0x0], $0xffff;
	v35 =	vor.u32 v38, v62;
	v2 =	vadd.f32 v3, v2;
	v3 =	vmul.f32 v42, v42  }
0x3f4: {  	v30 =	vor.u32 v51, v35;
	v31 =	vadd.f32 v43, v31  }
0x3f5: {  	v36 =	vld.idx.msk [tilespmem:v29+s18+$0x0], $0xffff;
	v37 =	vor.u32 v45, v62;
	v2 =	vadd.f32 v3, v2;
	v3 =	vmul.f32 v43, v43  }
0x3f6: {  	v29 =	vor.u32 v51, v37;
	v31 =	vadd.f32 v63, v31  }
0x3f7: {  	v39 =	vor.u32 v48, v62;
	v38 =	vld.idx.msk [tilespmem:v7+s18+$0x0], $0xffff;
	v2 =	vadd.f32 v3, v2;
	v3 =	vmul.f32 v63, v63  }
0x3f8: {  	v7 =	vor.u32 v51, v39;
	v31 =	vadd.f32 v34, v31  }
0x3f9: {  	v41 =	vor.u32 v49, v62;
	v40 =	vld.idx.msk [tilespmem:v30+s18+$0x0], $0xffff;
	v2 =	vadd.f32 v3, v2;
	v3 =	vmul.f32 v34, v34  }
0x3fa: {  	v30 =	vor.u32 v51, v41;
	v31 =	vadd.f32 v36, v31  }
0x3fb: {  	v42 =	vld.idx.msk [tilespmem:v29+s18+$0x0], $0xffff;
	v43 =	vor.u32 v52, v62;
	v2 =	vadd.f32 v3, v2;
	v3 =	vmul.f32 v36, v36  }
0x3fc: {  	v45 =	vadd.f32 v60, v61;
	v29 =	vor.u32 v51, v43;
	v31 =	vadd.f32 v38, v31  }
0x3fd: {  	v49 =	vor.u32 v53, v62;
	v48 =	vld.idx.msk [tilespmem:v7+s18+$0x0], $0xffff;
	v2 =	vadd.f32 v3, v2;
	v3 =	vmul.f32 v38, v38  }
0x3fe: {  	v32 =	vadd.f32 v59, v45;
	v7 =	vor.u32 v51, v49;
	v31 =	vadd.f32 v40, v31  }
0x3ff: {  	v53 =	vor.u32 v56, v62;
	v52 =	vld.idx.msk [tilespmem:v30+s18+$0x0], $0xffff;
	v2 =	vadd.f32 v3, v2;
	v3 =	vmul.f32 v40, v40  }
0x400: {  	v32 =	vadd.f32 v57, v32;
	v30 =	vor.u32 v51, v53;
	v31 =	vadd.f32 v42, v31  }
0x401: {  	v57 =	vor.u32 v54, v62;
	v56 =	vld.idx.msk [tilespmem:v29+s18+$0x0], $0xffff;
	v2 =	vadd.f32 v3, v2;
	v3 =	vmul.f32 v42, v42  }
0x402: {  	v29 =	vor.u32 v51, v57;
	v31 =	vadd.f32 v48, v31  }
0x403: {  	v32 =	vadd.f32 v58, v32;
	v7 =	vld.idx.msk [tilespmem:v7+s18+$0x0], $0xffff;
	v2 =	vadd.f32 v3, v2;
	v3 =	vor.u32 v55, v62  }
0x404: {  	v4 =	vmul.f32 v48, v48;
	v3 =	vor.u32 v51, v3;
	v31 =	vadd.f32 v52, v31  }
0x405: {  	v32 =	vadd.f32 v50, v32;
	v59 =	vld.idx.msk [tilespmem:v30+s18+$0x0], $0xffff  }
0x406: {  	v58 =	vmul.f32 v52, v52;
	v2 =	vadd.f32 v4, v2;
	v60 =	vadd.f32 v56, v31  }
0x407: {  	v61 =	vadd.f32 v47, v32;
	v63 =	vld.idx.msk [tilespmem:v29+s18+$0x0], $0xffff  }
0x408: {  	v62 =	vmul.f32 v56, v56;
	v2 =	vadd.f32 v58, v2;
	v33 =	vadd.f32 v7, v60  }
0x409: {  	v34 =	vadd.f32 v46, v61;
	v3 =	vld.idx.msk [tilespmem:v3+s18+$0x0], $0xffff  }
0x40a: {  	v35 =	vmul.f32 v7, v7;
	v2 =	vadd.f32 v62, v2;
	v36 =	vadd.f32 v59, v33  }
0x40b: {  	v37 =	vadd.f32 v44, v34  }
0x40c: {  	v38 =	vmul.f32 v59, v59;
	v2 =	vadd.f32 v35, v2;
	v39 =	vadd.f32 v63, v36  }
0x40d: {  	v40 =	vmul.f32 v37, v37  }
0x40e: {  	v6 =	vmul.f32 v63, v63;
	v2 =	vadd.f32 v38, v2;
	v5 =	vadd.f32 v3, v39  }
0x40f: {  	v4 =	vadd.f32 v40, v22  }
0x410: {  	v3 =	vmul.f32 v3, v3;
	v2 =	vadd.f32 v6, v2;
	v5 =	vmul.f32 v5, v5;
	_ =	sdelay $0x1  }
0x411: {  	v2 =	vadd.f32 v3, v2;
	v3 =	vadd.f32 v5, v4;
	_ =	sdelay $0x1  }
0x412: {  	v41 =	vand.u32 $0x1FF8, v9;
	v2 =	vsub.f32 v3, v2;
	v3 =	vld [tilespmem:$0x1FE80]  }
0x413: {  	v7 =	vor.u32 v1, v41;
	_ =	sdelay $0x4  }
0x414: {  	v42 =	vld.idx.msk [tilespmem:v7+s19+$0x0], $0xffff;
	_ =	sdelay $0x1  }
0x415: {  	v3 =	vld.idx.msk [tilespmem:v3+s19+$0x0], $0xffff  }
0x416: {  	v43 =	vld [tilespmem:$0x1FE90];
	v2 =	vmul.f32 $5.000000000e-01, v2;
	_ =	sdelay $0x1  }
0x417: {  	v44 =	vld [tilespmem:$0x1FEA0];
	v2 =	vadd.f32 v42, v2;
	_ =	sdelay $0x1  }
0x418: {  	v2 =	vadd.f32 v3, v2;
	v3 =	vld [tilespmem:$0x1FEB0];
	_ =	sdelay $0x1  }
0x419: {  	v45 =	vld [tilespmem:$0x1FEC0]  }
0x41a: {  	v48 =	vld [tilespmem:$0x1FED0]  }
0x41b: {  	v5 =	vld.idx.msk [tilespmem:v43+s19+$0x0], $0xffff;
	_ =	sdelay $0x1  }
0x41c: {  	v4 =	vld.idx.msk [tilespmem:v44+s19+$0x0], $0xffff;
	_ =	sdelay $0x1  }
0x41d: {  	v3 =	vld.idx.msk [tilespmem:v3+s19+$0x0], $0xffff  }
0x41e: {  	v2 =	vadd.f32 v5, v2  }
0x41f: {  	v46 =	vand.u32 $0x1FF8, v13;
	v5 =	vld.idx.msk [tilespmem:v45+s19+$0x0], $0xffff  }
0x420: {  	v47 =	vor.u32 v1, v46;
	v2 =	vadd.f32 v4, v2  }
0x421: {  	v6 =	vld.idx.msk [tilespmem:v48+s19+$0x0], $0xffff  }
0x422: {  	v2 =	vadd.f32 v3, v2  }
0x423: {  	v3 =	vld.idx.msk [tilespmem:v8+s19+$0x0], $0xffff  }
0x424: {  	v2 =	vadd.f32 v5, v2  }
0x425: {  	v4 =	vld.idx.msk [tilespmem:v47+s19+$0x0], $0xffff  }
0x426: {  	v2 =	vadd.f32 v6, v2  }
0x427: {  	v49 =	vld.idx.msk [tilespmem:v10+s19+$0x0], $0xffff  }
0x428: {  	v2 =	vadd.f32 v3, v2  }
0x429: {  	v3 =	vld.idx.msk [tilespmem:v11+s19+$0x0], $0xffff  }
0x42a: {  	v2 =	vadd.f32 v4, v2  }
0x42b: {  	v50 =	vld.idx.msk [tilespmem:v12+s19+$0x0], $0xffff  }
0x42c: {  	v2 =	vadd.f32 v49, v2  }
0x42d: {  	v51 =	vld.idx.msk [tilespmem:v14+s19+$0x0], $0xffff  }
0x42e: {  	v2 =	vadd.f32 v3, v2  }
0x42f: {  	v52 =	vand.u32 $0x1FF8, v18;
	v3 =	vld.idx.msk [tilespmem:v15+s19+$0x0], $0xffff  }
0x430: {  	v53 =	vor.u32 v1, v52;
	v2 =	vadd.f32 v50, v2  }
0x431: {  	v54 =	vld.idx.msk [tilespmem:v16+s19+$0x0], $0xffff  }
0x432: {  	v2 =	vadd.f32 v51, v2  }
0x433: {  	v55 =	vld.idx.msk [tilespmem:v17+s19+$0x0], $0xffff  }
0x434: {  	v2 =	vadd.f32 v3, v2  }
0x435: {  	v3 =	vld.idx.msk [tilespmem:v53+s19+$0x0], $0xffff  }
0x436: {  	v2 =	vadd.f32 v54, v2  }
0x437: {  	v56 =	vld.idx.msk [tilespmem:v19+s19+$0x0], $0xffff  }
0x438: {  	v2 =	vadd.f32 v55, v2  }
0x439: {  	v57 =	vld.idx.msk [tilespmem:v20+s19+$0x0], $0xffff  }
0x43a: {  	v2 =	vadd.f32 v3, v2  }
0x43b: {  	v3 =	vld.idx.msk [tilespmem:v21+s19+$0x0], $0xffff  }
0x43c: {  	v2 =	vadd.f32 v56, v2  }
0x43d: {  	v58 =	vld.idx.msk [tilespmem:v23+s19+$0x0], $0xffff  }
0x43e: {  	v2 =	vadd.f32 v57, v2  }
0x43f: {  	v60 =	vand.u32 $0x1FF8, v27;
	v59 =	vld.idx.msk [tilespmem:v24+s19+$0x0], $0xffff  }
0x440: {  	v2 =	vadd.f32 v3, v2;
	v3 =	vor.u32 v1, v60  }
0x441: {  	v61 =	vld.idx.msk [tilespmem:v25+s19+$0x0], $0xffff  }
0x442: {  	v2 =	vadd.f32 v58, v2  }
0x443: {  	v62 =	vld.idx.msk [tilespmem:v26+s19+$0x0], $0xffff  }
0x444: {  	v2 =	vadd.f32 v59, v2  }
0x445: {  	v3 =	vld.idx.msk [tilespmem:v3+s19+$0x0], $0xffff  }
0x446: {  	v2 =	vadd.f32 v61, v2  }
0x447: {  	v63 =	vld.idx.msk [tilespmem:v28+s19+$0x0], $0xffff  }
0x448: {  	v2 =	vadd.f32 v62, v2;
	_ =	sdelay $0x1  }
0x449: {  	v2 =	vadd.f32 v3, v2;
	_ =	sdelay $0x1  }
0x44a: {  	v2 =	vadd.f32 v63, v2;
	_ =	sdelay $0x1  }
0x44b: {  	v2 =	vsub.f32 $0.0e+00, v2;
	_ =	sdelay $0x1  }
0x44c: {  	v2 =	vmul.f32 $1.442695020e+00, v2;
	_ =	sdelay $0x1  }
0x44d: {  	(erf) = vpow2.f32 v2;
	_ =	sdelay $0x8  }
0x44e: {  	v2 =	vpop (erf)  }
0x44f: {  	v2 =	vadd.f32 $1.000000000e+00, v2;
	_ =	sdelay $0x1  }
0x450: {  	(erf) = vrcp.f32 v2;
	_ =	sdelay $0x3  }
0x451: {  	s31 =	sshll.u32 s23, $0x4;
	s23 =	sadd.s32 $0x1, s23  }
0x452: {  	p0 =	sne.s32 s23, $0x8  }
.Ltmp15:
0x453: {  	_ = 	snop;
	(pc) =	sbr.rel @p0 .LBB2_30-.Ltmp15, $3  }
0x454: {  	_ =	sdelay $0x1  }
0x455: {  	s24 =	sand.u32 $0x3FFFFFF0, s31;
	v2 =	vpop (erf)  }
0x456: {  	[tilespmem:s24+$0xEA00] =	vst v2  }
0x457: {  	s21 =	sadd.s32 $0x1, s21  }
0x458: {  	p0 =	sne.s32 s21, s13  }
.Ltmp16:
0x459: {  	[bflag:$0x0] =	sbarrier.arrive $0xFFFF;
	(pc) =	sbr.rel @p0 .LBB2_1-.Ltmp16, $4  }
0x45a: {  	[hbm4b:s12+s2] =	stream.linear.scatter [tilespmem:s20], [sflag:$0x3], $0x80, $0x38;
	[tilespmem:$0xEA80] =	vst v63  }
0x45b: {  	_ =	swait.ge [sflag:s14], $0x80  }
0x45c: {  	[sflag:s14] =	ssyncset.done $0x0  }
0x45d: {  	[sflag:s14] =	ssyncadd.s32 $0xFFFFFF80  }
0x45e: {  	_ =	sfence.sel $0x180000  }
0x45f: {  	[bflag:$0x0] =	sbarrier.arrive $0xFFFF  }
0x460: {  	p0 =	sne.s32 s1, $0x0;
	_ =	strace $0x90000047  }
0x461: {  	s0 =	sadd.s32 @!p0 $0x100000, s0;
	[bflag:$0x2] =	sbarrier.arrive $0xFFFF  }
0x462: {  	[sflag:s0] =	ssyncadd.tile.s32 @!p0 $0x1;
	_ =	shalt  }
.Lfunc_end2:
_tile_overlayer_lowered:
.L_overlay_start_2:
0x463: {  	(tag) =	ssettag $0x2  }
0x464: {  	s0 =	rddreg [dreg:$0x0];
	s2 =	stileid.u32  }
0x465: {  	s1 =	rddreg [dreg:$0x1];
	p0 =	sne.s32 s2, $0x0  }
0x466: {  	s3 =	rddreg [dreg:$0x2];
	[bflag:$0x3] =	sbarrier.arrive $0xFFFF;
	s2 =	simm.s32 @!p0 $0x1C03  }
0x467: {  	[timem:s3], [sflag:s2] =	dma.local @!p0 [hbm:s0], s1  }
0x468: {  	s0 =	simm.s32 @!p0 $0x3  }
0x469: {  	_ =	swait.ge @!p0 [sflag:s0], s1  }
0x46a: {  	s1 =	ssub.s32 @!p0 $0x0, s1;
	[sflag:s0] =	ssyncset.done @!p0 $0x0  }
0x46b: {  	[sflag:s0] =	ssyncadd.s32 @!p0 s1  }
0x46c: {  	[bflag:$0x3] =	sbarrier.arrive $0xFFFF  }
0x46d: {  	_ =	shalt  }

</sc_bundles>
